<compile_context>
chip_gen: v7x
topology: tpu7x:2x2x1
jax: 0.10.2.dev20260603
libtpu: 0.0.44.dev20260713+nightly
codegen_flags: <defaults>
</compile_context>

<pallas_src>
import functools

import jax
import jax.numpy as jnp
from jax import lax
from jax.experimental import pallas as pl
from jax.experimental.pallas import tpu as pltpu
from jax.experimental.pallas import tpu_sc as plsc

D = 64
K = 20
CH = 16
LANES = 16
NSPLIT = 4


@functools.lru_cache(maxsize=None)
def _make_sc_kernel(B, V):
    info = plsc.get_sparse_core_info()
    NC, NS = info.num_cores, info.num_subcores
    NW = NC * NS
    bpw = B // NW
    nch = bpw // CH
    npg = CH * K // NSPLIT
    orow = bpw // 8
    f32 = jnp.float32
    i32 = jnp.int32
    mesh = plsc.VectorSubcoreMesh(core_axis_name="c", subcore_axis_name="s")

    @functools.partial(
        pl.kernel,
        out_type=(
            jax.ShapeDtypeStruct((B // 8, 128), f32),
            jax.ShapeDtypeStruct((B // 8, 128), f32),
        ),
        mesh=mesh,
        scratch_types=[
            pltpu.VMEM((bpw,), i32),
            pltpu.VMEM((bpw,), i32),
            pltpu.VMEM((bpw * K,), i32),
            pltpu.VMEM((2, CH, 128), f32),
            pltpu.VMEM((2, CH, 128), f32),
            pltpu.VMEM((2, CH * K, 128), f32),
            pltpu.VMEM((orow, 128), f32),
            pltpu.VMEM((orow, 128), f32),
            pltpu.SemaphoreType.DMA,
            pltpu.SemaphoreType.DMA,
        ],
    )
    def sc_kernel(tgt_hbm, ctx_hbm, negf_hbm, tab_hbm,
                  pos_hbm, negp_hbm,
                  tgt_i, ctx_i, neg_i,
                  urows, vrows, nrows,
                  pos_pv, neg_pv,
                  rsem0, rsem1):
        wid = lax.axis_index("s") * NC + lax.axis_index("c")
        base = wid * bpw
        rsems = (rsem0, rsem1)

        pltpu.sync_copy(tgt_hbm.at[pl.ds(base, bpw)], tgt_i)
        pltpu.sync_copy(ctx_hbm.at[pl.ds(base, bpw)], ctx_i)
        pltpu.sync_copy(negf_hbm.at[pl.ds(base * K, bpw * K)], neg_i)

        def fire_rows(c, s):
            sem = rsems[s]
            cb = c * CH
            pltpu.async_copy(tab_hbm.at[tgt_i.at[pl.ds(cb, CH)]],
                             urows.at[s], sem)
            pltpu.async_copy(tab_hbm.at[ctx_i.at[pl.ds(cb, CH)]],
                             vrows.at[s], sem)
            for j in range(NSPLIT):
                pltpu.async_copy(
                    tab_hbm.at[neg_i.at[pl.ds(cb * K + j * npg, npg)]],
                    nrows.at[s, pl.ds(j * npg, npg)], sem)

        def wait_rows(s):
            sem = rsems[s]
            pltpu.make_async_copy(tab_hbm.at[pl.ds(0, CH)], urows.at[s],
                                  sem).wait()
            pltpu.make_async_copy(tab_hbm.at[pl.ds(0, CH)], vrows.at[s],
                                  sem).wait()
            for j in range(NSPLIT):
                pltpu.make_async_copy(
                    tab_hbm.at[pl.ds(0, npg)],
                    nrows.at[s, pl.ds(j * npg, npg)], sem).wait()

        def compute(c, s):
            def body(i, carry):
                row = c * CH + i
                rb = i * K
                acc = [nrows[s, rb, pl.ds(D + 16 * d, 16)]
                       for d in range(4)]
                for k in range(1, K):
                    for d in range(4):
                        acc[d] = acc[d] + nrows[s, rb + k,
                                                pl.ds(D + 16 * d, 16)]
                pv = None
                nv = None
                for d in range(4):
                    u = urows[s, i, pl.ds(16 * d, 16)]
                    v = vrows[s, i, pl.ds(D + 16 * d, 16)]
                    pv = u * v if pv is None else pv + u * v
                    nv = u * acc[d] if nv is None else nv + u * acc[d]
                r8 = row // 8
                lo = (row % 8) * LANES
                pos_pv[r8, pl.ds(lo, LANES)] = pv
                neg_pv[r8, pl.ds(lo, LANES)] = nv
                return carry

            lax.fori_loop(0, CH, body, 0)

        fire_rows(0, 0)

        def chunk_pair(cc, carry):
            c0 = cc * 2
            for t in range(2):
                c = c0 + t

                @pl.when(c + 1 < nch)
                def _():
                    fire_rows(c + 1, 1 - t)

                wait_rows(t)
                compute(c, t)
            return carry

        lax.fori_loop(0, nch // 2, chunk_pair, 0)

        pltpu.sync_copy(pos_pv, pos_hbm.at[pl.ds(wid * orow, orow)])
        pltpu.sync_copy(neg_pv, negp_hbm.at[pl.ds(wid * orow, orow)])

    return sc_kernel


def _finish_body(pos_ref, neg_ref, out_ref):
    lanes = lax.broadcasted_iota(jnp.int32, (128, 8), 0)
    segs = lax.broadcasted_iota(jnp.int32, (128, 8), 1)
    mseg = jnp.where(lanes // LANES == segs, 1.0, 0.0).astype(jnp.float32)
    p = jnp.dot(pos_ref[...], mseg)
    n = jnp.dot(neg_ref[...], mseg)
    loss = jax.nn.log_sigmoid(p) + jax.nn.log_sigmoid(-n)
    nb = pos_ref.shape[0] * 8
    total = -jnp.sum(loss) * (1.0 / nb)
    out_ref[...] = total * jnp.ones((1, 1), jnp.float32)


@jax.jit
def kernel(target, context, neg, u_emb, v_emb):
    B, Kn = neg.shape
    V, Dn = u_emb.shape
    assert Kn == K and Dn == D
    tgt = target.astype(jnp.int32)
    ctx = context.astype(jnp.int32)
    negf = neg.astype(jnp.int32).reshape(B * K)
    tab = jnp.concatenate([u_emb, v_emb], axis=1)
    pos_pv, neg_pv = _make_sc_kernel(B, V)(tgt, ctx, negf, tab)
    out = pl.pallas_call(
        _finish_body,
        out_shape=jax.ShapeDtypeStruct((1, 1), jnp.float32),
    )(pos_pv, neg_pv)
    return out[0, 0]

# --- scband reference (transcript-rebuilt; emitter-appended) ---
"""Pipeline reference for scband-skipgram-5128190951827 (READ-ONLY COPY).

The authoritative reference and input builder live on the scoring server;
editing this copy changes nothing except your own understanding.
"""

import jax, jax.numpy as jnp
import numpy as np

VOCAB = 1000000
EMB = 64
B = 16384
K_NEG = 20

def setup_inputs(seed: int = 0) -> dict:
    key = jax.random.key(seed)
    k1, k2, k3, k4, k5 = jax.random.split(key, 5)
    target = jax.random.randint(k1, (B,), 0, VOCAB, dtype=jnp.int64) if jax.config.read('jax_enable_x64') else jax.random.randint(k1, (B,), 0, VOCAB).astype(jnp.int32)
    context = jax.random.randint(k2, (B,), 0, VOCAB).astype(target.dtype)
    neg = jax.random.randint(k3, (B, K_NEG), 0, VOCAB).astype(target.dtype)
    init_range = 0.5 / EMB
    u_emb = jax.random.uniform(k4, (VOCAB, EMB), dtype=jnp.float32, minval=-init_range, maxval=init_range)
    # NOTE: original inits v_embedding to zeros; use small random values so the
    # computation is numerically non-degenerate for testing.
    v_emb = jax.random.uniform(k5, (VOCAB, EMB), dtype=jnp.float32, minval=-init_range, maxval=init_range)
    return {"target": target, "context": context, "neg": neg, "u_emb": u_emb, "v_emb": v_emb}

def reference(target, context, neg, u_emb, v_emb):
    v_embedd = jnp.take(u_emb, target, axis=0)          # [B, D]
    u_embedd = jnp.take(v_emb, context, axis=0)         # [B, D]
    positive = jax.nn.log_sigmoid(jnp.sum(u_embedd * v_embedd, axis=1))  # [B]
    u_hat = jnp.take(v_emb, neg, axis=0)                # [B, K, D]
    negative_ = jnp.sum(v_embedd[:, None, :] * u_hat, axis=2)  # [B, K]
    negative = jax.nn.log_sigmoid(-jnp.sum(negative_, axis=1))  # [B]
    loss = positive + negative
    return -jnp.mean(loss)

if __name__ == "__main__":
    import jax
    _d = setup_inputs()
    print(jax.jit(kernel)(*tuple(_d.values())))

</pallas_src>

<mosaic_0001>
#map = affine_map<(d0, d1) -> (0)>
#map1 = affine_map<(d0, d1) -> (0, 0)>
module attributes {stable_mosaic.version = 14 : i64} {
  func.func @sc_kernel(%arg0: i32, %arg1: i32, %arg2: memref<16384xi32, #tpu.memory_space<hbm>>, %arg3: memref<16384xi32, #tpu.memory_space<hbm>>, %arg4: memref<327680xi32, #tpu.memory_space<hbm>>, %arg5: memref<1000000x128xf32, #tpu.memory_space<hbm>>, %arg6: memref<2048x128xf32, #tpu.memory_space<hbm>>, %arg7: memref<2048x128xf32, #tpu.memory_space<hbm>>, %arg8: memref<512xi32, #tpu.memory_space<vmem>>, %arg9: memref<512xi32, #tpu.memory_space<vmem>>, %arg10: memref<10240xi32, #tpu.memory_space<vmem>>, %arg11: memref<2x16x128xf32, #tpu.memory_space<vmem>>, %arg12: memref<2x16x128xf32, #tpu.memory_space<vmem>>, %arg13: memref<2x320x128xf32, #tpu.memory_space<vmem>>, %arg14: memref<64x128xf32, #tpu.memory_space<vmem>>, %arg15: memref<64x128xf32, #tpu.memory_space<vmem>>, %arg16: memref<!tpu.dma_semaphore, #tpu.memory_space<semaphore_mem>>, %arg17: memref<!tpu.dma_semaphore, #tpu.memory_space<semaphore_mem>>) attributes {dimension_semantics = [#tpu.dimension_semantics<core_parallel>, #tpu.dimension_semantics<subcore_parallel>], iteration_bounds = array<i64: 2, 16>, scalar_prefetch = 0 : i64, scratch_operands = 10 : i64, tpu.core_type = #tpu.core_type<sc_vector_subcore>, window_params = [{transform_indices = #map}, {transform_indices = #map}, {transform_indices = #map}, {transform_indices = #map1}, {transform_indices = #map1}, {transform_indices = #map1}]} {
    %mul3A = arith.constant 2 : i32
    %mul3A_0 = arith.muli %arg1, %mul3A : i32
    %add3A = arith.addi %mul3A_0, %arg0 : i32
    %mul3A_1 = arith.constant 512 : i32
    %mul3A_2 = arith.muli %add3A, %mul3A_1 : i32
    "tpu.region"() ({
      %run_scoped3A = tpu.sem_alloc : memref<!tpu.dma_semaphore, #tpu.memory_space<semaphore_mem>>
      %dma_start3A_73 = tpu.memref_slice %arg2[%mul3A_2] : memref<16384xi32, #tpu.memory_space<hbm>> -> memref<512xi32, #tpu.memory_space<hbm>>
      %dma_start3A_74 = tpu.memref_slice %arg2[%mul3A_2] : memref<16384xi32, #tpu.memory_space<hbm>> -> memref<512xi32, #tpu.memory_space<hbm>>
      tpu.enqueue_dma source(%dma_start3A_74 : memref<512xi32, #tpu.memory_space<hbm>>) target(%arg8 : memref<512xi32, #tpu.memory_space<vmem>>) target_semaphore(%run_scoped3A : memref<!tpu.dma_semaphore, #tpu.memory_space<semaphore_mem>>)
      %dma_wait3A = tpu.memref_slice %arg2[%mul3A_2] : memref<16384xi32, #tpu.memory_space<hbm>> -> memref<512xi32, #tpu.memory_space<hbm>>
      %dma_wait3A_75 = tpu.memref_slice %arg2[%mul3A_2] : memref<16384xi32, #tpu.memory_space<hbm>> -> memref<512xi32, #tpu.memory_space<hbm>>
      tpu.wait_dma2 semaphore(%run_scoped3A : memref<!tpu.dma_semaphore, #tpu.memory_space<semaphore_mem>>) src(%dma_wait3A_75 : memref<512xi32, #tpu.memory_space<hbm>>) dst(%arg8 : memref<512xi32, #tpu.memory_space<vmem>>)
      tpu.yield
    }) : () -> ()
    "tpu.region"() ({
      %run_scoped3A = tpu.sem_alloc : memref<!tpu.dma_semaphore, #tpu.memory_space<semaphore_mem>>
      %dma_start3A_73 = tpu.memref_slice %arg3[%mul3A_2] : memref<16384xi32, #tpu.memory_space<hbm>> -> memref<512xi32, #tpu.memory_space<hbm>>
      %dma_start3A_74 = tpu.memref_slice %arg3[%mul3A_2] : memref<16384xi32, #tpu.memory_space<hbm>> -> memref<512xi32, #tpu.memory_space<hbm>>
      tpu.enqueue_dma source(%dma_start3A_74 : memref<512xi32, #tpu.memory_space<hbm>>) target(%arg9 : memref<512xi32, #tpu.memory_space<vmem>>) target_semaphore(%run_scoped3A : memref<!tpu.dma_semaphore, #tpu.memory_space<semaphore_mem>>)
      %dma_wait3A = tpu.memref_slice %arg3[%mul3A_2] : memref<16384xi32, #tpu.memory_space<hbm>> -> memref<512xi32, #tpu.memory_space<hbm>>
      %dma_wait3A_75 = tpu.memref_slice %arg3[%mul3A_2] : memref<16384xi32, #tpu.memory_space<hbm>> -> memref<512xi32, #tpu.memory_space<hbm>>
      tpu.wait_dma2 semaphore(%run_scoped3A : memref<!tpu.dma_semaphore, #tpu.memory_space<semaphore_mem>>) src(%dma_wait3A_75 : memref<512xi32, #tpu.memory_space<hbm>>) dst(%arg9 : memref<512xi32, #tpu.memory_space<vmem>>)
      tpu.yield
    }) : () -> ()
    %mul3A_3 = arith.constant 20 : i32
    %mul3A_4 = arith.muli %mul3A_2, %mul3A_3 : i32
    "tpu.region"() ({
      %run_scoped3A = tpu.sem_alloc : memref<!tpu.dma_semaphore, #tpu.memory_space<semaphore_mem>>
      %dma_start3A_73 = tpu.memref_slice %arg4[%mul3A_4] : memref<327680xi32, #tpu.memory_space<hbm>> -> memref<10240xi32, #tpu.memory_space<hbm>>
      %dma_start3A_74 = tpu.memref_slice %arg4[%mul3A_4] : memref<327680xi32, #tpu.memory_space<hbm>> -> memref<10240xi32, #tpu.memory_space<hbm>>
      tpu.enqueue_dma source(%dma_start3A_74 : memref<10240xi32, #tpu.memory_space<hbm>>) target(%arg10 : memref<10240xi32, #tpu.memory_space<vmem>>) target_semaphore(%run_scoped3A : memref<!tpu.dma_semaphore, #tpu.memory_space<semaphore_mem>>)
      %dma_wait3A = tpu.memref_slice %arg4[%mul3A_4] : memref<327680xi32, #tpu.memory_space<hbm>> -> memref<10240xi32, #tpu.memory_space<hbm>>
      %dma_wait3A_75 = tpu.memref_slice %arg4[%mul3A_4] : memref<327680xi32, #tpu.memory_space<hbm>> -> memref<10240xi32, #tpu.memory_space<hbm>>
      tpu.wait_dma2 semaphore(%run_scoped3A : memref<!tpu.dma_semaphore, #tpu.memory_space<semaphore_mem>>) src(%dma_wait3A_75 : memref<10240xi32, #tpu.memory_space<hbm>>) dst(%arg10 : memref<10240xi32, #tpu.memory_space<vmem>>)
      tpu.yield
    }) : () -> ()
    %dma_start3A = arith.constant 0 : i32
    %dma_start3A_5 = arith.constant 0 : i32
    %dma_start3A_6 = arith.constant 0 : i32
    %dma_start3A_7 = tpu.memref_slice %arg11[%dma_start3A, %dma_start3A_5, %dma_start3A_6] : memref<2x16x128xf32, #tpu.memory_space<vmem>> -> memref<1x16x128xf32, #tpu.memory_space<vmem>>
    %dma_start3A_8 = tpu.memref_squeeze %dma_start3A_7 : memref<1x16x128xf32, #tpu.memory_space<vmem>> -> memref<16x128xf32, #tpu.memory_space<vmem>>
    %dma_start3A_9 = arith.constant 0 : i32
    %dma_start3A_10 = tpu.memref_slice %arg8[%dma_start3A_9] : memref<512xi32, #tpu.memory_space<vmem>> -> memref<16xi32, #tpu.memory_space<vmem>>
    %dma_start3A_11 = arith.constant 0 : i32
    %dma_start3A_12 = arith.constant 0 : i32
    %dma_start3A_13 = tpu.memref_slice %arg5[%dma_start3A_11, %dma_start3A_12] : memref<1000000x128xf32, #tpu.memory_space<hbm>> -> memref<1000000x128xf32, #tpu.memory_space<hbm>>
    tpu.enqueue_indirect_dma source(%dma_start3A_13 : memref<1000000x128xf32, #tpu.memory_space<hbm>>) target(%dma_start3A_8 : memref<16x128xf32, #tpu.memory_space<vmem>>) offsets(%dma_start3A_10 : memref<16xi32, #tpu.memory_space<vmem>>) semaphore(%arg16 : memref<!tpu.dma_semaphore, #tpu.memory_space<semaphore_mem>>)
    %dma_start3A_14 = arith.constant 0 : i32
    %dma_start3A_15 = arith.constant 0 : i32
    %dma_start3A_16 = arith.constant 0 : i32
    %dma_start3A_17 = tpu.memref_slice %arg12[%dma_start3A_14, %dma_start3A_15, %dma_start3A_16] : memref<2x16x128xf32, #tpu.memory_space<vmem>> -> memref<1x16x128xf32, #tpu.memory_space<vmem>>
    %dma_start3A_18 = tpu.memref_squeeze %dma_start3A_17 : memref<1x16x128xf32, #tpu.memory_space<vmem>> -> memref<16x128xf32, #tpu.memory_space<vmem>>
    %dma_start3A_19 = arith.constant 0 : i32
    %dma_start3A_20 = tpu.memref_slice %arg9[%dma_start3A_19] : memref<512xi32, #tpu.memory_space<vmem>> -> memref<16xi32, #tpu.memory_space<vmem>>
    %dma_start3A_21 = arith.constant 0 : i32
    %dma_start3A_22 = arith.constant 0 : i32
    %dma_start3A_23 = tpu.memref_slice %arg5[%dma_start3A_21, %dma_start3A_22] : memref<1000000x128xf32, #tpu.memory_space<hbm>> -> memref<1000000x128xf32, #tpu.memory_space<hbm>>
    tpu.enqueue_indirect_dma source(%dma_start3A_23 : memref<1000000x128xf32, #tpu.memory_space<hbm>>) target(%dma_start3A_18 : memref<16x128xf32, #tpu.memory_space<vmem>>) offsets(%dma_start3A_20 : memref<16xi32, #tpu.memory_space<vmem>>) semaphore(%arg16 : memref<!tpu.dma_semaphore, #tpu.memory_space<semaphore_mem>>)
    %dma_start3A_24 = arith.constant 0 : i32
    %dma_start3A_25 = arith.constant 0 : i32
    %dma_start3A_26 = arith.constant 0 : i32
    %dma_start3A_27 = tpu.memref_slice %arg13[%dma_start3A_24, %dma_start3A_25, %dma_start3A_26] : memref<2x320x128xf32, #tpu.memory_space<vmem>> -> memref<1x80x128xf32, #tpu.memory_space<vmem>>
    %dma_start3A_28 = tpu.memref_squeeze %dma_start3A_27 : memref<1x80x128xf32, #tpu.memory_space<vmem>> -> memref<80x128xf32, #tpu.memory_space<vmem>>
    %dma_start3A_29 = arith.constant 0 : i32
    %dma_start3A_30 = tpu.memref_slice %arg10[%dma_start3A_29] : memref<10240xi32, #tpu.memory_space<vmem>> -> memref<80xi32, #tpu.memory_space<vmem>>
    %dma_start3A_31 = arith.constant 0 : i32
    %dma_start3A_32 = arith.constant 0 : i32
    %dma_start3A_33 = tpu.memref_slice %arg5[%dma_start3A_31, %dma_start3A_32] : memref<1000000x128xf32, #tpu.memory_space<hbm>> -> memref<1000000x128xf32, #tpu.memory_space<hbm>>
    tpu.enqueue_indirect_dma source(%dma_start3A_33 : memref<1000000x128xf32, #tpu.memory_space<hbm>>) target(%dma_start3A_28 : memref<80x128xf32, #tpu.memory_space<vmem>>) offsets(%dma_start3A_30 : memref<80xi32, #tpu.memory_space<vmem>>) semaphore(%arg16 : memref<!tpu.dma_semaphore, #tpu.memory_space<semaphore_mem>>)
    %dma_start3A_34 = arith.constant 0 : i32
    %dma_start3A_35 = arith.constant 80 : i32
    %dma_start3A_36 = arith.constant 0 : i32
    %dma_start3A_37 = tpu.memref_slice %arg13[%dma_start3A_34, %dma_start3A_35, %dma_start3A_36] : memref<2x320x128xf32, #tpu.memory_space<vmem>> -> memref<1x80x128xf32, #tpu.memory_space<vmem>>
    %dma_start3A_38 = tpu.memref_squeeze %dma_start3A_37 : memref<1x80x128xf32, #tpu.memory_space<vmem>> -> memref<80x128xf32, #tpu.memory_space<vmem>>
    %dma_start3A_39 = arith.constant 80 : i32
    %dma_start3A_40 = tpu.memref_slice %arg10[%dma_start3A_39] : memref<10240xi32, #tpu.memory_space<vmem>> -> memref<80xi32, #tpu.memory_space<vmem>>
    %dma_start3A_41 = arith.constant 0 : i32
    %dma_start3A_42 = arith.constant 0 : i32
    %dma_start3A_43 = tpu.memref_slice %arg5[%dma_start3A_41, %dma_start3A_42] : memref<1000000x128xf32, #tpu.memory_space<hbm>> -> memref<1000000x128xf32, #tpu.memory_space<hbm>>
    tpu.enqueue_indirect_dma source(%dma_start3A_43 : memref<1000000x128xf32, #tpu.memory_space<hbm>>) target(%dma_start3A_38 : memref<80x128xf32, #tpu.memory_space<vmem>>) offsets(%dma_start3A_40 : memref<80xi32, #tpu.memory_space<vmem>>) semaphore(%arg16 : memref<!tpu.dma_semaphore, #tpu.memory_space<semaphore_mem>>)
    %dma_start3A_44 = arith.constant 0 : i32
    %dma_start3A_45 = arith.constant 160 : i32
    %dma_start3A_46 = arith.constant 0 : i32
    %dma_start3A_47 = tpu.memref_slice %arg13[%dma_start3A_44, %dma_start3A_45, %dma_start3A_46] : memref<2x320x128xf32, #tpu.memory_space<vmem>> -> memref<1x80x128xf32, #tpu.memory_space<vmem>>
    %dma_start3A_48 = tpu.memref_squeeze %dma_start3A_47 : memref<1x80x128xf32, #tpu.memory_space<vmem>> -> memref<80x128xf32, #tpu.memory_space<vmem>>
    %dma_start3A_49 = arith.constant 160 : i32
    %dma_start3A_50 = tpu.memref_slice %arg10[%dma_start3A_49] : memref<10240xi32, #tpu.memory_space<vmem>> -> memref<80xi32, #tpu.memory_space<vmem>>
    %dma_start3A_51 = arith.constant 0 : i32
    %dma_start3A_52 = arith.constant 0 : i32
    %dma_start3A_53 = tpu.memref_slice %arg5[%dma_start3A_51, %dma_start3A_52] : memref<1000000x128xf32, #tpu.memory_space<hbm>> -> memref<1000000x128xf32, #tpu.memory_space<hbm>>
    tpu.enqueue_indirect_dma source(%dma_start3A_53 : memref<1000000x128xf32, #tpu.memory_space<hbm>>) target(%dma_start3A_48 : memref<80x128xf32, #tpu.memory_space<vmem>>) offsets(%dma_start3A_50 : memref<80xi32, #tpu.memory_space<vmem>>) semaphore(%arg16 : memref<!tpu.dma_semaphore, #tpu.memory_space<semaphore_mem>>)
    %dma_start3A_54 = arith.constant 0 : i32
    %dma_start3A_55 = arith.constant 240 : i32
    %dma_start3A_56 = arith.constant 0 : i32
    %dma_start3A_57 = tpu.memref_slice %arg13[%dma_start3A_54, %dma_start3A_55, %dma_start3A_56] : memref<2x320x128xf32, #tpu.memory_space<vmem>> -> memref<1x80x128xf32, #tpu.memory_space<vmem>>
    %dma_start3A_58 = tpu.memref_squeeze %dma_start3A_57 : memref<1x80x128xf32, #tpu.memory_space<vmem>> -> memref<80x128xf32, #tpu.memory_space<vmem>>
    %dma_start3A_59 = arith.constant 240 : i32
    %dma_start3A_60 = tpu.memref_slice %arg10[%dma_start3A_59] : memref<10240xi32, #tpu.memory_space<vmem>> -> memref<80xi32, #tpu.memory_space<vmem>>
    %dma_start3A_61 = arith.constant 0 : i32
    %dma_start3A_62 = arith.constant 0 : i32
    %dma_start3A_63 = tpu.memref_slice %arg5[%dma_start3A_61, %dma_start3A_62] : memref<1000000x128xf32, #tpu.memory_space<hbm>> -> memref<1000000x128xf32, #tpu.memory_space<hbm>>
    tpu.enqueue_indirect_dma source(%dma_start3A_63 : memref<1000000x128xf32, #tpu.memory_space<hbm>>) target(%dma_start3A_58 : memref<80x128xf32, #tpu.memory_space<vmem>>) offsets(%dma_start3A_60 : memref<80xi32, #tpu.memory_space<vmem>>) semaphore(%arg16 : memref<!tpu.dma_semaphore, #tpu.memory_space<semaphore_mem>>)
    %scan3A = arith.constant 0 : i32
    %scan3A_64 = arith.constant 0 : i32
    %scan3A_65 = arith.constant 16 : i32
    %scan3A_66 = arith.addi %scan3A_64, %scan3A_65 : i32
    %scan3A_67 = arith.constant 1 : i32
    scf.for %scan3A_73 = %scan3A_64 to %scan3A_66 step %scan3A_67  : i32 {
      %mul3A_74 = arith.constant 2 : i32
      %mul3A_75 = arith.muli %scan3A_73, %mul3A_74 : i32
      %add3A_76 = arith.constant 0 : i32
      %add3A_77 = arith.addi %mul3A_75, %add3A_76 : i32
      %add3A_78 = arith.constant 1 : i32
      %add3A_79 = arith.addi %add3A_77, %add3A_78 : i32
      %lt3A = arith.constant 32 : i32
      %lt3A_80 = arith.cmpi slt, %add3A_79, %lt3A : i32
      %convert_element_type3A = arith.extui %lt3A_80 : i1 to i32
      %cond3A = arith.constant 0 : i32
      %cond3A_81 = arith.cmpi ne, %convert_element_type3A, %cond3A : i32
      scf.if %cond3A_81 {
        %add3A_282 = arith.constant 1 : i32
        %add3A_283 = arith.addi %add3A_77, %add3A_282 : i32
        %mul3A_284 = arith.constant 16 : i32
        %mul3A_285 = arith.muli %add3A_283, %mul3A_284 : i32
        %dma_start3A_286 = arith.constant 1 : i32
        %dma_start3A_287 = arith.constant 0 : i32
        %dma_start3A_288 = arith.constant 0 : i32
        %dma_start3A_289 = tpu.memref_slice %arg11[%dma_start3A_286, %dma_start3A_287, %dma_start3A_288] : memref<2x16x128xf32, #tpu.memory_space<vmem>> -> memref<1x16x128xf32, #tpu.memory_space<vmem>>
        %dma_start3A_290 = tpu.memref_squeeze %dma_start3A_289 : memref<1x16x128xf32, #tpu.memory_space<vmem>> -> memref<16x128xf32, #tpu.memory_space<vmem>>
        %dma_start3A_291 = tpu.memref_slice %arg8[%mul3A_285] : memref<512xi32, #tpu.memory_space<vmem>> -> memref<16xi32, #tpu.memory_space<vmem>>
        %dma_start3A_292 = arith.constant 0 : i32
        %dma_start3A_293 = arith.constant 0 : i32
        %dma_start3A_294 = tpu.memref_slice %arg5[%dma_start3A_292, %dma_start3A_293] : memref<1000000x128xf32, #tpu.memory_space<hbm>> -> memref<1000000x128xf32, #tpu.memory_space<hbm>>
        tpu.enqueue_indirect_dma source(%dma_start3A_294 : memref<1000000x128xf32, #tpu.memory_space<hbm>>) target(%dma_start3A_290 : memref<16x128xf32, #tpu.memory_space<vmem>>) offsets(%dma_start3A_291 : memref<16xi32, #tpu.memory_space<vmem>>) semaphore(%arg17 : memref<!tpu.dma_semaphore, #tpu.memory_space<semaphore_mem>>)
        %dma_start3A_295 = arith.constant 1 : i32
        %dma_start3A_296 = arith.constant 0 : i32
        %dma_start3A_297 = arith.constant 0 : i32
        %dma_start3A_298 = tpu.memref_slice %arg12[%dma_start3A_295, %dma_start3A_296, %dma_start3A_297] : memref<2x16x128xf32, #tpu.memory_space<vmem>> -> memref<1x16x128xf32, #tpu.memory_space<vmem>>
        %dma_start3A_299 = tpu.memref_squeeze %dma_start3A_298 : memref<1x16x128xf32, #tpu.memory_space<vmem>> -> memref<16x128xf32, #tpu.memory_space<vmem>>
        %dma_start3A_300 = tpu.memref_slice %arg9[%mul3A_285] : memref<512xi32, #tpu.memory_space<vmem>> -> memref<16xi32, #tpu.memory_space<vmem>>
        %dma_start3A_301 = arith.constant 0 : i32
        %dma_start3A_302 = arith.constant 0 : i32
        %dma_start3A_303 = tpu.memref_slice %arg5[%dma_start3A_301, %dma_start3A_302] : memref<1000000x128xf32, #tpu.memory_space<hbm>> -> memref<1000000x128xf32, #tpu.memory_space<hbm>>
        tpu.enqueue_indirect_dma source(%dma_start3A_303 : memref<1000000x128xf32, #tpu.memory_space<hbm>>) target(%dma_start3A_299 : memref<16x128xf32, #tpu.memory_space<vmem>>) offsets(%dma_start3A_300 : memref<16xi32, #tpu.memory_space<vmem>>) semaphore(%arg17 : memref<!tpu.dma_semaphore, #tpu.memory_space<semaphore_mem>>)
        %mul3A_304 = arith.constant 20 : i32
        %mul3A_305 = arith.muli %mul3A_285, %mul3A_304 : i32
        %add3A_306 = arith.constant 0 : i32
        %add3A_307 = arith.addi %mul3A_305, %add3A_306 : i32
        %dma_start3A_308 = arith.constant 1 : i32
        %dma_start3A_309 = arith.constant 0 : i32
        %dma_start3A_310 = arith.constant 0 : i32
        %dma_start3A_311 = tpu.memref_slice %arg13[%dma_start3A_308, %dma_start3A_309, %dma_start3A_310] : memref<2x320x128xf32, #tpu.memory_space<vmem>> -> memref<1x80x128xf32, #tpu.memory_space<vmem>>
        %dma_start3A_312 = tpu.memref_squeeze %dma_start3A_311 : memref<1x80x128xf32, #tpu.memory_space<vmem>> -> memref<80x128xf32, #tpu.memory_space<vmem>>
        %dma_start3A_313 = tpu.memref_slice %arg10[%add3A_307] : memref<10240xi32, #tpu.memory_space<vmem>> -> memref<80xi32, #tpu.memory_space<vmem>>
        %dma_start3A_314 = arith.constant 0 : i32
        %dma_start3A_315 = arith.constant 0 : i32
        %dma_start3A_316 = tpu.memref_slice %arg5[%dma_start3A_314, %dma_start3A_315] : memref<1000000x128xf32, #tpu.memory_space<hbm>> -> memref<1000000x128xf32, #tpu.memory_space<hbm>>
        tpu.enqueue_indirect_dma source(%dma_start3A_316 : memref<1000000x128xf32, #tpu.memory_space<hbm>>) target(%dma_start3A_312 : memref<80x128xf32, #tpu.memory_space<vmem>>) offsets(%dma_start3A_313 : memref<80xi32, #tpu.memory_space<vmem>>) semaphore(%arg17 : memref<!tpu.dma_semaphore, #tpu.memory_space<semaphore_mem>>)
        %mul3A_317 = arith.constant 20 : i32
        %mul3A_318 = arith.muli %mul3A_285, %mul3A_317 : i32
        %add3A_319 = arith.constant 80 : i32
        %add3A_320 = arith.addi %mul3A_318, %add3A_319 : i32
        %dma_start3A_321 = arith.constant 1 : i32
        %dma_start3A_322 = arith.constant 80 : i32
        %dma_start3A_323 = arith.constant 0 : i32
        %dma_start3A_324 = tpu.memref_slice %arg13[%dma_start3A_321, %dma_start3A_322, %dma_start3A_323] : memref<2x320x128xf32, #tpu.memory_space<vmem>> -> memref<1x80x128xf32, #tpu.memory_space<vmem>>
        %dma_start3A_325 = tpu.memref_squeeze %dma_start3A_324 : memref<1x80x128xf32, #tpu.memory_space<vmem>> -> memref<80x128xf32, #tpu.memory_space<vmem>>
        %dma_start3A_326 = tpu.memref_slice %arg10[%add3A_320] : memref<10240xi32, #tpu.memory_space<vmem>> -> memref<80xi32, #tpu.memory_space<vmem>>
        %dma_start3A_327 = arith.constant 0 : i32
        %dma_start3A_328 = arith.constant 0 : i32
        %dma_start3A_329 = tpu.memref_slice %arg5[%dma_start3A_327, %dma_start3A_328] : memref<1000000x128xf32, #tpu.memory_space<hbm>> -> memref<1000000x128xf32, #tpu.memory_space<hbm>>
        tpu.enqueue_indirect_dma source(%dma_start3A_329 : memref<1000000x128xf32, #tpu.memory_space<hbm>>) target(%dma_start3A_325 : memref<80x128xf32, #tpu.memory_space<vmem>>) offsets(%dma_start3A_326 : memref<80xi32, #tpu.memory_space<vmem>>) semaphore(%arg17 : memref<!tpu.dma_semaphore, #tpu.memory_space<semaphore_mem>>)
        %mul3A_330 = arith.constant 20 : i32
        %mul3A_331 = arith.muli %mul3A_285, %mul3A_330 : i32
        %add3A_332 = arith.constant 160 : i32
        %add3A_333 = arith.addi %mul3A_331, %add3A_332 : i32
        %dma_start3A_334 = arith.constant 1 : i32
        %dma_start3A_335 = arith.constant 160 : i32
        %dma_start3A_336 = arith.constant 0 : i32
        %dma_start3A_337 = tpu.memref_slice %arg13[%dma_start3A_334, %dma_start3A_335, %dma_start3A_336] : memref<2x320x128xf32, #tpu.memory_space<vmem>> -> memref<1x80x128xf32, #tpu.memory_space<vmem>>
        %dma_start3A_338 = tpu.memref_squeeze %dma_start3A_337 : memref<1x80x128xf32, #tpu.memory_space<vmem>> -> memref<80x128xf32, #tpu.memory_space<vmem>>
        %dma_start3A_339 = tpu.memref_slice %arg10[%add3A_333] : memref<10240xi32, #tpu.memory_space<vmem>> -> memref<80xi32, #tpu.memory_space<vmem>>
        %dma_start3A_340 = arith.constant 0 : i32
        %dma_start3A_341 = arith.constant 0 : i32
        %dma_start3A_342 = tpu.memref_slice %arg5[%dma_start3A_340, %dma_start3A_341] : memref<1000000x128xf32, #tpu.memory_space<hbm>> -> memref<1000000x128xf32, #tpu.memory_space<hbm>>
        tpu.enqueue_indirect_dma source(%dma_start3A_342 : memref<1000000x128xf32, #tpu.memory_space<hbm>>) target(%dma_start3A_338 : memref<80x128xf32, #tpu.memory_space<vmem>>) offsets(%dma_start3A_339 : memref<80xi32, #tpu.memory_space<vmem>>) semaphore(%arg17 : memref<!tpu.dma_semaphore, #tpu.memory_space<semaphore_mem>>)
        %mul3A_343 = arith.constant 20 : i32
        %mul3A_344 = arith.muli %mul3A_285, %mul3A_343 : i32
        %add3A_345 = arith.constant 240 : i32
        %add3A_346 = arith.addi %mul3A_344, %add3A_345 : i32
        %dma_start3A_347 = arith.constant 1 : i32
        %dma_start3A_348 = arith.constant 240 : i32
        %dma_start3A_349 = arith.constant 0 : i32
        %dma_start3A_350 = tpu.memref_slice %arg13[%dma_start3A_347, %dma_start3A_348, %dma_start3A_349] : memref<2x320x128xf32, #tpu.memory_space<vmem>> -> memref<1x80x128xf32, #tpu.memory_space<vmem>>
        %dma_start3A_351 = tpu.memref_squeeze %dma_start3A_350 : memref<1x80x128xf32, #tpu.memory_space<vmem>> -> memref<80x128xf32, #tpu.memory_space<vmem>>
        %dma_start3A_352 = tpu.memref_slice %arg10[%add3A_346] : memref<10240xi32, #tpu.memory_space<vmem>> -> memref<80xi32, #tpu.memory_space<vmem>>
        %dma_start3A_353 = arith.constant 0 : i32
        %dma_start3A_354 = arith.constant 0 : i32
        %dma_start3A_355 = tpu.memref_slice %arg5[%dma_start3A_353, %dma_start3A_354] : memref<1000000x128xf32, #tpu.memory_space<hbm>> -> memref<1000000x128xf32, #tpu.memory_space<hbm>>
        tpu.enqueue_indirect_dma source(%dma_start3A_355 : memref<1000000x128xf32, #tpu.memory_space<hbm>>) target(%dma_start3A_351 : memref<80x128xf32, #tpu.memory_space<vmem>>) offsets(%dma_start3A_352 : memref<80xi32, #tpu.memory_space<vmem>>) semaphore(%arg17 : memref<!tpu.dma_semaphore, #tpu.memory_space<semaphore_mem>>)
      } else {
      }
      %dma_wait3A = arith.constant 0 : i32
      %dma_wait3A_82 = arith.constant 0 : i32
      %dma_wait3A_83 = arith.constant 0 : i32
      %dma_wait3A_84 = tpu.memref_slice %arg11[%dma_wait3A, %dma_wait3A_82, %dma_wait3A_83] : memref<2x16x128xf32, #tpu.memory_space<vmem>> -> memref<1x16x128xf32, #tpu.memory_space<vmem>>
      %dma_wait3A_85 = tpu.memref_squeeze %dma_wait3A_84 : memref<1x16x128xf32, #tpu.memory_space<vmem>> -> memref<16x128xf32, #tpu.memory_space<vmem>>
      %dma_wait3A_86 = arith.constant 0 : i32
      %dma_wait3A_87 = arith.constant 0 : i32
      %dma_wait3A_88 = tpu.memref_slice %arg5[%dma_wait3A_86, %dma_wait3A_87] : memref<1000000x128xf32, #tpu.memory_space<hbm>> -> memref<16x128xf32, #tpu.memory_space<hbm>>
      %dma_wait3A_89 = arith.constant 0 : i32
      %dma_wait3A_90 = arith.constant 0 : i32
      %dma_wait3A_91 = tpu.memref_slice %arg11[%dma_wait3A, %dma_wait3A_89, %dma_wait3A_90] : memref<2x16x128xf32, #tpu.memory_space<vmem>> -> memref<1x16x128xf32, #tpu.memory_space<vmem>>
      %dma_wait3A_92 = tpu.memref_squeeze %dma_wait3A_91 : memref<1x16x128xf32, #tpu.memory_space<vmem>> -> memref<16x128xf32, #tpu.memory_space<vmem>>
      %dma_wait3A_93 = arith.constant 0 : i32
      %dma_wait3A_94 = arith.constant 0 : i32
      %dma_wait3A_95 = tpu.memref_slice %arg5[%dma_wait3A_93, %dma_wait3A_94] : memref<1000000x128xf32, #tpu.memory_space<hbm>> -> memref<16x128xf32, #tpu.memory_space<hbm>>
      tpu.wait_dma2 semaphore(%arg16 : memref<!tpu.dma_semaphore, #tpu.memory_space<semaphore_mem>>) src(%dma_wait3A_95 : memref<16x128xf32, #tpu.memory_space<hbm>>) dst(%dma_wait3A_92 : memref<16x128xf32, #tpu.memory_space<vmem>>)
      %dma_wait3A_96 = arith.constant 0 : i32
      %dma_wait3A_97 = arith.constant 0 : i32
      %dma_wait3A_98 = arith.constant 0 : i32
      %dma_wait3A_99 = tpu.memref_slice %arg12[%dma_wait3A_96, %dma_wait3A_97, %dma_wait3A_98] : memref<2x16x128xf32, #tpu.memory_space<vmem>> -> memref<1x16x128xf32, #tpu.memory_space<vmem>>
      %dma_wait3A_100 = tpu.memref_squeeze %dma_wait3A_99 : memref<1x16x128xf32, #tpu.memory_space<vmem>> -> memref<16x128xf32, #tpu.memory_space<vmem>>
      %dma_wait3A_101 = arith.constant 0 : i32
      %dma_wait3A_102 = arith.constant 0 : i32
      %dma_wait3A_103 = tpu.memref_slice %arg5[%dma_wait3A_101, %dma_wait3A_102] : memref<1000000x128xf32, #tpu.memory_space<hbm>> -> memref<16x128xf32, #tpu.memory_space<hbm>>
      %dma_wait3A_104 = arith.constant 0 : i32
      %dma_wait3A_105 = arith.constant 0 : i32
      %dma_wait3A_106 = tpu.memref_slice %arg12[%dma_wait3A_96, %dma_wait3A_104, %dma_wait3A_105] : memref<2x16x128xf32, #tpu.memory_space<vmem>> -> memref<1x16x128xf32, #tpu.memory_space<vmem>>
      %dma_wait3A_107 = tpu.memref_squeeze %dma_wait3A_106 : memref<1x16x128xf32, #tpu.memory_space<vmem>> -> memref<16x128xf32, #tpu.memory_space<vmem>>
      %dma_wait3A_108 = arith.constant 0 : i32
      %dma_wait3A_109 = arith.constant 0 : i32
      %dma_wait3A_110 = tpu.memref_slice %arg5[%dma_wait3A_108, %dma_wait3A_109] : memref<1000000x128xf32, #tpu.memory_space<hbm>> -> memref<16x128xf32, #tpu.memory_space<hbm>>
      tpu.wait_dma2 semaphore(%arg16 : memref<!tpu.dma_semaphore, #tpu.memory_space<semaphore_mem>>) src(%dma_wait3A_110 : memref<16x128xf32, #tpu.memory_space<hbm>>) dst(%dma_wait3A_107 : memref<16x128xf32, #tpu.memory_space<vmem>>)
      %dma_wait3A_111 = arith.constant 0 : i32
      %dma_wait3A_112 = arith.constant 0 : i32
      %dma_wait3A_113 = arith.constant 0 : i32
      %dma_wait3A_114 = tpu.memref_slice %arg13[%dma_wait3A_111, %dma_wait3A_112, %dma_wait3A_113] : memref<2x320x128xf32, #tpu.memory_space<vmem>> -> memref<1x80x128xf32, #tpu.memory_space<vmem>>
      %dma_wait3A_115 = tpu.memref_squeeze %dma_wait3A_114 : memref<1x80x128xf32, #tpu.memory_space<vmem>> -> memref<80x128xf32, #tpu.memory_space<vmem>>
      %dma_wait3A_116 = arith.constant 0 : i32
      %dma_wait3A_117 = arith.constant 0 : i32
      %dma_wait3A_118 = tpu.memref_slice %arg5[%dma_wait3A_116, %dma_wait3A_117] : memref<1000000x128xf32, #tpu.memory_space<hbm>> -> memref<80x128xf32, #tpu.memory_space<hbm>>
      %dma_wait3A_119 = arith.constant 0 : i32
      %dma_wait3A_120 = arith.constant 0 : i32
      %dma_wait3A_121 = tpu.memref_slice %arg13[%dma_wait3A_111, %dma_wait3A_119, %dma_wait3A_120] : memref<2x320x128xf32, #tpu.memory_space<vmem>> -> memref<1x80x128xf32, #tpu.memory_space<vmem>>
      %dma_wait3A_122 = tpu.memref_squeeze %dma_wait3A_121 : memref<1x80x128xf32, #tpu.memory_space<vmem>> -> memref<80x128xf32, #tpu.memory_space<vmem>>
      %dma_wait3A_123 = arith.constant 0 : i32
      %dma_wait3A_124 = arith.constant 0 : i32
      %dma_wait3A_125 = tpu.memref_slice %arg5[%dma_wait3A_123, %dma_wait3A_124] : memref<1000000x128xf32, #tpu.memory_space<hbm>> -> memref<80x128xf32, #tpu.memory_space<hbm>>
      tpu.wait_dma2 semaphore(%arg16 : memref<!tpu.dma_semaphore, #tpu.memory_space<semaphore_mem>>) src(%dma_wait3A_125 : memref<80x128xf32, #tpu.memory_space<hbm>>) dst(%dma_wait3A_122 : memref<80x128xf32, #tpu.memory_space<vmem>>)
      %dma_wait3A_126 = arith.constant 0 : i32
      %dma_wait3A_127 = arith.constant 80 : i32
      %dma_wait3A_128 = arith.constant 0 : i32
      %dma_wait3A_129 = tpu.memref_slice %arg13[%dma_wait3A_126, %dma_wait3A_127, %dma_wait3A_128] : memref<2x320x128xf32, #tpu.memory_space<vmem>> -> memref<1x80x128xf32, #tpu.memory_space<vmem>>
      %dma_wait3A_130 = tpu.memref_squeeze %dma_wait3A_129 : memref<1x80x128xf32, #tpu.memory_space<vmem>> -> memref<80x128xf32, #tpu.memory_space<vmem>>
      %dma_wait3A_131 = arith.constant 0 : i32
      %dma_wait3A_132 = arith.constant 0 : i32
      %dma_wait3A_133 = tpu.memref_slice %arg5[%dma_wait3A_131, %dma_wait3A_132] : memref<1000000x128xf32, #tpu.memory_space<hbm>> -> memref<80x128xf32, #tpu.memory_space<hbm>>
      %dma_wait3A_134 = arith.constant 80 : i32
      %dma_wait3A_135 = arith.constant 0 : i32
      %dma_wait3A_136 = tpu.memref_slice %arg13[%dma_wait3A_126, %dma_wait3A_134, %dma_wait3A_135] : memref<2x320x128xf32, #tpu.memory_space<vmem>> -> memref<1x80x128xf32, #tpu.memory_space<vmem>>
      %dma_wait3A_137 = tpu.memref_squeeze %dma_wait3A_136 : memref<1x80x128xf32, #tpu.memory_space<vmem>> -> memref<80x128xf32, #tpu.memory_space<vmem>>
      %dma_wait3A_138 = arith.constant 0 : i32
      %dma_wait3A_139 = arith.constant 0 : i32
      %dma_wait3A_140 = tpu.memref_slice %arg5[%dma_wait3A_138, %dma_wait3A_139] : memref<1000000x128xf32, #tpu.memory_space<hbm>> -> memref<80x128xf32, #tpu.memory_space<hbm>>
      tpu.wait_dma2 semaphore(%arg16 : memref<!tpu.dma_semaphore, #tpu.memory_space<semaphore_mem>>) src(%dma_wait3A_140 : memref<80x128xf32, #tpu.memory_space<hbm>>) dst(%dma_wait3A_137 : memref<80x128xf32, #tpu.memory_space<vmem>>)
      %dma_wait3A_141 = arith.constant 0 : i32
      %dma_wait3A_142 = arith.constant 160 : i32
      %dma_wait3A_143 = arith.constant 0 : i32
      %dma_wait3A_144 = tpu.memref_slice %arg13[%dma_wait3A_141, %dma_wait3A_142, %dma_wait3A_143] : memref<2x320x128xf32, #tpu.memory_space<vmem>> -> memref<1x80x128xf32, #tpu.memory_space<vmem>>
      %dma_wait3A_145 = tpu.memref_squeeze %dma_wait3A_144 : memref<1x80x128xf32, #tpu.memory_space<vmem>> -> memref<80x128xf32, #tpu.memory_space<vmem>>
      %dma_wait3A_146 = arith.constant 0 : i32
      %dma_wait3A_147 = arith.constant 0 : i32
      %dma_wait3A_148 = tpu.memref_slice %arg5[%dma_wait3A_146, %dma_wait3A_147] : memref<1000000x128xf32, #tpu.memory_space<hbm>> -> memref<80x128xf32, #tpu.memory_space<hbm>>
      %dma_wait3A_149 = arith.constant 160 : i32
      %dma_wait3A_150 = arith.constant 0 : i32
      %dma_wait3A_151 = tpu.memref_slice %arg13[%dma_wait3A_141, %dma_wait3A_149, %dma_wait3A_150] : memref<2x320x128xf32, #tpu.memory_space<vmem>> -> memref<1x80x128xf32, #tpu.memory_space<vmem>>
      %dma_wait3A_152 = tpu.memref_squeeze %dma_wait3A_151 : memref<1x80x128xf32, #tpu.memory_space<vmem>> -> memref<80x128xf32, #tpu.memory_space<vmem>>
      %dma_wait3A_153 = arith.constant 0 : i32
      %dma_wait3A_154 = arith.constant 0 : i32
      %dma_wait3A_155 = tpu.memref_slice %arg5[%dma_wait3A_153, %dma_wait3A_154] : memref<1000000x128xf32, #tpu.memory_space<hbm>> -> memref<80x128xf32, #tpu.memory_space<hbm>>
      tpu.wait_dma2 semaphore(%arg16 : memref<!tpu.dma_semaphore, #tpu.memory_space<semaphore_mem>>) src(%dma_wait3A_155 : memref<80x128xf32, #tpu.memory_space<hbm>>) dst(%dma_wait3A_152 : memref<80x128xf32, #tpu.memory_space<vmem>>)
      %dma_wait3A_156 = arith.constant 0 : i32
      %dma_wait3A_157 = arith.constant 240 : i32
      %dma_wait3A_158 = arith.constant 0 : i32
      %dma_wait3A_159 = tpu.memref_slice %arg13[%dma_wait3A_156, %dma_wait3A_157, %dma_wait3A_158] : memref<2x320x128xf32, #tpu.memory_space<vmem>> -> memref<1x80x128xf32, #tpu.memory_space<vmem>>
      %dma_wait3A_160 = tpu.memref_squeeze %dma_wait3A_159 : memref<1x80x128xf32, #tpu.memory_space<vmem>> -> memref<80x128xf32, #tpu.memory_space<vmem>>
      %dma_wait3A_161 = arith.constant 0 : i32
      %dma_wait3A_162 = arith.constant 0 : i32
      %dma_wait3A_163 = tpu.memref_slice %arg5[%dma_wait3A_161, %dma_wait3A_162] : memref<1000000x128xf32, #tpu.memory_space<hbm>> -> memref<80x128xf32, #tpu.memory_space<hbm>>
      %dma_wait3A_164 = arith.constant 240 : i32
      %dma_wait3A_165 = arith.constant 0 : i32
      %dma_wait3A_166 = tpu.memref_slice %arg13[%dma_wait3A_156, %dma_wait3A_164, %dma_wait3A_165] : memref<2x320x128xf32, #tpu.memory_space<vmem>> -> memref<1x80x128xf32, #tpu.memory_space<vmem>>
      %dma_wait3A_167 = tpu.memref_squeeze %dma_wait3A_166 : memref<1x80x128xf32, #tpu.memory_space<vmem>> -> memref<80x128xf32, #tpu.memory_space<vmem>>
      %dma_wait3A_168 = arith.constant 0 : i32
      %dma_wait3A_169 = arith.constant 0 : i32
      %dma_wait3A_170 = tpu.memref_slice %arg5[%dma_wait3A_168, %dma_wait3A_169] : memref<1000000x128xf32, #tpu.memory_space<hbm>> -> memref<80x128xf32, #tpu.memory_space<hbm>>
      tpu.wait_dma2 semaphore(%arg16 : memref<!tpu.dma_semaphore, #tpu.memory_space<semaphore_mem>>) src(%dma_wait3A_170 : memref<80x128xf32, #tpu.memory_space<hbm>>) dst(%dma_wait3A_167 : memref<80x128xf32, #tpu.memory_space<vmem>>)
      %scan3A_171 = arith.constant 0 : i32
      %scan3A_172 = arith.constant 0 : i32
      %scan3A_173 = arith.constant 16 : i32
      %scan3A_174 = arith.addi %scan3A_172, %scan3A_173 : i32
      %scan3A_175 = arith.constant 1 : i32
      scf.for %scan3A_282 = %scan3A_172 to %scan3A_174 step %scan3A_175  : i32 {
        %mul3A_283 = arith.constant 16 : i32
        %mul3A_284 = arith.muli %add3A_77, %mul3A_283 : i32
        %add3A_285 = arith.addi %mul3A_284, %scan3A_282 : i32
        %mul3A_286 = arith.constant 20 : i32
        %mul3A_287 = arith.muli %scan3A_282, %mul3A_286 : i32
        %get3A = arith.constant 0 : i32
        %get3A_288 = arith.index_cast %get3A : i32 to index
        %get3A_289 = arith.index_cast %mul3A_287 : i32 to index
        %get3A_290 = arith.constant 64 : index
        %get3A_291 = tpu.vector_load %arg13[%get3A_288, %get3A_289, %get3A_290] {strides = array<i32>} : memref<2x320x128xf32, #tpu.memory_space<vmem>>, vector<1x1x16xf32>,
        %get3A_292 = vector.shape_cast %get3A_291 : vector<1x1x16xf32> to vector<16xf32>
        %get3A_293 = arith.constant 0 : i32
        %get3A_294 = arith.index_cast %get3A_293 : i32 to index
        %get3A_295 = arith.index_cast %mul3A_287 : i32 to index
        %get3A_296 = arith.constant 80 : index
        %get3A_297 = tpu.vector_load %arg13[%get3A_294, %get3A_295, %get3A_296] {strides = array<i32>} : memref<2x320x128xf32, #tpu.memory_space<vmem>>, vector<1x1x16xf32>,
        %get3A_298 = vector.shape_cast %get3A_297 : vector<1x1x16xf32> to vector<16xf32>
        %get3A_299 = arith.constant 0 : i32
        %get3A_300 = arith.index_cast %get3A_299 : i32 to index
        %get3A_301 = arith.index_cast %mul3A_287 : i32 to index
        %get3A_302 = arith.constant 96 : index
        %get3A_303 = tpu.vector_load %arg13[%get3A_300, %get3A_301, %get3A_302] {strides = array<i32>} : memref<2x320x128xf32, #tpu.memory_space<vmem>>, vector<1x1x16xf32>,
        %get3A_304 = vector.shape_cast %get3A_303 : vector<1x1x16xf32> to vector<16xf32>
        %get3A_305 = arith.constant 0 : i32
        %get3A_306 = arith.index_cast %get3A_305 : i32 to index
        %get3A_307 = arith.index_cast %mul3A_287 : i32 to index
        %get3A_308 = arith.constant 112 : index
        %get3A_309 = tpu.vector_load %arg13[%get3A_306, %get3A_307, %get3A_308] {strides = array<i32>} : memref<2x320x128xf32, #tpu.memory_space<vmem>>, vector<1x1x16xf32>,
        %get3A_310 = vector.shape_cast %get3A_309 : vector<1x1x16xf32> to vector<16xf32>
        %add3A_311 = arith.constant 1 : i32
        %add3A_312 = arith.addi %mul3A_287, %add3A_311 : i32
        %get3A_313 = arith.constant 0 : i32
        %get3A_314 = arith.index_cast %get3A_313 : i32 to index
        %get3A_315 = arith.index_cast %add3A_312 : i32 to index
        %get3A_316 = arith.constant 64 : index
        %get3A_317 = tpu.vector_load %arg13[%get3A_314, %get3A_315, %get3A_316] {strides = array<i32>} : memref<2x320x128xf32, #tpu.memory_space<vmem>>, vector<1x1x16xf32>,
        %get3A_318 = vector.shape_cast %get3A_317 : vector<1x1x16xf32> to vector<16xf32>
        %add3A_319 = arith.addf %get3A_292, %get3A_318 : vector<16xf32>
        %add3A_320 = arith.constant 1 : i32
        %add3A_321 = arith.addi %mul3A_287, %add3A_320 : i32
        %get3A_322 = arith.constant 0 : i32
        %get3A_323 = arith.index_cast %get3A_322 : i32 to index
        %get3A_324 = arith.index_cast %add3A_321 : i32 to index
        %get3A_325 = arith.constant 80 : index
        %get3A_326 = tpu.vector_load %arg13[%get3A_323, %get3A_324, %get3A_325] {strides = array<i32>} : memref<2x320x128xf32, #tpu.memory_space<vmem>>, vector<1x1x16xf32>,
        %get3A_327 = vector.shape_cast %get3A_326 : vector<1x1x16xf32> to vector<16xf32>
        %add3A_328 = arith.addf %get3A_298, %get3A_327 : vector<16xf32>
        %add3A_329 = arith.constant 1 : i32
        %add3A_330 = arith.addi %mul3A_287, %add3A_329 : i32
        %get3A_331 = arith.constant 0 : i32
        %get3A_332 = arith.index_cast %get3A_331 : i32 to index
        %get3A_333 = arith.index_cast %add3A_330 : i32 to index
        %get3A_334 = arith.constant 96 : index
        %get3A_335 = tpu.vector_load %arg13[%get3A_332, %get3A_333, %get3A_334] {strides = array<i32>} : memref<2x320x128xf32, #tpu.memory_space<vmem>>, vector<1x1x16xf32>,
        %get3A_336 = vector.shape_cast %get3A_335 : vector<1x1x16xf32> to vector<16xf32>
        %add3A_337 = arith.addf %get3A_304, %get3A_336 : vector<16xf32>
        %add3A_338 = arith.constant 1 : i32
        %add3A_339 = arith.addi %mul3A_287, %add3A_338 : i32
        %get3A_340 = arith.constant 0 : i32
        %get3A_341 = arith.index_cast %get3A_340 : i32 to index
        %get3A_342 = arith.index_cast %add3A_339 : i32 to index
        %get3A_343 = arith.constant 112 : index
        %get3A_344 = tpu.vector_load %arg13[%get3A_341, %get3A_342, %get3A_343] {strides = array<i32>} : memref<2x320x128xf32, #tpu.memory_space<vmem>>, vector<1x1x16xf32>,
        %get3A_345 = vector.shape_cast %get3A_344 : vector<1x1x16xf32> to vector<16xf32>
        %add3A_346 = arith.addf %get3A_310, %get3A_345 : vector<16xf32>
        %add3A_347 = arith.constant 2 : i32
        %add3A_348 = arith.addi %mul3A_287, %add3A_347 : i32
        %get3A_349 = arith.constant 0 : i32
        %get3A_350 = arith.index_cast %get3A_349 : i32 to index
        %get3A_351 = arith.index_cast %add3A_348 : i32 to index
        %get3A_352 = arith.constant 64 : index
        %get3A_353 = tpu.vector_load %arg13[%get3A_350, %get3A_351, %get3A_352] {strides = array<i32>} : memref<2x320x128xf32, #tpu.memory_space<vmem>>, vector<1x1x16xf32>,
        %get3A_354 = vector.shape_cast %get3A_353 : vector<1x1x16xf32> to vector<16xf32>
        %add3A_355 = arith.addf %add3A_319, %get3A_354 : vector<16xf32>
        %add3A_356 = arith.constant 2 : i32
        %add3A_357 = arith.addi %mul3A_287, %add3A_356 : i32
        %get3A_358 = arith.constant 0 : i32
        %get3A_359 = arith.index_cast %get3A_358 : i32 to index
        %get3A_360 = arith.index_cast %add3A_357 : i32 to index
        %get3A_361 = arith.constant 80 : index
        %get3A_362 = tpu.vector_load %arg13[%get3A_359, %get3A_360, %get3A_361] {strides = array<i32>} : memref<2x320x128xf32, #tpu.memory_space<vmem>>, vector<1x1x16xf32>,
        %get3A_363 = vector.shape_cast %get3A_362 : vector<1x1x16xf32> to vector<16xf32>
        %add3A_364 = arith.addf %add3A_328, %get3A_363 : vector<16xf32>
        %add3A_365 = arith.constant 2 : i32
        %add3A_366 = arith.addi %mul3A_287, %add3A_365 : i32
        %get3A_367 = arith.constant 0 : i32
        %get3A_368 = arith.index_cast %get3A_367 : i32 to index
        %get3A_369 = arith.index_cast %add3A_366 : i32 to index
        %get3A_370 = arith.constant 96 : index
        %get3A_371 = tpu.vector_load %arg13[%get3A_368, %get3A_369, %get3A_370] {strides = array<i32>} : memref<2x320x128xf32, #tpu.memory_space<vmem>>, vector<1x1x16xf32>,
        %get3A_372 = vector.shape_cast %get3A_371 : vector<1x1x16xf32> to vector<16xf32>
        %add3A_373 = arith.addf %add3A_337, %get3A_372 : vector<16xf32>
        %add3A_374 = arith.constant 2 : i32
        %add3A_375 = arith.addi %mul3A_287, %add3A_374 : i32
        %get3A_376 = arith.constant 0 : i32
        %get3A_377 = arith.index_cast %get3A_376 : i32 to index
        %get3A_378 = arith.index_cast %add3A_375 : i32 to index
        %get3A_379 = arith.constant 112 : index
        %get3A_380 = tpu.vector_load %arg13[%get3A_377, %get3A_378, %get3A_379] {strides = array<i32>} : memref<2x320x128xf32, #tpu.memory_space<vmem>>, vector<1x1x16xf32>,
        %get3A_381 = vector.shape_cast %get3A_380 : vector<1x1x16xf32> to vector<16xf32>
        %add3A_382 = arith.addf %add3A_346, %get3A_381 : vector<16xf32>
        %add3A_383 = arith.constant 3 : i32
        %add3A_384 = arith.addi %mul3A_287, %add3A_383 : i32
        %get3A_385 = arith.constant 0 : i32
        %get3A_386 = arith.index_cast %get3A_385 : i32 to index
        %get3A_387 = arith.index_cast %add3A_384 : i32 to index
        %get3A_388 = arith.constant 64 : index
        %get3A_389 = tpu.vector_load %arg13[%get3A_386, %get3A_387, %get3A_388] {strides = array<i32>} : memref<2x320x128xf32, #tpu.memory_space<vmem>>, vector<1x1x16xf32>,
        %get3A_390 = vector.shape_cast %get3A_389 : vector<1x1x16xf32> to vector<16xf32>
        %add3A_391 = arith.addf %add3A_355, %get3A_390 : vector<16xf32>
        %add3A_392 = arith.constant 3 : i32
        %add3A_393 = arith.addi %mul3A_287, %add3A_392 : i32
        %get3A_394 = arith.constant 0 : i32
        %get3A_395 = arith.index_cast %get3A_394 : i32 to index
        %get3A_396 = arith.index_cast %add3A_393 : i32 to index
        %get3A_397 = arith.constant 80 : index
        %get3A_398 = tpu.vector_load %arg13[%get3A_395, %get3A_396, %get3A_397] {strides = array<i32>} : memref<2x320x128xf32, #tpu.memory_space<vmem>>, vector<1x1x16xf32>,
        %get3A_399 = vector.shape_cast %get3A_398 : vector<1x1x16xf32> to vector<16xf32>
        %add3A_400 = arith.addf %add3A_364, %get3A_399 : vector<16xf32>
        %add3A_401 = arith.constant 3 : i32
        %add3A_402 = arith.addi %mul3A_287, %add3A_401 : i32
        %get3A_403 = arith.constant 0 : i32
        %get3A_404 = arith.index_cast %get3A_403 : i32 to index
        %get3A_405 = arith.index_cast %add3A_402 : i32 to index
        %get3A_406 = arith.constant 96 : index
        %get3A_407 = tpu.vector_load %arg13[%get3A_404, %get3A_405, %get3A_406] {strides = array<i32>} : memref<2x320x128xf32, #tpu.memory_space<vmem>>, vector<1x1x16xf32>,
        %get3A_408 = vector.shape_cast %get3A_407 : vector<1x1x16xf32> to vector<16xf32>
        %add3A_409 = arith.addf %add3A_373, %get3A_408 : vector<16xf32>
        %add3A_410 = arith.constant 3 : i32
        %add3A_411 = arith.addi %mul3A_287, %add3A_410 : i32
        %get3A_412 = arith.constant 0 : i32
        %get3A_413 = arith.index_cast %get3A_412 : i32 to index
        %get3A_414 = arith.index_cast %add3A_411 : i32 to index
        %get3A_415 = arith.constant 112 : index
        %get3A_416 = tpu.vector_load %arg13[%get3A_413, %get3A_414, %get3A_415] {strides = array<i32>} : memref<2x320x128xf32, #tpu.memory_space<vmem>>, vector<1x1x16xf32>,
        %get3A_417 = vector.shape_cast %get3A_416 : vector<1x1x16xf32> to vector<16xf32>
        %add3A_418 = arith.addf %add3A_382, %get3A_417 : vector<16xf32>
        %add3A_419 = arith.constant 4 : i32
        %add3A_420 = arith.addi %mul3A_287, %add3A_419 : i32
        %get3A_421 = arith.constant 0 : i32
        %get3A_422 = arith.index_cast %get3A_421 : i32 to index
        %get3A_423 = arith.index_cast %add3A_420 : i32 to index
        %get3A_424 = arith.constant 64 : index
        %get3A_425 = tpu.vector_load %arg13[%get3A_422, %get3A_423, %get3A_424] {strides = array<i32>} : memref<2x320x128xf32, #tpu.memory_space<vmem>>, vector<1x1x16xf32>,
        %get3A_426 = vector.shape_cast %get3A_425 : vector<1x1x16xf32> to vector<16xf32>
        %add3A_427 = arith.addf %add3A_391, %get3A_426 : vector<16xf32>
        %add3A_428 = arith.constant 4 : i32
        %add3A_429 = arith.addi %mul3A_287, %add3A_428 : i32
        %get3A_430 = arith.constant 0 : i32
        %get3A_431 = arith.index_cast %get3A_430 : i32 to index
        %get3A_432 = arith.index_cast %add3A_429 : i32 to index
        %get3A_433 = arith.constant 80 : index
        %get3A_434 = tpu.vector_load %arg13[%get3A_431, %get3A_432, %get3A_433] {strides = array<i32>} : memref<2x320x128xf32, #tpu.memory_space<vmem>>, vector<1x1x16xf32>,
        %get3A_435 = vector.shape_cast %get3A_434 : vector<1x1x16xf32> to vector<16xf32>
        %add3A_436 = arith.addf %add3A_400, %get3A_435 : vector<16xf32>
        %add3A_437 = arith.constant 4 : i32
        %add3A_438 = arith.addi %mul3A_287, %add3A_437 : i32
        %get3A_439 = arith.constant 0 : i32
        %get3A_440 = arith.index_cast %get3A_439 : i32 to index
        %get3A_441 = arith.index_cast %add3A_438 : i32 to index
        %get3A_442 = arith.constant 96 : index
        %get3A_443 = tpu.vector_load %arg13[%get3A_440, %get3A_441, %get3A_442] {strides = array<i32>} : memref<2x320x128xf32, #tpu.memory_space<vmem>>, vector<1x1x16xf32>,
        %get3A_444 = vector.shape_cast %get3A_443 : vector<1x1x16xf32> to vector<16xf32>
        %add3A_445 = arith.addf %add3A_409, %get3A_444 : vector<16xf32>
        %add3A_446 = arith.constant 4 : i32
        %add3A_447 = arith.addi %mul3A_287, %add3A_446 : i32
        %get3A_448 = arith.constant 0 : i32
        %get3A_449 = arith.index_cast %get3A_448 : i32 to index
        %get3A_450 = arith.index_cast %add3A_447 : i32 to index
        %get3A_451 = arith.constant 112 : index
        %get3A_452 = tpu.vector_load %arg13[%get3A_449, %get3A_450, %get3A_451] {strides = array<i32>} : memref<2x320x128xf32, #tpu.memory_space<vmem>>, vector<1x1x16xf32>,
        %get3A_453 = vector.shape_cast %get3A_452 : vector<1x1x16xf32> to vector<16xf32>
        %add3A_454 = arith.addf %add3A_418, %get3A_453 : vector<16xf32>
        %add3A_455 = arith.constant 5 : i32
        %add3A_456 = arith.addi %mul3A_287, %add3A_455 : i32
        %get3A_457 = arith.constant 0 : i32
        %get3A_458 = arith.index_cast %get3A_457 : i32 to index
        %get3A_459 = arith.index_cast %add3A_456 : i32 to index
        %get3A_460 = arith.constant 64 : index
        %get3A_461 = tpu.vector_load %arg13[%get3A_458, %get3A_459, %get3A_460] {strides = array<i32>} : memref<2x320x128xf32, #tpu.memory_space<vmem>>, vector<1x1x16xf32>,
        %get3A_462 = vector.shape_cast %get3A_461 : vector<1x1x16xf32> to vector<16xf32>
        %add3A_463 = arith.addf %add3A_427, %get3A_462 : vector<16xf32>
        %add3A_464 = arith.constant 5 : i32
        %add3A_465 = arith.addi %mul3A_287, %add3A_464 : i32
        %get3A_466 = arith.constant 0 : i32
        %get3A_467 = arith.index_cast %get3A_466 : i32 to index
        %get3A_468 = arith.index_cast %add3A_465 : i32 to index
        %get3A_469 = arith.constant 80 : index
        %get3A_470 = tpu.vector_load %arg13[%get3A_467, %get3A_468, %get3A_469] {strides = array<i32>} : memref<2x320x128xf32, #tpu.memory_space<vmem>>, vector<1x1x16xf32>,
        %get3A_471 = vector.shape_cast %get3A_470 : vector<1x1x16xf32> to vector<16xf32>
        %add3A_472 = arith.addf %add3A_436, %get3A_471 : vector<16xf32>
        %add3A_473 = arith.constant 5 : i32
        %add3A_474 = arith.addi %mul3A_287, %add3A_473 : i32
        %get3A_475 = arith.constant 0 : i32
        %get3A_476 = arith.index_cast %get3A_475 : i32 to index
        %get3A_477 = arith.index_cast %add3A_474 : i32 to index
        %get3A_478 = arith.constant 96 : index
        %get3A_479 = tpu.vector_load %arg13[%get3A_476, %get3A_477, %get3A_478] {strides = array<i32>} : memref<2x320x128xf32, #tpu.memory_space<vmem>>, vector<1x1x16xf32>,
        %get3A_480 = vector.shape_cast %get3A_479 : vector<1x1x16xf32> to vector<16xf32>
        %add3A_481 = arith.addf %add3A_445, %get3A_480 : vector<16xf32>
        %add3A_482 = arith.constant 5 : i32
        %add3A_483 = arith.addi %mul3A_287, %add3A_482 : i32
        %get3A_484 = arith.constant 0 : i32
        %get3A_485 = arith.index_cast %get3A_484 : i32 to index
        %get3A_486 = arith.index_cast %add3A_483 : i32 to index
        %get3A_487 = arith.constant 112 : index
        %get3A_488 = tpu.vector_load %arg13[%get3A_485, %get3A_486, %get3A_487] {strides = array<i32>} : memref<2x320x128xf32, #tpu.memory_space<vmem>>, vector<1x1x16xf32>,
        %get3A_489 = vector.shape_cast %get3A_488 : vector<1x1x16xf32> to vector<16xf32>
        %add3A_490 = arith.addf %add3A_454, %get3A_489 : vector<16xf32>
        %add3A_491 = arith.constant 6 : i32
        %add3A_492 = arith.addi %mul3A_287, %add3A_491 : i32
        %get3A_493 = arith.constant 0 : i32
        %get3A_494 = arith.index_cast %get3A_493 : i32 to index
        %get3A_495 = arith.index_cast %add3A_492 : i32 to index
        %get3A_496 = arith.constant 64 : index
        %get3A_497 = tpu.vector_load %arg13[%get3A_494, %get3A_495, %get3A_496] {strides = array<i32>} : memref<2x320x128xf32, #tpu.memory_space<vmem>>, vector<1x1x16xf32>,
        %get3A_498 = vector.shape_cast %get3A_497 : vector<1x1x16xf32> to vector<16xf32>
        %add3A_499 = arith.addf %add3A_463, %get3A_498 : vector<16xf32>
        %add3A_500 = arith.constant 6 : i32
        %add3A_501 = arith.addi %mul3A_287, %add3A_500 : i32
        %get3A_502 = arith.constant 0 : i32
        %get3A_503 = arith.index_cast %get3A_502 : i32 to index
        %get3A_504 = arith.index_cast %add3A_501 : i32 to index
        %get3A_505 = arith.constant 80 : index
        %get3A_506 = tpu.vector_load %arg13[%get3A_503, %get3A_504, %get3A_505] {strides = array<i32>} : memref<2x320x128xf32, #tpu.memory_space<vmem>>, vector<1x1x16xf32>,
        %get3A_507 = vector.shape_cast %get3A_506 : vector<1x1x16xf32> to vector<16xf32>
        %add3A_508 = arith.addf %add3A_472, %get3A_507 : vector<16xf32>
        %add3A_509 = arith.constant 6 : i32
        %add3A_510 = arith.addi %mul3A_287, %add3A_509 : i32
        %get3A_511 = arith.constant 0 : i32
        %get3A_512 = arith.index_cast %get3A_511 : i32 to index
        %get3A_513 = arith.index_cast %add3A_510 : i32 to index
        %get3A_514 = arith.constant 96 : index
        %get3A_515 = tpu.vector_load %arg13[%get3A_512, %get3A_513, %get3A_514] {strides = array<i32>} : memref<2x320x128xf32, #tpu.memory_space<vmem>>, vector<1x1x16xf32>,
        %get3A_516 = vector.shape_cast %get3A_515 : vector<1x1x16xf32> to vector<16xf32>
        %add3A_517 = arith.addf %add3A_481, %get3A_516 : vector<16xf32>
        %add3A_518 = arith.constant 6 : i32
        %add3A_519 = arith.addi %mul3A_287, %add3A_518 : i32
        %get3A_520 = arith.constant 0 : i32
        %get3A_521 = arith.index_cast %get3A_520 : i32 to index
        %get3A_522 = arith.index_cast %add3A_519 : i32 to index
        %get3A_523 = arith.constant 112 : index
        %get3A_524 = tpu.vector_load %arg13[%get3A_521, %get3A_522, %get3A_523] {strides = array<i32>} : memref<2x320x128xf32, #tpu.memory_space<vmem>>, vector<1x1x16xf32>,
        %get3A_525 = vector.shape_cast %get3A_524 : vector<1x1x16xf32> to vector<16xf32>
        %add3A_526 = arith.addf %add3A_490, %get3A_525 : vector<16xf32>
        %add3A_527 = arith.constant 7 : i32
        %add3A_528 = arith.addi %mul3A_287, %add3A_527 : i32
        %get3A_529 = arith.constant 0 : i32
        %get3A_530 = arith.index_cast %get3A_529 : i32 to index
        %get3A_531 = arith.index_cast %add3A_528 : i32 to index
        %get3A_532 = arith.constant 64 : index
        %get3A_533 = tpu.vector_load %arg13[%get3A_530, %get3A_531, %get3A_532] {strides = array<i32>} : memref<2x320x128xf32, #tpu.memory_space<vmem>>, vector<1x1x16xf32>,
        %get3A_534 = vector.shape_cast %get3A_533 : vector<1x1x16xf32> to vector<16xf32>
        %add3A_535 = arith.addf %add3A_499, %get3A_534 : vector<16xf32>
        %add3A_536 = arith.constant 7 : i32
        %add3A_537 = arith.addi %mul3A_287, %add3A_536 : i32
        %get3A_538 = arith.constant 0 : i32
        %get3A_539 = arith.index_cast %get3A_538 : i32 to index
        %get3A_540 = arith.index_cast %add3A_537 : i32 to index
        %get3A_541 = arith.constant 80 : index
        %get3A_542 = tpu.vector_load %arg13[%get3A_539, %get3A_540, %get3A_541] {strides = array<i32>} : memref<2x320x128xf32, #tpu.memory_space<vmem>>, vector<1x1x16xf32>,
        %get3A_543 = vector.shape_cast %get3A_542 : vector<1x1x16xf32> to vector<16xf32>
        %add3A_544 = arith.addf %add3A_508, %get3A_543 : vector<16xf32>
        %add3A_545 = arith.constant 7 : i32
        %add3A_546 = arith.addi %mul3A_287, %add3A_545 : i32
        %get3A_547 = arith.constant 0 : i32
        %get3A_548 = arith.index_cast %get3A_547 : i32 to index
        %get3A_549 = arith.index_cast %add3A_546 : i32 to index
        %get3A_550 = arith.constant 96 : index
        %get3A_551 = tpu.vector_load %arg13[%get3A_548, %get3A_549, %get3A_550] {strides = array<i32>} : memref<2x320x128xf32, #tpu.memory_space<vmem>>, vector<1x1x16xf32>,
        %get3A_552 = vector.shape_cast %get3A_551 : vector<1x1x16xf32> to vector<16xf32>
        %add3A_553 = arith.addf %add3A_517, %get3A_552 : vector<16xf32>
        %add3A_554 = arith.constant 7 : i32
        %add3A_555 = arith.addi %mul3A_287, %add3A_554 : i32
        %get3A_556 = arith.constant 0 : i32
        %get3A_557 = arith.index_cast %get3A_556 : i32 to index
        %get3A_558 = arith.index_cast %add3A_555 : i32 to index
        %get3A_559 = arith.constant 112 : index
        %get3A_560 = tpu.vector_load %arg13[%get3A_557, %get3A_558, %get3A_559] {strides = array<i32>} : memref<2x320x128xf32, #tpu.memory_space<vmem>>, vector<1x1x16xf32>,
        %get3A_561 = vector.shape_cast %get3A_560 : vector<1x1x16xf32> to vector<16xf32>
        %add3A_562 = arith.addf %add3A_526, %get3A_561 : vector<16xf32>
        %add3A_563 = arith.constant 8 : i32
        %add3A_564 = arith.addi %mul3A_287, %add3A_563 : i32
        %get3A_565 = arith.constant 0 : i32
        %get3A_566 = arith.index_cast %get3A_565 : i32 to index
        %get3A_567 = arith.index_cast %add3A_564 : i32 to index
        %get3A_568 = arith.constant 64 : index
        %get3A_569 = tpu.vector_load %arg13[%get3A_566, %get3A_567, %get3A_568] {strides = array<i32>} : memref<2x320x128xf32, #tpu.memory_space<vmem>>, vector<1x1x16xf32>,
        %get3A_570 = vector.shape_cast %get3A_569 : vector<1x1x16xf32> to vector<16xf32>
        %add3A_571 = arith.addf %add3A_535, %get3A_570 : vector<16xf32>
        %add3A_572 = arith.constant 8 : i32
        %add3A_573 = arith.addi %mul3A_287, %add3A_572 : i32
        %get3A_574 = arith.constant 0 : i32
        %get3A_575 = arith.index_cast %get3A_574 : i32 to index
        %get3A_576 = arith.index_cast %add3A_573 : i32 to index
        %get3A_577 = arith.constant 80 : index
        %get3A_578 = tpu.vector_load %arg13[%get3A_575, %get3A_576, %get3A_577] {strides = array<i32>} : memref<2x320x128xf32, #tpu.memory_space<vmem>>, vector<1x1x16xf32>,
        %get3A_579 = vector.shape_cast %get3A_578 : vector<1x1x16xf32> to vector<16xf32>
        %add3A_580 = arith.addf %add3A_544, %get3A_579 : vector<16xf32>
        %add3A_581 = arith.constant 8 : i32
        %add3A_582 = arith.addi %mul3A_287, %add3A_581 : i32
        %get3A_583 = arith.constant 0 : i32
        %get3A_584 = arith.index_cast %get3A_583 : i32 to index
        %get3A_585 = arith.index_cast %add3A_582 : i32 to index
        %get3A_586 = arith.constant 96 : index
        %get3A_587 = tpu.vector_load %arg13[%get3A_584, %get3A_585, %get3A_586] {strides = array<i32>} : memref<2x320x128xf32, #tpu.memory_space<vmem>>, vector<1x1x16xf32>,
        %get3A_588 = vector.shape_cast %get3A_587 : vector<1x1x16xf32> to vector<16xf32>
        %add3A_589 = arith.addf %add3A_553, %get3A_588 : vector<16xf32>
        %add3A_590 = arith.constant 8 : i32
        %add3A_591 = arith.addi %mul3A_287, %add3A_590 : i32
        %get3A_592 = arith.constant 0 : i32
        %get3A_593 = arith.index_cast %get3A_592 : i32 to index
        %get3A_594 = arith.index_cast %add3A_591 : i32 to index
        %get3A_595 = arith.constant 112 : index
        %get3A_596 = tpu.vector_load %arg13[%get3A_593, %get3A_594, %get3A_595] {strides = array<i32>} : memref<2x320x128xf32, #tpu.memory_space<vmem>>, vector<1x1x16xf32>,
        %get3A_597 = vector.shape_cast %get3A_596 : vector<1x1x16xf32> to vector<16xf32>
        %add3A_598 = arith.addf %add3A_562, %get3A_597 : vector<16xf32>
        %add3A_599 = arith.constant 9 : i32
        %add3A_600 = arith.addi %mul3A_287, %add3A_599 : i32
        %get3A_601 = arith.constant 0 : i32
        %get3A_602 = arith.index_cast %get3A_601 : i32 to index
        %get3A_603 = arith.index_cast %add3A_600 : i32 to index
        %get3A_604 = arith.constant 64 : index
        %get3A_605 = tpu.vector_load %arg13[%get3A_602, %get3A_603, %get3A_604] {strides = array<i32>} : memref<2x320x128xf32, #tpu.memory_space<vmem>>, vector<1x1x16xf32>,
        %get3A_606 = vector.shape_cast %get3A_605 : vector<1x1x16xf32> to vector<16xf32>
        %add3A_607 = arith.addf %add3A_571, %get3A_606 : vector<16xf32>
        %add3A_608 = arith.constant 9 : i32
        %add3A_609 = arith.addi %mul3A_287, %add3A_608 : i32
        %get3A_610 = arith.constant 0 : i32
        %get3A_611 = arith.index_cast %get3A_610 : i32 to index
        %get3A_612 = arith.index_cast %add3A_609 : i32 to index
        %get3A_613 = arith.constant 80 : index
        %get3A_614 = tpu.vector_load %arg13[%get3A_611, %get3A_612, %get3A_613] {strides = array<i32>} : memref<2x320x128xf32, #tpu.memory_space<vmem>>, vector<1x1x16xf32>,
        %get3A_615 = vector.shape_cast %get3A_614 : vector<1x1x16xf32> to vector<16xf32>
        %add3A_616 = arith.addf %add3A_580, %get3A_615 : vector<16xf32>
        %add3A_617 = arith.constant 9 : i32
        %add3A_618 = arith.addi %mul3A_287, %add3A_617 : i32
        %get3A_619 = arith.constant 0 : i32
        %get3A_620 = arith.index_cast %get3A_619 : i32 to index
        %get3A_621 = arith.index_cast %add3A_618 : i32 to index
        %get3A_622 = arith.constant 96 : index
        %get3A_623 = tpu.vector_load %arg13[%get3A_620, %get3A_621, %get3A_622] {strides = array<i32>} : memref<2x320x128xf32, #tpu.memory_space<vmem>>, vector<1x1x16xf32>,
        %get3A_624 = vector.shape_cast %get3A_623 : vector<1x1x16xf32> to vector<16xf32>
        %add3A_625 = arith.addf %add3A_589, %get3A_624 : vector<16xf32>
        %add3A_626 = arith.constant 9 : i32
        %add3A_627 = arith.addi %mul3A_287, %add3A_626 : i32
        %get3A_628 = arith.constant 0 : i32
        %get3A_629 = arith.index_cast %get3A_628 : i32 to index
        %get3A_630 = arith.index_cast %add3A_627 : i32 to index
        %get3A_631 = arith.constant 112 : index
        %get3A_632 = tpu.vector_load %arg13[%get3A_629, %get3A_630, %get3A_631] {strides = array<i32>} : memref<2x320x128xf32, #tpu.memory_space<vmem>>, vector<1x1x16xf32>,
        %get3A_633 = vector.shape_cast %get3A_632 : vector<1x1x16xf32> to vector<16xf32>
        %add3A_634 = arith.addf %add3A_598, %get3A_633 : vector<16xf32>
        %add3A_635 = arith.constant 10 : i32
        %add3A_636 = arith.addi %mul3A_287, %add3A_635 : i32
        %get3A_637 = arith.constant 0 : i32
        %get3A_638 = arith.index_cast %get3A_637 : i32 to index
        %get3A_639 = arith.index_cast %add3A_636 : i32 to index
        %get3A_640 = arith.constant 64 : index
        %get3A_641 = tpu.vector_load %arg13[%get3A_638, %get3A_639, %get3A_640] {strides = array<i32>} : memref<2x320x128xf32, #tpu.memory_space<vmem>>, vector<1x1x16xf32>,
        %get3A_642 = vector.shape_cast %get3A_641 : vector<1x1x16xf32> to vector<16xf32>
        %add3A_643 = arith.addf %add3A_607, %get3A_642 : vector<16xf32>
        %add3A_644 = arith.constant 10 : i32
        %add3A_645 = arith.addi %mul3A_287, %add3A_644 : i32
        %get3A_646 = arith.constant 0 : i32
        %get3A_647 = arith.index_cast %get3A_646 : i32 to index
        %get3A_648 = arith.index_cast %add3A_645 : i32 to index
        %get3A_649 = arith.constant 80 : index
        %get3A_650 = tpu.vector_load %arg13[%get3A_647, %get3A_648, %get3A_649] {strides = array<i32>} : memref<2x320x128xf32, #tpu.memory_space<vmem>>, vector<1x1x16xf32>,
        %get3A_651 = vector.shape_cast %get3A_650 : vector<1x1x16xf32> to vector<16xf32>
        %add3A_652 = arith.addf %add3A_616, %get3A_651 : vector<16xf32>
        %add3A_653 = arith.constant 10 : i32
        %add3A_654 = arith.addi %mul3A_287, %add3A_653 : i32
        %get3A_655 = arith.constant 0 : i32
        %get3A_656 = arith.index_cast %get3A_655 : i32 to index
        %get3A_657 = arith.index_cast %add3A_654 : i32 to index
        %get3A_658 = arith.constant 96 : index
        %get3A_659 = tpu.vector_load %arg13[%get3A_656, %get3A_657, %get3A_658] {strides = array<i32>} : memref<2x320x128xf32, #tpu.memory_space<vmem>>, vector<1x1x16xf32>,
        %get3A_660 = vector.shape_cast %get3A_659 : vector<1x1x16xf32> to vector<16xf32>
        %add3A_661 = arith.addf %add3A_625, %get3A_660 : vector<16xf32>
        %add3A_662 = arith.constant 10 : i32
        %add3A_663 = arith.addi %mul3A_287, %add3A_662 : i32
        %get3A_664 = arith.constant 0 : i32
        %get3A_665 = arith.index_cast %get3A_664 : i32 to index
        %get3A_666 = arith.index_cast %add3A_663 : i32 to index
        %get3A_667 = arith.constant 112 : index
        %get3A_668 = tpu.vector_load %arg13[%get3A_665, %get3A_666, %get3A_667] {strides = array<i32>} : memref<2x320x128xf32, #tpu.memory_space<vmem>>, vector<1x1x16xf32>,
        %get3A_669 = vector.shape_cast %get3A_668 : vector<1x1x16xf32> to vector<16xf32>
        %add3A_670 = arith.addf %add3A_634, %get3A_669 : vector<16xf32>
        %add3A_671 = arith.constant 11 : i32
        %add3A_672 = arith.addi %mul3A_287, %add3A_671 : i32
        %get3A_673 = arith.constant 0 : i32
        %get3A_674 = arith.index_cast %get3A_673 : i32 to index
        %get3A_675 = arith.index_cast %add3A_672 : i32 to index
        %get3A_676 = arith.constant 64 : index
        %get3A_677 = tpu.vector_load %arg13[%get3A_674, %get3A_675, %get3A_676] {strides = array<i32>} : memref<2x320x128xf32, #tpu.memory_space<vmem>>, vector<1x1x16xf32>,
        %get3A_678 = vector.shape_cast %get3A_677 : vector<1x1x16xf32> to vector<16xf32>
        %add3A_679 = arith.addf %add3A_643, %get3A_678 : vector<16xf32>
        %add3A_680 = arith.constant 11 : i32
        %add3A_681 = arith.addi %mul3A_287, %add3A_680 : i32
        %get3A_682 = arith.constant 0 : i32
        %get3A_683 = arith.index_cast %get3A_682 : i32 to index
        %get3A_684 = arith.index_cast %add3A_681 : i32 to index
        %get3A_685 = arith.constant 80 : index
        %get3A_686 = tpu.vector_load %arg13[%get3A_683, %get3A_684, %get3A_685] {strides = array<i32>} : memref<2x320x128xf32, #tpu.memory_space<vmem>>, vector<1x1x16xf32>,
        %get3A_687 = vector.shape_cast %get3A_686 : vector<1x1x16xf32> to vector<16xf32>
        %add3A_688 = arith.addf %add3A_652, %get3A_687 : vector<16xf32>
        %add3A_689 = arith.constant 11 : i32
        %add3A_690 = arith.addi %mul3A_287, %add3A_689 : i32
        %get3A_691 = arith.constant 0 : i32
        %get3A_692 = arith.index_cast %get3A_691 : i32 to index
        %get3A_693 = arith.index_cast %add3A_690 : i32 to index
        %get3A_694 = arith.constant 96 : index
        %get3A_695 = tpu.vector_load %arg13[%get3A_692, %get3A_693, %get3A_694] {strides = array<i32>} : memref<2x320x128xf32, #tpu.memory_space<vmem>>, vector<1x1x16xf32>,
        %get3A_696 = vector.shape_cast %get3A_695 : vector<1x1x16xf32> to vector<16xf32>
        %add3A_697 = arith.addf %add3A_661, %get3A_696 : vector<16xf32>
        %add3A_698 = arith.constant 11 : i32
        %add3A_699 = arith.addi %mul3A_287, %add3A_698 : i32
        %get3A_700 = arith.constant 0 : i32
        %get3A_701 = arith.index_cast %get3A_700 : i32 to index
        %get3A_702 = arith.index_cast %add3A_699 : i32 to index
        %get3A_703 = arith.constant 112 : index
        %get3A_704 = tpu.vector_load %arg13[%get3A_701, %get3A_702, %get3A_703] {strides = array<i32>} : memref<2x320x128xf32, #tpu.memory_space<vmem>>, vector<1x1x16xf32>,
        %get3A_705 = vector.shape_cast %get3A_704 : vector<1x1x16xf32> to vector<16xf32>
        %add3A_706 = arith.addf %add3A_670, %get3A_705 : vector<16xf32>
        %add3A_707 = arith.constant 12 : i32
        %add3A_708 = arith.addi %mul3A_287, %add3A_707 : i32
        %get3A_709 = arith.constant 0 : i32
        %get3A_710 = arith.index_cast %get3A_709 : i32 to index
        %get3A_711 = arith.index_cast %add3A_708 : i32 to index
        %get3A_712 = arith.constant 64 : index
        %get3A_713 = tpu.vector_load %arg13[%get3A_710, %get3A_711, %get3A_712] {strides = array<i32>} : memref<2x320x128xf32, #tpu.memory_space<vmem>>, vector<1x1x16xf32>,
        %get3A_714 = vector.shape_cast %get3A_713 : vector<1x1x16xf32> to vector<16xf32>
        %add3A_715 = arith.addf %add3A_679, %get3A_714 : vector<16xf32>
        %add3A_716 = arith.constant 12 : i32
        %add3A_717 = arith.addi %mul3A_287, %add3A_716 : i32
        %get3A_718 = arith.constant 0 : i32
        %get3A_719 = arith.index_cast %get3A_718 : i32 to index
        %get3A_720 = arith.index_cast %add3A_717 : i32 to index
        %get3A_721 = arith.constant 80 : index
        %get3A_722 = tpu.vector_load %arg13[%get3A_719, %get3A_720, %get3A_721] {strides = array<i32>} : memref<2x320x128xf32, #tpu.memory_space<vmem>>, vector<1x1x16xf32>,
        %get3A_723 = vector.shape_cast %get3A_722 : vector<1x1x16xf32> to vector<16xf32>
        %add3A_724 = arith.addf %add3A_688, %get3A_723 : vector<16xf32>
        %add3A_725 = arith.constant 12 : i32
        %add3A_726 = arith.addi %mul3A_287, %add3A_725 : i32
        %get3A_727 = arith.constant 0 : i32
        %get3A_728 = arith.index_cast %get3A_727 : i32 to index
        %get3A_729 = arith.index_cast %add3A_726 : i32 to index
        %get3A_730 = arith.constant 96 : index
        %get3A_731 = tpu.vector_load %arg13[%get3A_728, %get3A_729, %get3A_730] {strides = array<i32>} : memref<2x320x128xf32, #tpu.memory_space<vmem>>, vector<1x1x16xf32>,
        %get3A_732 = vector.shape_cast %get3A_731 : vector<1x1x16xf32> to vector<16xf32>
        %add3A_733 = arith.addf %add3A_697, %get3A_732 : vector<16xf32>
        %add3A_734 = arith.constant 12 : i32
        %add3A_735 = arith.addi %mul3A_287, %add3A_734 : i32
        %get3A_736 = arith.constant 0 : i32
        %get3A_737 = arith.index_cast %get3A_736 : i32 to index
        %get3A_738 = arith.index_cast %add3A_735 : i32 to index
        %get3A_739 = arith.constant 112 : index
        %get3A_740 = tpu.vector_load %arg13[%get3A_737, %get3A_738, %get3A_739] {strides = array<i32>} : memref<2x320x128xf32, #tpu.memory_space<vmem>>, vector<1x1x16xf32>,
        %get3A_741 = vector.shape_cast %get3A_740 : vector<1x1x16xf32> to vector<16xf32>
        %add3A_742 = arith.addf %add3A_706, %get3A_741 : vector<16xf32>
        %add3A_743 = arith.constant 13 : i32
        %add3A_744 = arith.addi %mul3A_287, %add3A_743 : i32
        %get3A_745 = arith.constant 0 : i32
        %get3A_746 = arith.index_cast %get3A_745 : i32 to index
        %get3A_747 = arith.index_cast %add3A_744 : i32 to index
        %get3A_748 = arith.constant 64 : index
        %get3A_749 = tpu.vector_load %arg13[%get3A_746, %get3A_747, %get3A_748] {strides = array<i32>} : memref<2x320x128xf32, #tpu.memory_space<vmem>>, vector<1x1x16xf32>,
        %get3A_750 = vector.shape_cast %get3A_749 : vector<1x1x16xf32> to vector<16xf32>
        %add3A_751 = arith.addf %add3A_715, %get3A_750 : vector<16xf32>
        %add3A_752 = arith.constant 13 : i32
        %add3A_753 = arith.addi %mul3A_287, %add3A_752 : i32
        %get3A_754 = arith.constant 0 : i32
        %get3A_755 = arith.index_cast %get3A_754 : i32 to index
        %get3A_756 = arith.index_cast %add3A_753 : i32 to index
        %get3A_757 = arith.constant 80 : index
        %get3A_758 = tpu.vector_load %arg13[%get3A_755, %get3A_756, %get3A_757] {strides = array<i32>} : memref<2x320x128xf32, #tpu.memory_space<vmem>>, vector<1x1x16xf32>,
        %get3A_759 = vector.shape_cast %get3A_758 : vector<1x1x16xf32> to vector<16xf32>
        %add3A_760 = arith.addf %add3A_724, %get3A_759 : vector<16xf32>
        %add3A_761 = arith.constant 13 : i32
        %add3A_762 = arith.addi %mul3A_287, %add3A_761 : i32
        %get3A_763 = arith.constant 0 : i32
        %get3A_764 = arith.index_cast %get3A_763 : i32 to index
        %get3A_765 = arith.index_cast %add3A_762 : i32 to index
        %get3A_766 = arith.constant 96 : index
        %get3A_767 = tpu.vector_load %arg13[%get3A_764, %get3A_765, %get3A_766] {strides = array<i32>} : memref<2x320x128xf32, #tpu.memory_space<vmem>>, vector<1x1x16xf32>,
        %get3A_768 = vector.shape_cast %get3A_767 : vector<1x1x16xf32> to vector<16xf32>
        %add3A_769 = arith.addf %add3A_733, %get3A_768 : vector<16xf32>
        %add3A_770 = arith.constant 13 : i32
        %add3A_771 = arith.addi %mul3A_287, %add3A_770 : i32
        %get3A_772 = arith.constant 0 : i32
        %get3A_773 = arith.index_cast %get3A_772 : i32 to index
        %get3A_774 = arith.index_cast %add3A_771 : i32 to index
        %get3A_775 = arith.constant 112 : index
        %get3A_776 = tpu.vector_load %arg13[%get3A_773, %get3A_774, %get3A_775] {strides = array<i32>} : memref<2x320x128xf32, #tpu.memory_space<vmem>>, vector<1x1x16xf32>,
        %get3A_777 = vector.shape_cast %get3A_776 : vector<1x1x16xf32> to vector<16xf32>
        %add3A_778 = arith.addf %add3A_742, %get3A_777 : vector<16xf32>
        %add3A_779 = arith.constant 14 : i32
        %add3A_780 = arith.addi %mul3A_287, %add3A_779 : i32
        %get3A_781 = arith.constant 0 : i32
        %get3A_782 = arith.index_cast %get3A_781 : i32 to index
        %get3A_783 = arith.index_cast %add3A_780 : i32 to index
        %get3A_784 = arith.constant 64 : index
        %get3A_785 = tpu.vector_load %arg13[%get3A_782, %get3A_783, %get3A_784] {strides = array<i32>} : memref<2x320x128xf32, #tpu.memory_space<vmem>>, vector<1x1x16xf32>,
        %get3A_786 = vector.shape_cast %get3A_785 : vector<1x1x16xf32> to vector<16xf32>
        %add3A_787 = arith.addf %add3A_751, %get3A_786 : vector<16xf32>
        %add3A_788 = arith.constant 14 : i32
        %add3A_789 = arith.addi %mul3A_287, %add3A_788 : i32
        %get3A_790 = arith.constant 0 : i32
        %get3A_791 = arith.index_cast %get3A_790 : i32 to index
        %get3A_792 = arith.index_cast %add3A_789 : i32 to index
        %get3A_793 = arith.constant 80 : index
        %get3A_794 = tpu.vector_load %arg13[%get3A_791, %get3A_792, %get3A_793] {strides = array<i32>} : memref<2x320x128xf32, #tpu.memory_space<vmem>>, vector<1x1x16xf32>,
        %get3A_795 = vector.shape_cast %get3A_794 : vector<1x1x16xf32> to vector<16xf32>
        %add3A_796 = arith.addf %add3A_760, %get3A_795 : vector<16xf32>
        %add3A_797 = arith.constant 14 : i32
        %add3A_798 = arith.addi %mul3A_287, %add3A_797 : i32
        %get3A_799 = arith.constant 0 : i32
        %get3A_800 = arith.index_cast %get3A_799 : i32 to index
        %get3A_801 = arith.index_cast %add3A_798 : i32 to index
        %get3A_802 = arith.constant 96 : index
        %get3A_803 = tpu.vector_load %arg13[%get3A_800, %get3A_801, %get3A_802] {strides = array<i32>} : memref<2x320x128xf32, #tpu.memory_space<vmem>>, vector<1x1x16xf32>,
        %get3A_804 = vector.shape_cast %get3A_803 : vector<1x1x16xf32> to vector<16xf32>
        %add3A_805 = arith.addf %add3A_769, %get3A_804 : vector<16xf32>
        %add3A_806 = arith.constant 14 : i32
        %add3A_807 = arith.addi %mul3A_287, %add3A_806 : i32
        %get3A_808 = arith.constant 0 : i32
        %get3A_809 = arith.index_cast %get3A_808 : i32 to index
        %get3A_810 = arith.index_cast %add3A_807 : i32 to index
        %get3A_811 = arith.constant 112 : index
        %get3A_812 = tpu.vector_load %arg13[%get3A_809, %get3A_810, %get3A_811] {strides = array<i32>} : memref<2x320x128xf32, #tpu.memory_space<vmem>>, vector<1x1x16xf32>,
        %get3A_813 = vector.shape_cast %get3A_812 : vector<1x1x16xf32> to vector<16xf32>
        %add3A_814 = arith.addf %add3A_778, %get3A_813 : vector<16xf32>
        %add3A_815 = arith.constant 15 : i32
        %add3A_816 = arith.addi %mul3A_287, %add3A_815 : i32
        %get3A_817 = arith.constant 0 : i32
        %get3A_818 = arith.index_cast %get3A_817 : i32 to index
        %get3A_819 = arith.index_cast %add3A_816 : i32 to index
        %get3A_820 = arith.constant 64 : index
        %get3A_821 = tpu.vector_load %arg13[%get3A_818, %get3A_819, %get3A_820] {strides = array<i32>} : memref<2x320x128xf32, #tpu.memory_space<vmem>>, vector<1x1x16xf32>,
        %get3A_822 = vector.shape_cast %get3A_821 : vector<1x1x16xf32> to vector<16xf32>
        %add3A_823 = arith.addf %add3A_787, %get3A_822 : vector<16xf32>
        %add3A_824 = arith.constant 15 : i32
        %add3A_825 = arith.addi %mul3A_287, %add3A_824 : i32
        %get3A_826 = arith.constant 0 : i32
        %get3A_827 = arith.index_cast %get3A_826 : i32 to index
        %get3A_828 = arith.index_cast %add3A_825 : i32 to index
        %get3A_829 = arith.constant 80 : index
        %get3A_830 = tpu.vector_load %arg13[%get3A_827, %get3A_828, %get3A_829] {strides = array<i32>} : memref<2x320x128xf32, #tpu.memory_space<vmem>>, vector<1x1x16xf32>,
        %get3A_831 = vector.shape_cast %get3A_830 : vector<1x1x16xf32> to vector<16xf32>
        %add3A_832 = arith.addf %add3A_796, %get3A_831 : vector<16xf32>
        %add3A_833 = arith.constant 15 : i32
        %add3A_834 = arith.addi %mul3A_287, %add3A_833 : i32
        %get3A_835 = arith.constant 0 : i32
        %get3A_836 = arith.index_cast %get3A_835 : i32 to index
        %get3A_837 = arith.index_cast %add3A_834 : i32 to index
        %get3A_838 = arith.constant 96 : index
        %get3A_839 = tpu.vector_load %arg13[%get3A_836, %get3A_837, %get3A_838] {strides = array<i32>} : memref<2x320x128xf32, #tpu.memory_space<vmem>>, vector<1x1x16xf32>,
        %get3A_840 = vector.shape_cast %get3A_839 : vector<1x1x16xf32> to vector<16xf32>
        %add3A_841 = arith.addf %add3A_805, %get3A_840 : vector<16xf32>
        %add3A_842 = arith.constant 15 : i32
        %add3A_843 = arith.addi %mul3A_287, %add3A_842 : i32
        %get3A_844 = arith.constant 0 : i32
        %get3A_845 = arith.index_cast %get3A_844 : i32 to index
        %get3A_846 = arith.index_cast %add3A_843 : i32 to index
        %get3A_847 = arith.constant 112 : index
        %get3A_848 = tpu.vector_load %arg13[%get3A_845, %get3A_846, %get3A_847] {strides = array<i32>} : memref<2x320x128xf32, #tpu.memory_space<vmem>>, vector<1x1x16xf32>,
        %get3A_849 = vector.shape_cast %get3A_848 : vector<1x1x16xf32> to vector<16xf32>
        %add3A_850 = arith.addf %add3A_814, %get3A_849 : vector<16xf32>
        %add3A_851 = arith.constant 16 : i32
        %add3A_852 = arith.addi %mul3A_287, %add3A_851 : i32
        %get3A_853 = arith.constant 0 : i32
        %get3A_854 = arith.index_cast %get3A_853 : i32 to index
        %get3A_855 = arith.index_cast %add3A_852 : i32 to index
        %get3A_856 = arith.constant 64 : index
        %get3A_857 = tpu.vector_load %arg13[%get3A_854, %get3A_855, %get3A_856] {strides = array<i32>} : memref<2x320x128xf32, #tpu.memory_space<vmem>>, vector<1x1x16xf32>,
        %get3A_858 = vector.shape_cast %get3A_857 : vector<1x1x16xf32> to vector<16xf32>
        %add3A_859 = arith.addf %add3A_823, %get3A_858 : vector<16xf32>
        %add3A_860 = arith.constant 16 : i32
        %add3A_861 = arith.addi %mul3A_287, %add3A_860 : i32
        %get3A_862 = arith.constant 0 : i32
        %get3A_863 = arith.index_cast %get3A_862 : i32 to index
        %get3A_864 = arith.index_cast %add3A_861 : i32 to index
        %get3A_865 = arith.constant 80 : index
        %get3A_866 = tpu.vector_load %arg13[%get3A_863, %get3A_864, %get3A_865] {strides = array<i32>} : memref<2x320x128xf32, #tpu.memory_space<vmem>>, vector<1x1x16xf32>,
        %get3A_867 = vector.shape_cast %get3A_866 : vector<1x1x16xf32> to vector<16xf32>
        %add3A_868 = arith.addf %add3A_832, %get3A_867 : vector<16xf32>
        %add3A_869 = arith.constant 16 : i32
        %add3A_870 = arith.addi %mul3A_287, %add3A_869 : i32
        %get3A_871 = arith.constant 0 : i32
        %get3A_872 = arith.index_cast %get3A_871 : i32 to index
        %get3A_873 = arith.index_cast %add3A_870 : i32 to index
        %get3A_874 = arith.constant 96 : index
        %get3A_875 = tpu.vector_load %arg13[%get3A_872, %get3A_873, %get3A_874] {strides = array<i32>} : memref<2x320x128xf32, #tpu.memory_space<vmem>>, vector<1x1x16xf32>,
        %get3A_876 = vector.shape_cast %get3A_875 : vector<1x1x16xf32> to vector<16xf32>
        %add3A_877 = arith.addf %add3A_841, %get3A_876 : vector<16xf32>
        %add3A_878 = arith.constant 16 : i32
        %add3A_879 = arith.addi %mul3A_287, %add3A_878 : i32
        %get3A_880 = arith.constant 0 : i32
        %get3A_881 = arith.index_cast %get3A_880 : i32 to index
        %get3A_882 = arith.index_cast %add3A_879 : i32 to index
        %get3A_883 = arith.constant 112 : index
        %get3A_884 = tpu.vector_load %arg13[%get3A_881, %get3A_882, %get3A_883] {strides = array<i32>} : memref<2x320x128xf32, #tpu.memory_space<vmem>>, vector<1x1x16xf32>,
        %get3A_885 = vector.shape_cast %get3A_884 : vector<1x1x16xf32> to vector<16xf32>
        %add3A_886 = arith.addf %add3A_850, %get3A_885 : vector<16xf32>
        %add3A_887 = arith.constant 17 : i32
        %add3A_888 = arith.addi %mul3A_287, %add3A_887 : i32
        %get3A_889 = arith.constant 0 : i32
        %get3A_890 = arith.index_cast %get3A_889 : i32 to index
        %get3A_891 = arith.index_cast %add3A_888 : i32 to index
        %get3A_892 = arith.constant 64 : index
        %get3A_893 = tpu.vector_load %arg13[%get3A_890, %get3A_891, %get3A_892] {strides = array<i32>} : memref<2x320x128xf32, #tpu.memory_space<vmem>>, vector<1x1x16xf32>,
        %get3A_894 = vector.shape_cast %get3A_893 : vector<1x1x16xf32> to vector<16xf32>
        %add3A_895 = arith.addf %add3A_859, %get3A_894 : vector<16xf32>
        %add3A_896 = arith.constant 17 : i32
        %add3A_897 = arith.addi %mul3A_287, %add3A_896 : i32
        %get3A_898 = arith.constant 0 : i32
        %get3A_899 = arith.index_cast %get3A_898 : i32 to index
        %get3A_900 = arith.index_cast %add3A_897 : i32 to index
        %get3A_901 = arith.constant 80 : index
        %get3A_902 = tpu.vector_load %arg13[%get3A_899, %get3A_900, %get3A_901] {strides = array<i32>} : memref<2x320x128xf32, #tpu.memory_space<vmem>>, vector<1x1x16xf32>,
        %get3A_903 = vector.shape_cast %get3A_902 : vector<1x1x16xf32> to vector<16xf32>
        %add3A_904 = arith.addf %add3A_868, %get3A_903 : vector<16xf32>
        %add3A_905 = arith.constant 17 : i32
        %add3A_906 = arith.addi %mul3A_287, %add3A_905 : i32
        %get3A_907 = arith.constant 0 : i32
        %get3A_908 = arith.index_cast %get3A_907 : i32 to index
        %get3A_909 = arith.index_cast %add3A_906 : i32 to index
        %get3A_910 = arith.constant 96 : index
        %get3A_911 = tpu.vector_load %arg13[%get3A_908, %get3A_909, %get3A_910] {strides = array<i32>} : memref<2x320x128xf32, #tpu.memory_space<vmem>>, vector<1x1x16xf32>,
        %get3A_912 = vector.shape_cast %get3A_911 : vector<1x1x16xf32> to vector<16xf32>
        %add3A_913 = arith.addf %add3A_877, %get3A_912 : vector<16xf32>
        %add3A_914 = arith.constant 17 : i32
        %add3A_915 = arith.addi %mul3A_287, %add3A_914 : i32
        %get3A_916 = arith.constant 0 : i32
        %get3A_917 = arith.index_cast %get3A_916 : i32 to index
        %get3A_918 = arith.index_cast %add3A_915 : i32 to index
        %get3A_919 = arith.constant 112 : index
        %get3A_920 = tpu.vector_load %arg13[%get3A_917, %get3A_918, %get3A_919] {strides = array<i32>} : memref<2x320x128xf32, #tpu.memory_space<vmem>>, vector<1x1x16xf32>,
        %get3A_921 = vector.shape_cast %get3A_920 : vector<1x1x16xf32> to vector<16xf32>
        %add3A_922 = arith.addf %add3A_886, %get3A_921 : vector<16xf32>
        %add3A_923 = arith.constant 18 : i32
        %add3A_924 = arith.addi %mul3A_287, %add3A_923 : i32
        %get3A_925 = arith.constant 0 : i32
        %get3A_926 = arith.index_cast %get3A_925 : i32 to index
        %get3A_927 = arith.index_cast %add3A_924 : i32 to index
        %get3A_928 = arith.constant 64 : index
        %get3A_929 = tpu.vector_load %arg13[%get3A_926, %get3A_927, %get3A_928] {strides = array<i32>} : memref<2x320x128xf32, #tpu.memory_space<vmem>>, vector<1x1x16xf32>,
        %get3A_930 = vector.shape_cast %get3A_929 : vector<1x1x16xf32> to vector<16xf32>
        %add3A_931 = arith.addf %add3A_895, %get3A_930 : vector<16xf32>
        %add3A_932 = arith.constant 18 : i32
        %add3A_933 = arith.addi %mul3A_287, %add3A_932 : i32
        %get3A_934 = arith.constant 0 : i32
        %get3A_935 = arith.index_cast %get3A_934 : i32 to index
        %get3A_936 = arith.index_cast %add3A_933 : i32 to index
        %get3A_937 = arith.constant 80 : index
        %get3A_938 = tpu.vector_load %arg13[%get3A_935, %get3A_936, %get3A_937] {strides = array<i32>} : memref<2x320x128xf32, #tpu.memory_space<vmem>>, vector<1x1x16xf32>,
        %get3A_939 = vector.shape_cast %get3A_938 : vector<1x1x16xf32> to vector<16xf32>
        %add3A_940 = arith.addf %add3A_904, %get3A_939 : vector<16xf32>
        %add3A_941 = arith.constant 18 : i32
        %add3A_942 = arith.addi %mul3A_287, %add3A_941 : i32
        %get3A_943 = arith.constant 0 : i32
        %get3A_944 = arith.index_cast %get3A_943 : i32 to index
        %get3A_945 = arith.index_cast %add3A_942 : i32 to index
        %get3A_946 = arith.constant 96 : index
        %get3A_947 = tpu.vector_load %arg13[%get3A_944, %get3A_945, %get3A_946] {strides = array<i32>} : memref<2x320x128xf32, #tpu.memory_space<vmem>>, vector<1x1x16xf32>,
        %get3A_948 = vector.shape_cast %get3A_947 : vector<1x1x16xf32> to vector<16xf32>
        %add3A_949 = arith.addf %add3A_913, %get3A_948 : vector<16xf32>
        %add3A_950 = arith.constant 18 : i32
        %add3A_951 = arith.addi %mul3A_287, %add3A_950 : i32
        %get3A_952 = arith.constant 0 : i32
        %get3A_953 = arith.index_cast %get3A_952 : i32 to index
        %get3A_954 = arith.index_cast %add3A_951 : i32 to index
        %get3A_955 = arith.constant 112 : index
        %get3A_956 = tpu.vector_load %arg13[%get3A_953, %get3A_954, %get3A_955] {strides = array<i32>} : memref<2x320x128xf32, #tpu.memory_space<vmem>>, vector<1x1x16xf32>,
        %get3A_957 = vector.shape_cast %get3A_956 : vector<1x1x16xf32> to vector<16xf32>
        %add3A_958 = arith.addf %add3A_922, %get3A_957 : vector<16xf32>
        %add3A_959 = arith.constant 19 : i32
        %add3A_960 = arith.addi %mul3A_287, %add3A_959 : i32
        %get3A_961 = arith.constant 0 : i32
        %get3A_962 = arith.index_cast %get3A_961 : i32 to index
        %get3A_963 = arith.index_cast %add3A_960 : i32 to index
        %get3A_964 = arith.constant 64 : index
        %get3A_965 = tpu.vector_load %arg13[%get3A_962, %get3A_963, %get3A_964] {strides = array<i32>} : memref<2x320x128xf32, #tpu.memory_space<vmem>>, vector<1x1x16xf32>,
        %get3A_966 = vector.shape_cast %get3A_965 : vector<1x1x16xf32> to vector<16xf32>
        %add3A_967 = arith.addf %add3A_931, %get3A_966 : vector<16xf32>
        %add3A_968 = arith.constant 19 : i32
        %add3A_969 = arith.addi %mul3A_287, %add3A_968 : i32
        %get3A_970 = arith.constant 0 : i32
        %get3A_971 = arith.index_cast %get3A_970 : i32 to index
        %get3A_972 = arith.index_cast %add3A_969 : i32 to index
        %get3A_973 = arith.constant 80 : index
        %get3A_974 = tpu.vector_load %arg13[%get3A_971, %get3A_972, %get3A_973] {strides = array<i32>} : memref<2x320x128xf32, #tpu.memory_space<vmem>>, vector<1x1x16xf32>,
        %get3A_975 = vector.shape_cast %get3A_974 : vector<1x1x16xf32> to vector<16xf32>
        %add3A_976 = arith.addf %add3A_940, %get3A_975 : vector<16xf32>
        %add3A_977 = arith.constant 19 : i32
        %add3A_978 = arith.addi %mul3A_287, %add3A_977 : i32
        %get3A_979 = arith.constant 0 : i32
        %get3A_980 = arith.index_cast %get3A_979 : i32 to index
        %get3A_981 = arith.index_cast %add3A_978 : i32 to index
        %get3A_982 = arith.constant 96 : index
        %get3A_983 = tpu.vector_load %arg13[%get3A_980, %get3A_981, %get3A_982] {strides = array<i32>} : memref<2x320x128xf32, #tpu.memory_space<vmem>>, vector<1x1x16xf32>,
        %get3A_984 = vector.shape_cast %get3A_983 : vector<1x1x16xf32> to vector<16xf32>
        %add3A_985 = arith.addf %add3A_949, %get3A_984 : vector<16xf32>
        %add3A_986 = arith.constant 19 : i32
        %add3A_987 = arith.addi %mul3A_287, %add3A_986 : i32
        %get3A_988 = arith.constant 0 : i32
        %get3A_989 = arith.index_cast %get3A_988 : i32 to index
        %get3A_990 = arith.index_cast %add3A_987 : i32 to index
        %get3A_991 = arith.constant 112 : index
        %get3A_992 = tpu.vector_load %arg13[%get3A_989, %get3A_990, %get3A_991] {strides = array<i32>} : memref<2x320x128xf32, #tpu.memory_space<vmem>>, vector<1x1x16xf32>,
        %get3A_993 = vector.shape_cast %get3A_992 : vector<1x1x16xf32> to vector<16xf32>
        %add3A_994 = arith.addf %add3A_958, %get3A_993 : vector<16xf32>
        %get3A_995 = arith.constant 0 : i32
        %get3A_996 = arith.index_cast %get3A_995 : i32 to index
        %get3A_997 = arith.index_cast %scan3A_282 : i32 to index
        %get3A_998 = arith.constant 0 : index
        %get3A_999 = tpu.vector_load %arg11[%get3A_996, %get3A_997, %get3A_998] {strides = array<i32>} : memref<2x16x128xf32, #tpu.memory_space<vmem>>, vector<1x1x16xf32>,
        %get3A_1000 = vector.shape_cast %get3A_999 : vector<1x1x16xf32> to vector<16xf32>
        %get3A_1001 = arith.constant 0 : i32
        %get3A_1002 = arith.index_cast %get3A_1001 : i32 to index
        %get3A_1003 = arith.index_cast %scan3A_282 : i32 to index
        %get3A_1004 = arith.constant 64 : index
        %get3A_1005 = tpu.vector_load %arg12[%get3A_1002, %get3A_1003, %get3A_1004] {strides = array<i32>} : memref<2x16x128xf32, #tpu.memory_space<vmem>>, vector<1x1x16xf32>,
        %get3A_1006 = vector.shape_cast %get3A_1005 : vector<1x1x16xf32> to vector<16xf32>
        %mul3A_1007 = arith.mulf %get3A_1000, %get3A_1006 : vector<16xf32>
        %mul3A_1008 = arith.mulf %get3A_1000, %add3A_967 : vector<16xf32>
        %get3A_1009 = arith.constant 0 : i32
        %get3A_1010 = arith.index_cast %get3A_1009 : i32 to index
        %get3A_1011 = arith.index_cast %scan3A_282 : i32 to index
        %get3A_1012 = arith.constant 16 : index
        %get3A_1013 = tpu.vector_load %arg11[%get3A_1010, %get3A_1011, %get3A_1012] {strides = array<i32>} : memref<2x16x128xf32, #tpu.memory_space<vmem>>, vector<1x1x16xf32>,
        %get3A_1014 = vector.shape_cast %get3A_1013 : vector<1x1x16xf32> to vector<16xf32>
        %get3A_1015 = arith.constant 0 : i32
        %get3A_1016 = arith.index_cast %get3A_1015 : i32 to index
        %get3A_1017 = arith.index_cast %scan3A_282 : i32 to index
        %get3A_1018 = arith.constant 80 : index
        %get3A_1019 = tpu.vector_load %arg12[%get3A_1016, %get3A_1017, %get3A_1018] {strides = array<i32>} : memref<2x16x128xf32, #tpu.memory_space<vmem>>, vector<1x1x16xf32>,
        %get3A_1020 = vector.shape_cast %get3A_1019 : vector<1x1x16xf32> to vector<16xf32>
        %mul3A_1021 = arith.mulf %get3A_1014, %get3A_1020 : vector<16xf32>
        %add3A_1022 = arith.addf %mul3A_1007, %mul3A_1021 : vector<16xf32>
        %mul3A_1023 = arith.mulf %get3A_1014, %add3A_976 : vector<16xf32>
        %add3A_1024 = arith.addf %mul3A_1008, %mul3A_1023 : vector<16xf32>
        %get3A_1025 = arith.constant 0 : i32
        %get3A_1026 = arith.index_cast %get3A_1025 : i32 to index
        %get3A_1027 = arith.index_cast %scan3A_282 : i32 to index
        %get3A_1028 = arith.constant 32 : index
        %get3A_1029 = tpu.vector_load %arg11[%get3A_1026, %get3A_1027, %get3A_1028] {strides = array<i32>} : memref<2x16x128xf32, #tpu.memory_space<vmem>>, vector<1x1x16xf32>,
        %get3A_1030 = vector.shape_cast %get3A_1029 : vector<1x1x16xf32> to vector<16xf32>
        %get3A_1031 = arith.constant 0 : i32
        %get3A_1032 = arith.index_cast %get3A_1031 : i32 to index
        %get3A_1033 = arith.index_cast %scan3A_282 : i32 to index
        %get3A_1034 = arith.constant 96 : index
        %get3A_1035 = tpu.vector_load %arg12[%get3A_1032, %get3A_1033, %get3A_1034] {strides = array<i32>} : memref<2x16x128xf32, #tpu.memory_space<vmem>>, vector<1x1x16xf32>,
        %get3A_1036 = vector.shape_cast %get3A_1035 : vector<1x1x16xf32> to vector<16xf32>
        %mul3A_1037 = arith.mulf %get3A_1030, %get3A_1036 : vector<16xf32>
        %add3A_1038 = arith.addf %add3A_1022, %mul3A_1037 : vector<16xf32>
        %mul3A_1039 = arith.mulf %get3A_1030, %add3A_985 : vector<16xf32>
        %add3A_1040 = arith.addf %add3A_1024, %mul3A_1039 : vector<16xf32>
        %get3A_1041 = arith.constant 0 : i32
        %get3A_1042 = arith.index_cast %get3A_1041 : i32 to index
        %get3A_1043 = arith.index_cast %scan3A_282 : i32 to index
        %get3A_1044 = arith.constant 48 : index
        %get3A_1045 = tpu.vector_load %arg11[%get3A_1042, %get3A_1043, %get3A_1044] {strides = array<i32>} : memref<2x16x128xf32, #tpu.memory_space<vmem>>, vector<1x1x16xf32>,
        %get3A_1046 = vector.shape_cast %get3A_1045 : vector<1x1x16xf32> to vector<16xf32>
        %get3A_1047 = arith.constant 0 : i32
        %get3A_1048 = arith.index_cast %get3A_1047 : i32 to index
        %get3A_1049 = arith.index_cast %scan3A_282 : i32 to index
        %get3A_1050 = arith.constant 112 : index
        %get3A_1051 = tpu.vector_load %arg12[%get3A_1048, %get3A_1049, %get3A_1050] {strides = array<i32>} : memref<2x16x128xf32, #tpu.memory_space<vmem>>, vector<1x1x16xf32>,
        %get3A_1052 = vector.shape_cast %get3A_1051 : vector<1x1x16xf32> to vector<16xf32>
        %mul3A_1053 = arith.mulf %get3A_1046, %get3A_1052 : vector<16xf32>
        %add3A_1054 = arith.addf %add3A_1038, %mul3A_1053 : vector<16xf32>
        %mul3A_1055 = arith.mulf %get3A_1046, %add3A_994 : vector<16xf32>
        %add3A_1056 = arith.addf %add3A_1040, %mul3A_1055 : vector<16xf32>
        %jit3A = arith.constant 8 : i32
        %div3A = arith.divsi %add3A_285, %jit3A : i32
        %sign3A = arith.constant 0 : i32
        %sign3A_1057 = arith.cmpi sgt, %add3A_285, %sign3A : i32
        %sign3A_1058 = arith.extui %sign3A_1057 : i1 to i32
        %sign3A_1059 = arith.constant 0 : i32
        %sign3A_1060 = arith.cmpi slt, %add3A_285, %sign3A_1059 : i32
        %sign3A_1061 = arith.extui %sign3A_1060 : i1 to i32
        %sign3A_1062 = arith.subi %sign3A_1058, %sign3A_1061 : i32
        %sign3A_1063 = arith.constant 0 : i32
        %sign3A_1064 = arith.cmpi sgt, %jit3A, %sign3A_1063 : i32
        %sign3A_1065 = arith.extui %sign3A_1064 : i1 to i32
        %sign3A_1066 = arith.constant 0 : i32
        %sign3A_1067 = arith.cmpi slt, %jit3A, %sign3A_1066 : i32
        %sign3A_1068 = arith.extui %sign3A_1067 : i1 to i32
        %sign3A_1069 = arith.subi %sign3A_1065, %sign3A_1068 : i32
        %ne3A = arith.cmpi ne, %sign3A_1062, %sign3A_1069 : i32
        %rem3A = arith.remsi %add3A_285, %jit3A : i32
        %ne3A_1070 = arith.constant 0 : i32
        %ne3A_1071 = arith.cmpi ne, %rem3A, %ne3A_1070 : i32
        %and3A = arith.andi %ne3A, %ne3A_1071 : i1
        %sub3A = arith.constant 1 : i32
        %sub3A_1072 = arith.subi %div3A, %sub3A : i32
        %select_n3A = arith.select %and3A, %sub3A_1072, %div3A : i32
        %jit3A_1073 = arith.constant 8 : i32
        %eq3A = arith.constant 0 : i32
        %eq3A_1074 = arith.cmpi eq, %jit3A_1073, %eq3A : i32
        %jit3A_1075 = arith.constant 1 : i32
        %select_n3A_1076 = arith.select %eq3A_1074, %jit3A_1075, %jit3A_1073 : i32
        %rem3A_1077 = arith.remsi %add3A_285, %select_n3A_1076 : i32
        %ne3A_1078 = arith.constant 0 : i32
        %ne3A_1079 = arith.cmpi ne, %rem3A_1077, %ne3A_1078 : i32
        %lt3A_1080 = arith.constant 0 : i32
        %lt3A_1081 = arith.cmpi slt, %rem3A_1077, %lt3A_1080 : i32
        %lt3A_1082 = arith.constant 0 : i32
        %lt3A_1083 = arith.cmpi slt, %select_n3A_1076, %lt3A_1082 : i32
        %ne3A_1084 = arith.xori %lt3A_1081, %lt3A_1083 : i1
        %and3A_1085 = arith.andi %ne3A_1084, %ne3A_1079 : i1
        %add3A_1086 = arith.addi %rem3A_1077, %select_n3A_1076 : i32
        %select_n3A_1087 = arith.select %and3A_1085, %add3A_1086, %rem3A_1077 : i32
        %mul3A_1088 = arith.constant 16 : i32
        %mul3A_1089 = arith.muli %select_n3A_1087, %mul3A_1088 : i32
        %swap3A = arith.index_cast %select_n3A : i32 to index
        %swap3A_1090 = arith.index_cast %mul3A_1089 : i32 to index
        %swap3A_1091 = tpu.vector_load %arg14[%swap3A, %swap3A_1090] {strides = array<i32>} : memref<64x128xf32, #tpu.memory_space<vmem>>, vector<1x16xf32>,
        %swap3A_1092 = vector.shape_cast %swap3A_1091 : vector<1x16xf32> to vector<16xf32>
        %swap3A_1093 = vector.shape_cast %add3A_1054 : vector<16xf32> to vector<1x16xf32>
        tpu.vector_store %arg14[%swap3A, %swap3A_1090], %swap3A_1093 {strides = array<i32>} : memref<64x128xf32, #tpu.memory_space<vmem>>, vector<1x16xf32>,
        %swap3A_1094 = arith.index_cast %select_n3A : i32 to index
        %swap3A_1095 = arith.index_cast %mul3A_1089 : i32 to index
        %swap3A_1096 = tpu.vector_load %arg15[%swap3A_1094, %swap3A_1095] {strides = array<i32>} : memref<64x128xf32, #tpu.memory_space<vmem>>, vector<1x16xf32>,
        %swap3A_1097 = vector.shape_cast %swap3A_1096 : vector<1x16xf32> to vector<16xf32>
        %swap3A_1098 = vector.shape_cast %add3A_1056 : vector<16xf32> to vector<1x16xf32>
        tpu.vector_store %arg15[%swap3A_1094, %swap3A_1095], %swap3A_1098 {strides = array<i32>} : memref<64x128xf32, #tpu.memory_space<vmem>>, vector<1x16xf32>,
      }
      %scan3A_176 = arith.constant 16 : i32
      %add3A_177 = arith.constant 1 : i32
      %add3A_178 = arith.addi %mul3A_75, %add3A_177 : i32
      %add3A_179 = arith.constant 1 : i32
      %add3A_180 = arith.addi %add3A_178, %add3A_179 : i32
      %lt3A_181 = arith.constant 32 : i32
      %lt3A_182 = arith.cmpi slt, %add3A_180, %lt3A_181 : i32
      %convert_element_type3A_183 = arith.extui %lt3A_182 : i1 to i32
      %cond3A_184 = arith.constant 0 : i32
      %cond3A_185 = arith.cmpi ne, %convert_element_type3A_183, %cond3A_184 : i32
      scf.if %cond3A_185 {
        %add3A_282 = arith.constant 1 : i32
        %add3A_283 = arith.addi %add3A_178, %add3A_282 : i32
        %mul3A_284 = arith.constant 16 : i32
        %mul3A_285 = arith.muli %add3A_283, %mul3A_284 : i32
        %dma_start3A_286 = arith.constant 0 : i32
        %dma_start3A_287 = arith.constant 0 : i32
        %dma_start3A_288 = arith.constant 0 : i32
        %dma_start3A_289 = tpu.memref_slice %arg11[%dma_start3A_286, %dma_start3A_287, %dma_start3A_288] : memref<2x16x128xf32, #tpu.memory_space<vmem>> -> memref<1x16x128xf32, #tpu.memory_space<vmem>>
        %dma_start3A_290 = tpu.memref_squeeze %dma_start3A_289 : memref<1x16x128xf32, #tpu.memory_space<vmem>> -> memref<16x128xf32, #tpu.memory_space<vmem>>
        %dma_start3A_291 = tpu.memref_slice %arg8[%mul3A_285] : memref<512xi32, #tpu.memory_space<vmem>> -> memref<16xi32, #tpu.memory_space<vmem>>
        %dma_start3A_292 = arith.constant 0 : i32
        %dma_start3A_293 = arith.constant 0 : i32
        %dma_start3A_294 = tpu.memref_slice %arg5[%dma_start3A_292, %dma_start3A_293] : memref<1000000x128xf32, #tpu.memory_space<hbm>> -> memref<1000000x128xf32, #tpu.memory_space<hbm>>
        tpu.enqueue_indirect_dma source(%dma_start3A_294 : memref<1000000x128xf32, #tpu.memory_space<hbm>>) target(%dma_start3A_290 : memref<16x128xf32, #tpu.memory_space<vmem>>) offsets(%dma_start3A_291 : memref<16xi32, #tpu.memory_space<vmem>>) semaphore(%arg16 : memref<!tpu.dma_semaphore, #tpu.memory_space<semaphore_mem>>)
        %dma_start3A_295 = arith.constant 0 : i32
        %dma_start3A_296 = arith.constant 0 : i32
        %dma_start3A_297 = arith.constant 0 : i32
        %dma_start3A_298 = tpu.memref_slice %arg12[%dma_start3A_295, %dma_start3A_296, %dma_start3A_297] : memref<2x16x128xf32, #tpu.memory_space<vmem>> -> memref<1x16x128xf32, #tpu.memory_space<vmem>>
        %dma_start3A_299 = tpu.memref_squeeze %dma_start3A_298 : memref<1x16x128xf32, #tpu.memory_space<vmem>> -> memref<16x128xf32, #tpu.memory_space<vmem>>
        %dma_start3A_300 = tpu.memref_slice %arg9[%mul3A_285] : memref<512xi32, #tpu.memory_space<vmem>> -> memref<16xi32, #tpu.memory_space<vmem>>
        %dma_start3A_301 = arith.constant 0 : i32
        %dma_start3A_302 = arith.constant 0 : i32
        %dma_start3A_303 = tpu.memref_slice %arg5[%dma_start3A_301, %dma_start3A_302] : memref<1000000x128xf32, #tpu.memory_space<hbm>> -> memref<1000000x128xf32, #tpu.memory_space<hbm>>
        tpu.enqueue_indirect_dma source(%dma_start3A_303 : memref<1000000x128xf32, #tpu.memory_space<hbm>>) target(%dma_start3A_299 : memref<16x128xf32, #tpu.memory_space<vmem>>) offsets(%dma_start3A_300 : memref<16xi32, #tpu.memory_space<vmem>>) semaphore(%arg16 : memref<!tpu.dma_semaphore, #tpu.memory_space<semaphore_mem>>)
        %mul3A_304 = arith.constant 20 : i32
        %mul3A_305 = arith.muli %mul3A_285, %mul3A_304 : i32
        %add3A_306 = arith.constant 0 : i32
        %add3A_307 = arith.addi %mul3A_305, %add3A_306 : i32
        %dma_start3A_308 = arith.constant 0 : i32
        %dma_start3A_309 = arith.constant 0 : i32
        %dma_start3A_310 = arith.constant 0 : i32
        %dma_start3A_311 = tpu.memref_slice %arg13[%dma_start3A_308, %dma_start3A_309, %dma_start3A_310] : memref<2x320x128xf32, #tpu.memory_space<vmem>> -> memref<1x80x128xf32, #tpu.memory_space<vmem>>
        %dma_start3A_312 = tpu.memref_squeeze %dma_start3A_311 : memref<1x80x128xf32, #tpu.memory_space<vmem>> -> memref<80x128xf32, #tpu.memory_space<vmem>>
        %dma_start3A_313 = tpu.memref_slice %arg10[%add3A_307] : memref<10240xi32, #tpu.memory_space<vmem>> -> memref<80xi32, #tpu.memory_space<vmem>>
        %dma_start3A_314 = arith.constant 0 : i32
        %dma_start3A_315 = arith.constant 0 : i32
        %dma_start3A_316 = tpu.memref_slice %arg5[%dma_start3A_314, %dma_start3A_315] : memref<1000000x128xf32, #tpu.memory_space<hbm>> -> memref<1000000x128xf32, #tpu.memory_space<hbm>>
        tpu.enqueue_indirect_dma source(%dma_start3A_316 : memref<1000000x128xf32, #tpu.memory_space<hbm>>) target(%dma_start3A_312 : memref<80x128xf32, #tpu.memory_space<vmem>>) offsets(%dma_start3A_313 : memref<80xi32, #tpu.memory_space<vmem>>) semaphore(%arg16 : memref<!tpu.dma_semaphore, #tpu.memory_space<semaphore_mem>>)
        %mul3A_317 = arith.constant 20 : i32
        %mul3A_318 = arith.muli %mul3A_285, %mul3A_317 : i32
        %add3A_319 = arith.constant 80 : i32
        %add3A_320 = arith.addi %mul3A_318, %add3A_319 : i32
        %dma_start3A_321 = arith.constant 0 : i32
        %dma_start3A_322 = arith.constant 80 : i32
        %dma_start3A_323 = arith.constant 0 : i32
        %dma_start3A_324 = tpu.memref_slice %arg13[%dma_start3A_321, %dma_start3A_322, %dma_start3A_323] : memref<2x320x128xf32, #tpu.memory_space<vmem>> -> memref<1x80x128xf32, #tpu.memory_space<vmem>>
        %dma_start3A_325 = tpu.memref_squeeze %dma_start3A_324 : memref<1x80x128xf32, #tpu.memory_space<vmem>> -> memref<80x128xf32, #tpu.memory_space<vmem>>
        %dma_start3A_326 = tpu.memref_slice %arg10[%add3A_320] : memref<10240xi32, #tpu.memory_space<vmem>> -> memref<80xi32, #tpu.memory_space<vmem>>
        %dma_start3A_327 = arith.constant 0 : i32
        %dma_start3A_328 = arith.constant 0 : i32
        %dma_start3A_329 = tpu.memref_slice %arg5[%dma_start3A_327, %dma_start3A_328] : memref<1000000x128xf32, #tpu.memory_space<hbm>> -> memref<1000000x128xf32, #tpu.memory_space<hbm>>
        tpu.enqueue_indirect_dma source(%dma_start3A_329 : memref<1000000x128xf32, #tpu.memory_space<hbm>>) target(%dma_start3A_325 : memref<80x128xf32, #tpu.memory_space<vmem>>) offsets(%dma_start3A_326 : memref<80xi32, #tpu.memory_space<vmem>>) semaphore(%arg16 : memref<!tpu.dma_semaphore, #tpu.memory_space<semaphore_mem>>)
        %mul3A_330 = arith.constant 20 : i32
        %mul3A_331 = arith.muli %mul3A_285, %mul3A_330 : i32
        %add3A_332 = arith.constant 160 : i32
        %add3A_333 = arith.addi %mul3A_331, %add3A_332 : i32
        %dma_start3A_334 = arith.constant 0 : i32
        %dma_start3A_335 = arith.constant 160 : i32
        %dma_start3A_336 = arith.constant 0 : i32
        %dma_start3A_337 = tpu.memref_slice %arg13[%dma_start3A_334, %dma_start3A_335, %dma_start3A_336] : memref<2x320x128xf32, #tpu.memory_space<vmem>> -> memref<1x80x128xf32, #tpu.memory_space<vmem>>
        %dma_start3A_338 = tpu.memref_squeeze %dma_start3A_337 : memref<1x80x128xf32, #tpu.memory_space<vmem>> -> memref<80x128xf32, #tpu.memory_space<vmem>>
        %dma_start3A_339 = tpu.memref_slice %arg10[%add3A_333] : memref<10240xi32, #tpu.memory_space<vmem>> -> memref<80xi32, #tpu.memory_space<vmem>>
        %dma_start3A_340 = arith.constant 0 : i32
        %dma_start3A_341 = arith.constant 0 : i32
        %dma_start3A_342 = tpu.memref_slice %arg5[%dma_start3A_340, %dma_start3A_341] : memref<1000000x128xf32, #tpu.memory_space<hbm>> -> memref<1000000x128xf32, #tpu.memory_space<hbm>>
        tpu.enqueue_indirect_dma source(%dma_start3A_342 : memref<1000000x128xf32, #tpu.memory_space<hbm>>) target(%dma_start3A_338 : memref<80x128xf32, #tpu.memory_space<vmem>>) offsets(%dma_start3A_339 : memref<80xi32, #tpu.memory_space<vmem>>) semaphore(%arg16 : memref<!tpu.dma_semaphore, #tpu.memory_space<semaphore_mem>>)
        %mul3A_343 = arith.constant 20 : i32
        %mul3A_344 = arith.muli %mul3A_285, %mul3A_343 : i32
        %add3A_345 = arith.constant 240 : i32
        %add3A_346 = arith.addi %mul3A_344, %add3A_345 : i32
        %dma_start3A_347 = arith.constant 0 : i32
        %dma_start3A_348 = arith.constant 240 : i32
        %dma_start3A_349 = arith.constant 0 : i32
        %dma_start3A_350 = tpu.memref_slice %arg13[%dma_start3A_347, %dma_start3A_348, %dma_start3A_349] : memref<2x320x128xf32, #tpu.memory_space<vmem>> -> memref<1x80x128xf32, #tpu.memory_space<vmem>>
        %dma_start3A_351 = tpu.memref_squeeze %dma_start3A_350 : memref<1x80x128xf32, #tpu.memory_space<vmem>> -> memref<80x128xf32, #tpu.memory_space<vmem>>
        %dma_start3A_352 = tpu.memref_slice %arg10[%add3A_346] : memref<10240xi32, #tpu.memory_space<vmem>> -> memref<80xi32, #tpu.memory_space<vmem>>
        %dma_start3A_353 = arith.constant 0 : i32
        %dma_start3A_354 = arith.constant 0 : i32
        %dma_start3A_355 = tpu.memref_slice %arg5[%dma_start3A_353, %dma_start3A_354] : memref<1000000x128xf32, #tpu.memory_space<hbm>> -> memref<1000000x128xf32, #tpu.memory_space<hbm>>
        tpu.enqueue_indirect_dma source(%dma_start3A_355 : memref<1000000x128xf32, #tpu.memory_space<hbm>>) target(%dma_start3A_351 : memref<80x128xf32, #tpu.memory_space<vmem>>) offsets(%dma_start3A_352 : memref<80xi32, #tpu.memory_space<vmem>>) semaphore(%arg16 : memref<!tpu.dma_semaphore, #tpu.memory_space<semaphore_mem>>)
      } else {
      }
      %dma_wait3A_186 = arith.constant 1 : i32
      %dma_wait3A_187 = arith.constant 0 : i32
      %dma_wait3A_188 = arith.constant 0 : i32
      %dma_wait3A_189 = tpu.memref_slice %arg11[%dma_wait3A_186, %dma_wait3A_187, %dma_wait3A_188] : memref<2x16x128xf32, #tpu.memory_space<vmem>> -> memref<1x16x128xf32, #tpu.memory_space<vmem>>
      %dma_wait3A_190 = tpu.memref_squeeze %dma_wait3A_189 : memref<1x16x128xf32, #tpu.memory_space<vmem>> -> memref<16x128xf32, #tpu.memory_space<vmem>>
      %dma_wait3A_191 = arith.constant 0 : i32
      %dma_wait3A_192 = arith.constant 0 : i32
      %dma_wait3A_193 = tpu.memref_slice %arg5[%dma_wait3A_191, %dma_wait3A_192] : memref<1000000x128xf32, #tpu.memory_space<hbm>> -> memref<16x128xf32, #tpu.memory_space<hbm>>
      %dma_wait3A_194 = arith.constant 0 : i32
      %dma_wait3A_195 = arith.constant 0 : i32
      %dma_wait3A_196 = tpu.memref_slice %arg11[%dma_wait3A_186, %dma_wait3A_194, %dma_wait3A_195] : memref<2x16x128xf32, #tpu.memory_space<vmem>> -> memref<1x16x128xf32, #tpu.memory_space<vmem>>
      %dma_wait3A_197 = tpu.memref_squeeze %dma_wait3A_196 : memref<1x16x128xf32, #tpu.memory_space<vmem>> -> memref<16x128xf32, #tpu.memory_space<vmem>>
      %dma_wait3A_198 = arith.constant 0 : i32
      %dma_wait3A_199 = arith.constant 0 : i32
      %dma_wait3A_200 = tpu.memref_slice %arg5[%dma_wait3A_198, %dma_wait3A_199] : memref<1000000x128xf32, #tpu.memory_space<hbm>> -> memref<16x128xf32, #tpu.memory_space<hbm>>
      tpu.wait_dma2 semaphore(%arg17 : memref<!tpu.dma_semaphore, #tpu.memory_space<semaphore_mem>>) src(%dma_wait3A_200 : memref<16x128xf32, #tpu.memory_space<hbm>>) dst(%dma_wait3A_197 : memref<16x128xf32, #tpu.memory_space<vmem>>)
      %dma_wait3A_201 = arith.constant 1 : i32
      %dma_wait3A_202 = arith.constant 0 : i32
      %dma_wait3A_203 = arith.constant 0 : i32
      %dma_wait3A_204 = tpu.memref_slice %arg12[%dma_wait3A_201, %dma_wait3A_202, %dma_wait3A_203] : memref<2x16x128xf32, #tpu.memory_space<vmem>> -> memref<1x16x128xf32, #tpu.memory_space<vmem>>
      %dma_wait3A_205 = tpu.memref_squeeze %dma_wait3A_204 : memref<1x16x128xf32, #tpu.memory_space<vmem>> -> memref<16x128xf32, #tpu.memory_space<vmem>>
      %dma_wait3A_206 = arith.constant 0 : i32
      %dma_wait3A_207 = arith.constant 0 : i32
      %dma_wait3A_208 = tpu.memref_slice %arg5[%dma_wait3A_206, %dma_wait3A_207] : memref<1000000x128xf32, #tpu.memory_space<hbm>> -> memref<16x128xf32, #tpu.memory_space<hbm>>
      %dma_wait3A_209 = arith.constant 0 : i32
      %dma_wait3A_210 = arith.constant 0 : i32
      %dma_wait3A_211 = tpu.memref_slice %arg12[%dma_wait3A_201, %dma_wait3A_209, %dma_wait3A_210] : memref<2x16x128xf32, #tpu.memory_space<vmem>> -> memref<1x16x128xf32, #tpu.memory_space<vmem>>
      %dma_wait3A_212 = tpu.memref_squeeze %dma_wait3A_211 : memref<1x16x128xf32, #tpu.memory_space<vmem>> -> memref<16x128xf32, #tpu.memory_space<vmem>>
      %dma_wait3A_213 = arith.constant 0 : i32
      %dma_wait3A_214 = arith.constant 0 : i32
      %dma_wait3A_215 = tpu.memref_slice %arg5[%dma_wait3A_213, %dma_wait3A_214] : memref<1000000x128xf32, #tpu.memory_space<hbm>> -> memref<16x128xf32, #tpu.memory_space<hbm>>
      tpu.wait_dma2 semaphore(%arg17 : memref<!tpu.dma_semaphore, #tpu.memory_space<semaphore_mem>>) src(%dma_wait3A_215 : memref<16x128xf32, #tpu.memory_space<hbm>>) dst(%dma_wait3A_212 : memref<16x128xf32, #tpu.memory_space<vmem>>)
      %dma_wait3A_216 = arith.constant 1 : i32
      %dma_wait3A_217 = arith.constant 0 : i32
      %dma_wait3A_218 = arith.constant 0 : i32
      %dma_wait3A_219 = tpu.memref_slice %arg13[%dma_wait3A_216, %dma_wait3A_217, %dma_wait3A_218] : memref<2x320x128xf32, #tpu.memory_space<vmem>> -> memref<1x80x128xf32, #tpu.memory_space<vmem>>
      %dma_wait3A_220 = tpu.memref_squeeze %dma_wait3A_219 : memref<1x80x128xf32, #tpu.memory_space<vmem>> -> memref<80x128xf32, #tpu.memory_space<vmem>>
      %dma_wait3A_221 = arith.constant 0 : i32
      %dma_wait3A_222 = arith.constant 0 : i32
      %dma_wait3A_223 = tpu.memref_slice %arg5[%dma_wait3A_221, %dma_wait3A_222] : memref<1000000x128xf32, #tpu.memory_space<hbm>> -> memref<80x128xf32, #tpu.memory_space<hbm>>
      %dma_wait3A_224 = arith.constant 0 : i32
      %dma_wait3A_225 = arith.constant 0 : i32
      %dma_wait3A_226 = tpu.memref_slice %arg13[%dma_wait3A_216, %dma_wait3A_224, %dma_wait3A_225] : memref<2x320x128xf32, #tpu.memory_space<vmem>> -> memref<1x80x128xf32, #tpu.memory_space<vmem>>
      %dma_wait3A_227 = tpu.memref_squeeze %dma_wait3A_226 : memref<1x80x128xf32, #tpu.memory_space<vmem>> -> memref<80x128xf32, #tpu.memory_space<vmem>>
      %dma_wait3A_228 = arith.constant 0 : i32
      %dma_wait3A_229 = arith.constant 0 : i32
      %dma_wait3A_230 = tpu.memref_slice %arg5[%dma_wait3A_228, %dma_wait3A_229] : memref<1000000x128xf32, #tpu.memory_space<hbm>> -> memref<80x128xf32, #tpu.memory_space<hbm>>
      tpu.wait_dma2 semaphore(%arg17 : memref<!tpu.dma_semaphore, #tpu.memory_space<semaphore_mem>>) src(%dma_wait3A_230 : memref<80x128xf32, #tpu.memory_space<hbm>>) dst(%dma_wait3A_227 : memref<80x128xf32, #tpu.memory_space<vmem>>)
      %dma_wait3A_231 = arith.constant 1 : i32
      %dma_wait3A_232 = arith.constant 80 : i32
      %dma_wait3A_233 = arith.constant 0 : i32
      %dma_wait3A_234 = tpu.memref_slice %arg13[%dma_wait3A_231, %dma_wait3A_232, %dma_wait3A_233] : memref<2x320x128xf32, #tpu.memory_space<vmem>> -> memref<1x80x128xf32, #tpu.memory_space<vmem>>
      %dma_wait3A_235 = tpu.memref_squeeze %dma_wait3A_234 : memref<1x80x128xf32, #tpu.memory_space<vmem>> -> memref<80x128xf32, #tpu.memory_space<vmem>>
      %dma_wait3A_236 = arith.constant 0 : i32
      %dma_wait3A_237 = arith.constant 0 : i32
      %dma_wait3A_238 = tpu.memref_slice %arg5[%dma_wait3A_236, %dma_wait3A_237] : memref<1000000x128xf32, #tpu.memory_space<hbm>> -> memref<80x128xf32, #tpu.memory_space<hbm>>
      %dma_wait3A_239 = arith.constant 80 : i32
      %dma_wait3A_240 = arith.constant 0 : i32
      %dma_wait3A_241 = tpu.memref_slice %arg13[%dma_wait3A_231, %dma_wait3A_239, %dma_wait3A_240] : memref<2x320x128xf32, #tpu.memory_space<vmem>> -> memref<1x80x128xf32, #tpu.memory_space<vmem>>
      %dma_wait3A_242 = tpu.memref_squeeze %dma_wait3A_241 : memref<1x80x128xf32, #tpu.memory_space<vmem>> -> memref<80x128xf32, #tpu.memory_space<vmem>>
      %dma_wait3A_243 = arith.constant 0 : i32
      %dma_wait3A_244 = arith.constant 0 : i32
      %dma_wait3A_245 = tpu.memref_slice %arg5[%dma_wait3A_243, %dma_wait3A_244] : memref<1000000x128xf32, #tpu.memory_space<hbm>> -> memref<80x128xf32, #tpu.memory_space<hbm>>
      tpu.wait_dma2 semaphore(%arg17 : memref<!tpu.dma_semaphore, #tpu.memory_space<semaphore_mem>>) src(%dma_wait3A_245 : memref<80x128xf32, #tpu.memory_space<hbm>>) dst(%dma_wait3A_242 : memref<80x128xf32, #tpu.memory_space<vmem>>)
      %dma_wait3A_246 = arith.constant 1 : i32
      %dma_wait3A_247 = arith.constant 160 : i32
      %dma_wait3A_248 = arith.constant 0 : i32
      %dma_wait3A_249 = tpu.memref_slice %arg13[%dma_wait3A_246, %dma_wait3A_247, %dma_wait3A_248] : memref<2x320x128xf32, #tpu.memory_space<vmem>> -> memref<1x80x128xf32, #tpu.memory_space<vmem>>
      %dma_wait3A_250 = tpu.memref_squeeze %dma_wait3A_249 : memref<1x80x128xf32, #tpu.memory_space<vmem>> -> memref<80x128xf32, #tpu.memory_space<vmem>>
      %dma_wait3A_251 = arith.constant 0 : i32
      %dma_wait3A_252 = arith.constant 0 : i32
      %dma_wait3A_253 = tpu.memref_slice %arg5[%dma_wait3A_251, %dma_wait3A_252] : memref<1000000x128xf32, #tpu.memory_space<hbm>> -> memref<80x128xf32, #tpu.memory_space<hbm>>
      %dma_wait3A_254 = arith.constant 160 : i32
      %dma_wait3A_255 = arith.constant 0 : i32
      %dma_wait3A_256 = tpu.memref_slice %arg13[%dma_wait3A_246, %dma_wait3A_254, %dma_wait3A_255] : memref<2x320x128xf32, #tpu.memory_space<vmem>> -> memref<1x80x128xf32, #tpu.memory_space<vmem>>
      %dma_wait3A_257 = tpu.memref_squeeze %dma_wait3A_256 : memref<1x80x128xf32, #tpu.memory_space<vmem>> -> memref<80x128xf32, #tpu.memory_space<vmem>>
      %dma_wait3A_258 = arith.constant 0 : i32
      %dma_wait3A_259 = arith.constant 0 : i32
      %dma_wait3A_260 = tpu.memref_slice %arg5[%dma_wait3A_258, %dma_wait3A_259] : memref<1000000x128xf32, #tpu.memory_space<hbm>> -> memref<80x128xf32, #tpu.memory_space<hbm>>
      tpu.wait_dma2 semaphore(%arg17 : memref<!tpu.dma_semaphore, #tpu.memory_space<semaphore_mem>>) src(%dma_wait3A_260 : memref<80x128xf32, #tpu.memory_space<hbm>>) dst(%dma_wait3A_257 : memref<80x128xf32, #tpu.memory_space<vmem>>)
      %dma_wait3A_261 = arith.constant 1 : i32
      %dma_wait3A_262 = arith.constant 240 : i32
      %dma_wait3A_263 = arith.constant 0 : i32
      %dma_wait3A_264 = tpu.memref_slice %arg13[%dma_wait3A_261, %dma_wait3A_262, %dma_wait3A_263] : memref<2x320x128xf32, #tpu.memory_space<vmem>> -> memref<1x80x128xf32, #tpu.memory_space<vmem>>
      %dma_wait3A_265 = tpu.memref_squeeze %dma_wait3A_264 : memref<1x80x128xf32, #tpu.memory_space<vmem>> -> memref<80x128xf32, #tpu.memory_space<vmem>>
      %dma_wait3A_266 = arith.constant 0 : i32
      %dma_wait3A_267 = arith.constant 0 : i32
      %dma_wait3A_268 = tpu.memref_slice %arg5[%dma_wait3A_266, %dma_wait3A_267] : memref<1000000x128xf32, #tpu.memory_space<hbm>> -> memref<80x128xf32, #tpu.memory_space<hbm>>
      %dma_wait3A_269 = arith.constant 240 : i32
      %dma_wait3A_270 = arith.constant 0 : i32
      %dma_wait3A_271 = tpu.memref_slice %arg13[%dma_wait3A_261, %dma_wait3A_269, %dma_wait3A_270] : memref<2x320x128xf32, #tpu.memory_space<vmem>> -> memref<1x80x128xf32, #tpu.memory_space<vmem>>
      %dma_wait3A_272 = tpu.memref_squeeze %dma_wait3A_271 : memref<1x80x128xf32, #tpu.memory_space<vmem>> -> memref<80x128xf32, #tpu.memory_space<vmem>>
      %dma_wait3A_273 = arith.constant 0 : i32
      %dma_wait3A_274 = arith.constant 0 : i32
      %dma_wait3A_275 = tpu.memref_slice %arg5[%dma_wait3A_273, %dma_wait3A_274] : memref<1000000x128xf32, #tpu.memory_space<hbm>> -> memref<80x128xf32, #tpu.memory_space<hbm>>
      tpu.wait_dma2 semaphore(%arg17 : memref<!tpu.dma_semaphore, #tpu.memory_space<semaphore_mem>>) src(%dma_wait3A_275 : memref<80x128xf32, #tpu.memory_space<hbm>>) dst(%dma_wait3A_272 : memref<80x128xf32, #tpu.memory_space<vmem>>)
      %scan3A_276 = arith.constant 0 : i32
      %scan3A_277 = arith.constant 0 : i32
      %scan3A_278 = arith.constant 16 : i32
      %scan3A_279 = arith.addi %scan3A_277, %scan3A_278 : i32
      %scan3A_280 = arith.constant 1 : i32
      scf.for %scan3A_282 = %scan3A_277 to %scan3A_279 step %scan3A_280  : i32 {
        %mul3A_283 = arith.constant 16 : i32
        %mul3A_284 = arith.muli %add3A_178, %mul3A_283 : i32
        %add3A_285 = arith.addi %mul3A_284, %scan3A_282 : i32
        %mul3A_286 = arith.constant 20 : i32
        %mul3A_287 = arith.muli %scan3A_282, %mul3A_286 : i32
        %get3A = arith.constant 1 : i32
        %get3A_288 = arith.index_cast %get3A : i32 to index
        %get3A_289 = arith.index_cast %mul3A_287 : i32 to index
        %get3A_290 = arith.constant 64 : index
        %get3A_291 = tpu.vector_load %arg13[%get3A_288, %get3A_289, %get3A_290] {strides = array<i32>} : memref<2x320x128xf32, #tpu.memory_space<vmem>>, vector<1x1x16xf32>,
        %get3A_292 = vector.shape_cast %get3A_291 : vector<1x1x16xf32> to vector<16xf32>
        %get3A_293 = arith.constant 1 : i32
        %get3A_294 = arith.index_cast %get3A_293 : i32 to index
        %get3A_295 = arith.index_cast %mul3A_287 : i32 to index
        %get3A_296 = arith.constant 80 : index
        %get3A_297 = tpu.vector_load %arg13[%get3A_294, %get3A_295, %get3A_296] {strides = array<i32>} : memref<2x320x128xf32, #tpu.memory_space<vmem>>, vector<1x1x16xf32>,
        %get3A_298 = vector.shape_cast %get3A_297 : vector<1x1x16xf32> to vector<16xf32>
        %get3A_299 = arith.constant 1 : i32
        %get3A_300 = arith.index_cast %get3A_299 : i32 to index
        %get3A_301 = arith.index_cast %mul3A_287 : i32 to index
        %get3A_302 = arith.constant 96 : index
        %get3A_303 = tpu.vector_load %arg13[%get3A_300, %get3A_301, %get3A_302] {strides = array<i32>} : memref<2x320x128xf32, #tpu.memory_space<vmem>>, vector<1x1x16xf32>,
        %get3A_304 = vector.shape_cast %get3A_303 : vector<1x1x16xf32> to vector<16xf32>
        %get3A_305 = arith.constant 1 : i32
        %get3A_306 = arith.index_cast %get3A_305 : i32 to index
        %get3A_307 = arith.index_cast %mul3A_287 : i32 to index
        %get3A_308 = arith.constant 112 : index
        %get3A_309 = tpu.vector_load %arg13[%get3A_306, %get3A_307, %get3A_308] {strides = array<i32>} : memref<2x320x128xf32, #tpu.memory_space<vmem>>, vector<1x1x16xf32>,
        %get3A_310 = vector.shape_cast %get3A_309 : vector<1x1x16xf32> to vector<16xf32>
        %add3A_311 = arith.constant 1 : i32
        %add3A_312 = arith.addi %mul3A_287, %add3A_311 : i32
        %get3A_313 = arith.constant 1 : i32
        %get3A_314 = arith.index_cast %get3A_313 : i32 to index
        %get3A_315 = arith.index_cast %add3A_312 : i32 to index
        %get3A_316 = arith.constant 64 : index
        %get3A_317 = tpu.vector_load %arg13[%get3A_314, %get3A_315, %get3A_316] {strides = array<i32>} : memref<2x320x128xf32, #tpu.memory_space<vmem>>, vector<1x1x16xf32>,
        %get3A_318 = vector.shape_cast %get3A_317 : vector<1x1x16xf32> to vector<16xf32>
        %add3A_319 = arith.addf %get3A_292, %get3A_318 : vector<16xf32>
        %add3A_320 = arith.constant 1 : i32
        %add3A_321 = arith.addi %mul3A_287, %add3A_320 : i32
        %get3A_322 = arith.constant 1 : i32
        %get3A_323 = arith.index_cast %get3A_322 : i32 to index
        %get3A_324 = arith.index_cast %add3A_321 : i32 to index
        %get3A_325 = arith.constant 80 : index
        %get3A_326 = tpu.vector_load %arg13[%get3A_323, %get3A_324, %get3A_325] {strides = array<i32>} : memref<2x320x128xf32, #tpu.memory_space<vmem>>, vector<1x1x16xf32>,
        %get3A_327 = vector.shape_cast %get3A_326 : vector<1x1x16xf32> to vector<16xf32>
        %add3A_328 = arith.addf %get3A_298, %get3A_327 : vector<16xf32>
        %add3A_329 = arith.constant 1 : i32
        %add3A_330 = arith.addi %mul3A_287, %add3A_329 : i32
        %get3A_331 = arith.constant 1 : i32
        %get3A_332 = arith.index_cast %get3A_331 : i32 to index
        %get3A_333 = arith.index_cast %add3A_330 : i32 to index
        %get3A_334 = arith.constant 96 : index
        %get3A_335 = tpu.vector_load %arg13[%get3A_332, %get3A_333, %get3A_334] {strides = array<i32>} : memref<2x320x128xf32, #tpu.memory_space<vmem>>, vector<1x1x16xf32>,
        %get3A_336 = vector.shape_cast %get3A_335 : vector<1x1x16xf32> to vector<16xf32>
        %add3A_337 = arith.addf %get3A_304, %get3A_336 : vector<16xf32>
        %add3A_338 = arith.constant 1 : i32
        %add3A_339 = arith.addi %mul3A_287, %add3A_338 : i32
        %get3A_340 = arith.constant 1 : i32
        %get3A_341 = arith.index_cast %get3A_340 : i32 to index
        %get3A_342 = arith.index_cast %add3A_339 : i32 to index
        %get3A_343 = arith.constant 112 : index
        %get3A_344 = tpu.vector_load %arg13[%get3A_341, %get3A_342, %get3A_343] {strides = array<i32>} : memref<2x320x128xf32, #tpu.memory_space<vmem>>, vector<1x1x16xf32>,
        %get3A_345 = vector.shape_cast %get3A_344 : vector<1x1x16xf32> to vector<16xf32>
        %add3A_346 = arith.addf %get3A_310, %get3A_345 : vector<16xf32>
        %add3A_347 = arith.constant 2 : i32
        %add3A_348 = arith.addi %mul3A_287, %add3A_347 : i32
        %get3A_349 = arith.constant 1 : i32
        %get3A_350 = arith.index_cast %get3A_349 : i32 to index
        %get3A_351 = arith.index_cast %add3A_348 : i32 to index
        %get3A_352 = arith.constant 64 : index
        %get3A_353 = tpu.vector_load %arg13[%get3A_350, %get3A_351, %get3A_352] {strides = array<i32>} : memref<2x320x128xf32, #tpu.memory_space<vmem>>, vector<1x1x16xf32>,
        %get3A_354 = vector.shape_cast %get3A_353 : vector<1x1x16xf32> to vector<16xf32>
        %add3A_355 = arith.addf %add3A_319, %get3A_354 : vector<16xf32>
        %add3A_356 = arith.constant 2 : i32
        %add3A_357 = arith.addi %mul3A_287, %add3A_356 : i32
        %get3A_358 = arith.constant 1 : i32
        %get3A_359 = arith.index_cast %get3A_358 : i32 to index
        %get3A_360 = arith.index_cast %add3A_357 : i32 to index
        %get3A_361 = arith.constant 80 : index
        %get3A_362 = tpu.vector_load %arg13[%get3A_359, %get3A_360, %get3A_361] {strides = array<i32>} : memref<2x320x128xf32, #tpu.memory_space<vmem>>, vector<1x1x16xf32>,
        %get3A_363 = vector.shape_cast %get3A_362 : vector<1x1x16xf32> to vector<16xf32>
        %add3A_364 = arith.addf %add3A_328, %get3A_363 : vector<16xf32>
        %add3A_365 = arith.constant 2 : i32
        %add3A_366 = arith.addi %mul3A_287, %add3A_365 : i32
        %get3A_367 = arith.constant 1 : i32
        %get3A_368 = arith.index_cast %get3A_367 : i32 to index
        %get3A_369 = arith.index_cast %add3A_366 : i32 to index
        %get3A_370 = arith.constant 96 : index
        %get3A_371 = tpu.vector_load %arg13[%get3A_368, %get3A_369, %get3A_370] {strides = array<i32>} : memref<2x320x128xf32, #tpu.memory_space<vmem>>, vector<1x1x16xf32>,
        %get3A_372 = vector.shape_cast %get3A_371 : vector<1x1x16xf32> to vector<16xf32>
        %add3A_373 = arith.addf %add3A_337, %get3A_372 : vector<16xf32>
        %add3A_374 = arith.constant 2 : i32
        %add3A_375 = arith.addi %mul3A_287, %add3A_374 : i32
        %get3A_376 = arith.constant 1 : i32
        %get3A_377 = arith.index_cast %get3A_376 : i32 to index
        %get3A_378 = arith.index_cast %add3A_375 : i32 to index
        %get3A_379 = arith.constant 112 : index
        %get3A_380 = tpu.vector_load %arg13[%get3A_377, %get3A_378, %get3A_379] {strides = array<i32>} : memref<2x320x128xf32, #tpu.memory_space<vmem>>, vector<1x1x16xf32>,
        %get3A_381 = vector.shape_cast %get3A_380 : vector<1x1x16xf32> to vector<16xf32>
        %add3A_382 = arith.addf %add3A_346, %get3A_381 : vector<16xf32>
        %add3A_383 = arith.constant 3 : i32
        %add3A_384 = arith.addi %mul3A_287, %add3A_383 : i32
        %get3A_385 = arith.constant 1 : i32
        %get3A_386 = arith.index_cast %get3A_385 : i32 to index
        %get3A_387 = arith.index_cast %add3A_384 : i32 to index
        %get3A_388 = arith.constant 64 : index
        %get3A_389 = tpu.vector_load %arg13[%get3A_386, %get3A_387, %get3A_388] {strides = array<i32>} : memref<2x320x128xf32, #tpu.memory_space<vmem>>, vector<1x1x16xf32>,
        %get3A_390 = vector.shape_cast %get3A_389 : vector<1x1x16xf32> to vector<16xf32>
        %add3A_391 = arith.addf %add3A_355, %get3A_390 : vector<16xf32>
        %add3A_392 = arith.constant 3 : i32
        %add3A_393 = arith.addi %mul3A_287, %add3A_392 : i32
        %get3A_394 = arith.constant 1 : i32
        %get3A_395 = arith.index_cast %get3A_394 : i32 to index
        %get3A_396 = arith.index_cast %add3A_393 : i32 to index
        %get3A_397 = arith.constant 80 : index
        %get3A_398 = tpu.vector_load %arg13[%get3A_395, %get3A_396, %get3A_397] {strides = array<i32>} : memref<2x320x128xf32, #tpu.memory_space<vmem>>, vector<1x1x16xf32>,
        %get3A_399 = vector.shape_cast %get3A_398 : vector<1x1x16xf32> to vector<16xf32>
        %add3A_400 = arith.addf %add3A_364, %get3A_399 : vector<16xf32>
        %add3A_401 = arith.constant 3 : i32
        %add3A_402 = arith.addi %mul3A_287, %add3A_401 : i32
        %get3A_403 = arith.constant 1 : i32
        %get3A_404 = arith.index_cast %get3A_403 : i32 to index
        %get3A_405 = arith.index_cast %add3A_402 : i32 to index
        %get3A_406 = arith.constant 96 : index
        %get3A_407 = tpu.vector_load %arg13[%get3A_404, %get3A_405, %get3A_406] {strides = array<i32>} : memref<2x320x128xf32, #tpu.memory_space<vmem>>, vector<1x1x16xf32>,
        %get3A_408 = vector.shape_cast %get3A_407 : vector<1x1x16xf32> to vector<16xf32>
        %add3A_409 = arith.addf %add3A_373, %get3A_408 : vector<16xf32>
        %add3A_410 = arith.constant 3 : i32
        %add3A_411 = arith.addi %mul3A_287, %add3A_410 : i32
        %get3A_412 = arith.constant 1 : i32
        %get3A_413 = arith.index_cast %get3A_412 : i32 to index
        %get3A_414 = arith.index_cast %add3A_411 : i32 to index
        %get3A_415 = arith.constant 112 : index
        %get3A_416 = tpu.vector_load %arg13[%get3A_413, %get3A_414, %get3A_415] {strides = array<i32>} : memref<2x320x128xf32, #tpu.memory_space<vmem>>, vector<1x1x16xf32>,
        %get3A_417 = vector.shape_cast %get3A_416 : vector<1x1x16xf32> to vector<16xf32>
        %add3A_418 = arith.addf %add3A_382, %get3A_417 : vector<16xf32>
        %add3A_419 = arith.constant 4 : i32
        %add3A_420 = arith.addi %mul3A_287, %add3A_419 : i32
        %get3A_421 = arith.constant 1 : i32
        %get3A_422 = arith.index_cast %get3A_421 : i32 to index
        %get3A_423 = arith.index_cast %add3A_420 : i32 to index
        %get3A_424 = arith.constant 64 : index
        %get3A_425 = tpu.vector_load %arg13[%get3A_422, %get3A_423, %get3A_424] {strides = array<i32>} : memref<2x320x128xf32, #tpu.memory_space<vmem>>, vector<1x1x16xf32>,
        %get3A_426 = vector.shape_cast %get3A_425 : vector<1x1x16xf32> to vector<16xf32>
        %add3A_427 = arith.addf %add3A_391, %get3A_426 : vector<16xf32>
        %add3A_428 = arith.constant 4 : i32
        %add3A_429 = arith.addi %mul3A_287, %add3A_428 : i32
        %get3A_430 = arith.constant 1 : i32
        %get3A_431 = arith.index_cast %get3A_430 : i32 to index
        %get3A_432 = arith.index_cast %add3A_429 : i32 to index
        %get3A_433 = arith.constant 80 : index
        %get3A_434 = tpu.vector_load %arg13[%get3A_431, %get3A_432, %get3A_433] {strides = array<i32>} : memref<2x320x128xf32, #tpu.memory_space<vmem>>, vector<1x1x16xf32>,
        %get3A_435 = vector.shape_cast %get3A_434 : vector<1x1x16xf32> to vector<16xf32>
        %add3A_436 = arith.addf %add3A_400, %get3A_435 : vector<16xf32>
        %add3A_437 = arith.constant 4 : i32
        %add3A_438 = arith.addi %mul3A_287, %add3A_437 : i32
        %get3A_439 = arith.constant 1 : i32
        %get3A_440 = arith.index_cast %get3A_439 : i32 to index
        %get3A_441 = arith.index_cast %add3A_438 : i32 to index
        %get3A_442 = arith.constant 96 : index
        %get3A_443 = tpu.vector_load %arg13[%get3A_440, %get3A_441, %get3A_442] {strides = array<i32>} : memref<2x320x128xf32, #tpu.memory_space<vmem>>, vector<1x1x16xf32>,
        %get3A_444 = vector.shape_cast %get3A_443 : vector<1x1x16xf32> to vector<16xf32>
        %add3A_445 = arith.addf %add3A_409, %get3A_444 : vector<16xf32>
        %add3A_446 = arith.constant 4 : i32
        %add3A_447 = arith.addi %mul3A_287, %add3A_446 : i32
        %get3A_448 = arith.constant 1 : i32
        %get3A_449 = arith.index_cast %get3A_448 : i32 to index
        %get3A_450 = arith.index_cast %add3A_447 : i32 to index
        %get3A_451 = arith.constant 112 : index
        %get3A_452 = tpu.vector_load %arg13[%get3A_449, %get3A_450, %get3A_451] {strides = array<i32>} : memref<2x320x128xf32, #tpu.memory_space<vmem>>, vector<1x1x16xf32>,
        %get3A_453 = vector.shape_cast %get3A_452 : vector<1x1x16xf32> to vector<16xf32>
        %add3A_454 = arith.addf %add3A_418, %get3A_453 : vector<16xf32>
        %add3A_455 = arith.constant 5 : i32
        %add3A_456 = arith.addi %mul3A_287, %add3A_455 : i32
        %get3A_457 = arith.constant 1 : i32
        %get3A_458 = arith.index_cast %get3A_457 : i32 to index
        %get3A_459 = arith.index_cast %add3A_456 : i32 to index
        %get3A_460 = arith.constant 64 : index
        %get3A_461 = tpu.vector_load %arg13[%get3A_458, %get3A_459, %get3A_460] {strides = array<i32>} : memref<2x320x128xf32, #tpu.memory_space<vmem>>, vector<1x1x16xf32>,
        %get3A_462 = vector.shape_cast %get3A_461 : vector<1x1x16xf32> to vector<16xf32>
        %add3A_463 = arith.addf %add3A_427, %get3A_462 : vector<16xf32>
        %add3A_464 = arith.constant 5 : i32
        %add3A_465 = arith.addi %mul3A_287, %add3A_464 : i32
        %get3A_466 = arith.constant 1 : i32
        %get3A_467 = arith.index_cast %get3A_466 : i32 to index
        %get3A_468 = arith.index_cast %add3A_465 : i32 to index
        %get3A_469 = arith.constant 80 : index
        %get3A_470 = tpu.vector_load %arg13[%get3A_467, %get3A_468, %get3A_469] {strides = array<i32>} : memref<2x320x128xf32, #tpu.memory_space<vmem>>, vector<1x1x16xf32>,
        %get3A_471 = vector.shape_cast %get3A_470 : vector<1x1x16xf32> to vector<16xf32>
        %add3A_472 = arith.addf %add3A_436, %get3A_471 : vector<16xf32>
        %add3A_473 = arith.constant 5 : i32
        %add3A_474 = arith.addi %mul3A_287, %add3A_473 : i32
        %get3A_475 = arith.constant 1 : i32
        %get3A_476 = arith.index_cast %get3A_475 : i32 to index
        %get3A_477 = arith.index_cast %add3A_474 : i32 to index
        %get3A_478 = arith.constant 96 : index
        %get3A_479 = tpu.vector_load %arg13[%get3A_476, %get3A_477, %get3A_478] {strides = array<i32>} : memref<2x320x128xf32, #tpu.memory_space<vmem>>, vector<1x1x16xf32>,
        %get3A_480 = vector.shape_cast %get3A_479 : vector<1x1x16xf32> to vector<16xf32>
        %add3A_481 = arith.addf %add3A_445, %get3A_480 : vector<16xf32>
        %add3A_482 = arith.constant 5 : i32
        %add3A_483 = arith.addi %mul3A_287, %add3A_482 : i32
        %get3A_484 = arith.constant 1 : i32
        %get3A_485 = arith.index_cast %get3A_484 : i32 to index
        %get3A_486 = arith.index_cast %add3A_483 : i32 to index
        %get3A_487 = arith.constant 112 : index
        %get3A_488 = tpu.vector_load %arg13[%get3A_485, %get3A_486, %get3A_487] {strides = array<i32>} : memref<2x320x128xf32, #tpu.memory_space<vmem>>, vector<1x1x16xf32>,
        %get3A_489 = vector.shape_cast %get3A_488 : vector<1x1x16xf32> to vector<16xf32>
        %add3A_490 = arith.addf %add3A_454, %get3A_489 : vector<16xf32>
        %add3A_491 = arith.constant 6 : i32
        %add3A_492 = arith.addi %mul3A_287, %add3A_491 : i32
        %get3A_493 = arith.constant 1 : i32
        %get3A_494 = arith.index_cast %get3A_493 : i32 to index
        %get3A_495 = arith.index_cast %add3A_492 : i32 to index
        %get3A_496 = arith.constant 64 : index
        %get3A_497 = tpu.vector_load %arg13[%get3A_494, %get3A_495, %get3A_496] {strides = array<i32>} : memref<2x320x128xf32, #tpu.memory_space<vmem>>, vector<1x1x16xf32>,
        %get3A_498 = vector.shape_cast %get3A_497 : vector<1x1x16xf32> to vector<16xf32>
        %add3A_499 = arith.addf %add3A_463, %get3A_498 : vector<16xf32>
        %add3A_500 = arith.constant 6 : i32
        %add3A_501 = arith.addi %mul3A_287, %add3A_500 : i32
        %get3A_502 = arith.constant 1 : i32
        %get3A_503 = arith.index_cast %get3A_502 : i32 to index
        %get3A_504 = arith.index_cast %add3A_501 : i32 to index
        %get3A_505 = arith.constant 80 : index
        %get3A_506 = tpu.vector_load %arg13[%get3A_503, %get3A_504, %get3A_505] {strides = array<i32>} : memref<2x320x128xf32, #tpu.memory_space<vmem>>, vector<1x1x16xf32>,
        %get3A_507 = vector.shape_cast %get3A_506 : vector<1x1x16xf32> to vector<16xf32>
        %add3A_508 = arith.addf %add3A_472, %get3A_507 : vector<16xf32>
        %add3A_509 = arith.constant 6 : i32
        %add3A_510 = arith.addi %mul3A_287, %add3A_509 : i32
        %get3A_511 = arith.constant 1 : i32
        %get3A_512 = arith.index_cast %get3A_511 : i32 to index
        %get3A_513 = arith.index_cast %add3A_510 : i32 to index
        %get3A_514 = arith.constant 96 : index
        %get3A_515 = tpu.vector_load %arg13[%get3A_512, %get3A_513, %get3A_514] {strides = array<i32>} : memref<2x320x128xf32, #tpu.memory_space<vmem>>, vector<1x1x16xf32>,
        %get3A_516 = vector.shape_cast %get3A_515 : vector<1x1x16xf32> to vector<16xf32>
        %add3A_517 = arith.addf %add3A_481, %get3A_516 : vector<16xf32>
        %add3A_518 = arith.constant 6 : i32
        %add3A_519 = arith.addi %mul3A_287, %add3A_518 : i32
        %get3A_520 = arith.constant 1 : i32
        %get3A_521 = arith.index_cast %get3A_520 : i32 to index
        %get3A_522 = arith.index_cast %add3A_519 : i32 to index
        %get3A_523 = arith.constant 112 : index
        %get3A_524 = tpu.vector_load %arg13[%get3A_521, %get3A_522, %get3A_523] {strides = array<i32>} : memref<2x320x128xf32, #tpu.memory_space<vmem>>, vector<1x1x16xf32>,
        %get3A_525 = vector.shape_cast %get3A_524 : vector<1x1x16xf32> to vector<16xf32>
        %add3A_526 = arith.addf %add3A_490, %get3A_525 : vector<16xf32>
        %add3A_527 = arith.constant 7 : i32
        %add3A_528 = arith.addi %mul3A_287, %add3A_527 : i32
        %get3A_529 = arith.constant 1 : i32
        %get3A_530 = arith.index_cast %get3A_529 : i32 to index
        %get3A_531 = arith.index_cast %add3A_528 : i32 to index
        %get3A_532 = arith.constant 64 : index
        %get3A_533 = tpu.vector_load %arg13[%get3A_530, %get3A_531, %get3A_532] {strides = array<i32>} : memref<2x320x128xf32, #tpu.memory_space<vmem>>, vector<1x1x16xf32>,
        %get3A_534 = vector.shape_cast %get3A_533 : vector<1x1x16xf32> to vector<16xf32>
        %add3A_535 = arith.addf %add3A_499, %get3A_534 : vector<16xf32>
        %add3A_536 = arith.constant 7 : i32
        %add3A_537 = arith.addi %mul3A_287, %add3A_536 : i32
        %get3A_538 = arith.constant 1 : i32
        %get3A_539 = arith.index_cast %get3A_538 : i32 to index
        %get3A_540 = arith.index_cast %add3A_537 : i32 to index
        %get3A_541 = arith.constant 80 : index
        %get3A_542 = tpu.vector_load %arg13[%get3A_539, %get3A_540, %get3A_541] {strides = array<i32>} : memref<2x320x128xf32, #tpu.memory_space<vmem>>, vector<1x1x16xf32>,
        %get3A_543 = vector.shape_cast %get3A_542 : vector<1x1x16xf32> to vector<16xf32>
        %add3A_544 = arith.addf %add3A_508, %get3A_543 : vector<16xf32>
        %add3A_545 = arith.constant 7 : i32
        %add3A_546 = arith.addi %mul3A_287, %add3A_545 : i32
        %get3A_547 = arith.constant 1 : i32
        %get3A_548 = arith.index_cast %get3A_547 : i32 to index
        %get3A_549 = arith.index_cast %add3A_546 : i32 to index
        %get3A_550 = arith.constant 96 : index
        %get3A_551 = tpu.vector_load %arg13[%get3A_548, %get3A_549, %get3A_550] {strides = array<i32>} : memref<2x320x128xf32, #tpu.memory_space<vmem>>, vector<1x1x16xf32>,
        %get3A_552 = vector.shape_cast %get3A_551 : vector<1x1x16xf32> to vector<16xf32>
        %add3A_553 = arith.addf %add3A_517, %get3A_552 : vector<16xf32>
        %add3A_554 = arith.constant 7 : i32
        %add3A_555 = arith.addi %mul3A_287, %add3A_554 : i32
        %get3A_556 = arith.constant 1 : i32
        %get3A_557 = arith.index_cast %get3A_556 : i32 to index
        %get3A_558 = arith.index_cast %add3A_555 : i32 to index
        %get3A_559 = arith.constant 112 : index
        %get3A_560 = tpu.vector_load %arg13[%get3A_557, %get3A_558, %get3A_559] {strides = array<i32>} : memref<2x320x128xf32, #tpu.memory_space<vmem>>, vector<1x1x16xf32>,
        %get3A_561 = vector.shape_cast %get3A_560 : vector<1x1x16xf32> to vector<16xf32>
        %add3A_562 = arith.addf %add3A_526, %get3A_561 : vector<16xf32>
        %add3A_563 = arith.constant 8 : i32
        %add3A_564 = arith.addi %mul3A_287, %add3A_563 : i32
        %get3A_565 = arith.constant 1 : i32
        %get3A_566 = arith.index_cast %get3A_565 : i32 to index
        %get3A_567 = arith.index_cast %add3A_564 : i32 to index
        %get3A_568 = arith.constant 64 : index
        %get3A_569 = tpu.vector_load %arg13[%get3A_566, %get3A_567, %get3A_568] {strides = array<i32>} : memref<2x320x128xf32, #tpu.memory_space<vmem>>, vector<1x1x16xf32>,
        %get3A_570 = vector.shape_cast %get3A_569 : vector<1x1x16xf32> to vector<16xf32>
        %add3A_571 = arith.addf %add3A_535, %get3A_570 : vector<16xf32>
        %add3A_572 = arith.constant 8 : i32
        %add3A_573 = arith.addi %mul3A_287, %add3A_572 : i32
        %get3A_574 = arith.constant 1 : i32
        %get3A_575 = arith.index_cast %get3A_574 : i32 to index
        %get3A_576 = arith.index_cast %add3A_573 : i32 to index
        %get3A_577 = arith.constant 80 : index
        %get3A_578 = tpu.vector_load %arg13[%get3A_575, %get3A_576, %get3A_577] {strides = array<i32>} : memref<2x320x128xf32, #tpu.memory_space<vmem>>, vector<1x1x16xf32>,
        %get3A_579 = vector.shape_cast %get3A_578 : vector<1x1x16xf32> to vector<16xf32>
        %add3A_580 = arith.addf %add3A_544, %get3A_579 : vector<16xf32>
        %add3A_581 = arith.constant 8 : i32
        %add3A_582 = arith.addi %mul3A_287, %add3A_581 : i32
        %get3A_583 = arith.constant 1 : i32
        %get3A_584 = arith.index_cast %get3A_583 : i32 to index
        %get3A_585 = arith.index_cast %add3A_582 : i32 to index
        %get3A_586 = arith.constant 96 : index
        %get3A_587 = tpu.vector_load %arg13[%get3A_584, %get3A_585, %get3A_586] {strides = array<i32>} : memref<2x320x128xf32, #tpu.memory_space<vmem>>, vector<1x1x16xf32>,
        %get3A_588 = vector.shape_cast %get3A_587 : vector<1x1x16xf32> to vector<16xf32>
        %add3A_589 = arith.addf %add3A_553, %get3A_588 : vector<16xf32>
        %add3A_590 = arith.constant 8 : i32
        %add3A_591 = arith.addi %mul3A_287, %add3A_590 : i32
        %get3A_592 = arith.constant 1 : i32
        %get3A_593 = arith.index_cast %get3A_592 : i32 to index
        %get3A_594 = arith.index_cast %add3A_591 : i32 to index
        %get3A_595 = arith.constant 112 : index
        %get3A_596 = tpu.vector_load %arg13[%get3A_593, %get3A_594, %get3A_595] {strides = array<i32>} : memref<2x320x128xf32, #tpu.memory_space<vmem>>, vector<1x1x16xf32>,
        %get3A_597 = vector.shape_cast %get3A_596 : vector<1x1x16xf32> to vector<16xf32>
        %add3A_598 = arith.addf %add3A_562, %get3A_597 : vector<16xf32>
        %add3A_599 = arith.constant 9 : i32
        %add3A_600 = arith.addi %mul3A_287, %add3A_599 : i32
        %get3A_601 = arith.constant 1 : i32
        %get3A_602 = arith.index_cast %get3A_601 : i32 to index
        %get3A_603 = arith.index_cast %add3A_600 : i32 to index
        %get3A_604 = arith.constant 64 : index
        %get3A_605 = tpu.vector_load %arg13[%get3A_602, %get3A_603, %get3A_604] {strides = array<i32>} : memref<2x320x128xf32, #tpu.memory_space<vmem>>, vector<1x1x16xf32>,
        %get3A_606 = vector.shape_cast %get3A_605 : vector<1x1x16xf32> to vector<16xf32>
        %add3A_607 = arith.addf %add3A_571, %get3A_606 : vector<16xf32>
        %add3A_608 = arith.constant 9 : i32
        %add3A_609 = arith.addi %mul3A_287, %add3A_608 : i32
        %get3A_610 = arith.constant 1 : i32
        %get3A_611 = arith.index_cast %get3A_610 : i32 to index
        %get3A_612 = arith.index_cast %add3A_609 : i32 to index
        %get3A_613 = arith.constant 80 : index
        %get3A_614 = tpu.vector_load %arg13[%get3A_611, %get3A_612, %get3A_613] {strides = array<i32>} : memref<2x320x128xf32, #tpu.memory_space<vmem>>, vector<1x1x16xf32>,
        %get3A_615 = vector.shape_cast %get3A_614 : vector<1x1x16xf32> to vector<16xf32>
        %add3A_616 = arith.addf %add3A_580, %get3A_615 : vector<16xf32>
        %add3A_617 = arith.constant 9 : i32
        %add3A_618 = arith.addi %mul3A_287, %add3A_617 : i32
        %get3A_619 = arith.constant 1 : i32
        %get3A_620 = arith.index_cast %get3A_619 : i32 to index
        %get3A_621 = arith.index_cast %add3A_618 : i32 to index
        %get3A_622 = arith.constant 96 : index
        %get3A_623 = tpu.vector_load %arg13[%get3A_620, %get3A_621, %get3A_622] {strides = array<i32>} : memref<2x320x128xf32, #tpu.memory_space<vmem>>, vector<1x1x16xf32>,
        %get3A_624 = vector.shape_cast %get3A_623 : vector<1x1x16xf32> to vector<16xf32>
        %add3A_625 = arith.addf %add3A_589, %get3A_624 : vector<16xf32>
        %add3A_626 = arith.constant 9 : i32
        %add3A_627 = arith.addi %mul3A_287, %add3A_626 : i32
        %get3A_628 = arith.constant 1 : i32
        %get3A_629 = arith.index_cast %get3A_628 : i32 to index
        %get3A_630 = arith.index_cast %add3A_627 : i32 to index
        %get3A_631 = arith.constant 112 : index
        %get3A_632 = tpu.vector_load %arg13[%get3A_629, %get3A_630, %get3A_631] {strides = array<i32>} : memref<2x320x128xf32, #tpu.memory_space<vmem>>, vector<1x1x16xf32>,
        %get3A_633 = vector.shape_cast %get3A_632 : vector<1x1x16xf32> to vector<16xf32>
        %add3A_634 = arith.addf %add3A_598, %get3A_633 : vector<16xf32>
        %add3A_635 = arith.constant 10 : i32
        %add3A_636 = arith.addi %mul3A_287, %add3A_635 : i32
        %get3A_637 = arith.constant 1 : i32
        %get3A_638 = arith.index_cast %get3A_637 : i32 to index
        %get3A_639 = arith.index_cast %add3A_636 : i32 to index
        %get3A_640 = arith.constant 64 : index
        %get3A_641 = tpu.vector_load %arg13[%get3A_638, %get3A_639, %get3A_640] {strides = array<i32>} : memref<2x320x128xf32, #tpu.memory_space<vmem>>, vector<1x1x16xf32>,
        %get3A_642 = vector.shape_cast %get3A_641 : vector<1x1x16xf32> to vector<16xf32>
        %add3A_643 = arith.addf %add3A_607, %get3A_642 : vector<16xf32>
        %add3A_644 = arith.constant 10 : i32
        %add3A_645 = arith.addi %mul3A_287, %add3A_644 : i32
        %get3A_646 = arith.constant 1 : i32
        %get3A_647 = arith.index_cast %get3A_646 : i32 to index
        %get3A_648 = arith.index_cast %add3A_645 : i32 to index
        %get3A_649 = arith.constant 80 : index
        %get3A_650 = tpu.vector_load %arg13[%get3A_647, %get3A_648, %get3A_649] {strides = array<i32>} : memref<2x320x128xf32, #tpu.memory_space<vmem>>, vector<1x1x16xf32>,
        %get3A_651 = vector.shape_cast %get3A_650 : vector<1x1x16xf32> to vector<16xf32>
        %add3A_652 = arith.addf %add3A_616, %get3A_651 : vector<16xf32>
        %add3A_653 = arith.constant 10 : i32
        %add3A_654 = arith.addi %mul3A_287, %add3A_653 : i32
        %get3A_655 = arith.constant 1 : i32
        %get3A_656 = arith.index_cast %get3A_655 : i32 to index
        %get3A_657 = arith.index_cast %add3A_654 : i32 to index
        %get3A_658 = arith.constant 96 : index
        %get3A_659 = tpu.vector_load %arg13[%get3A_656, %get3A_657, %get3A_658] {strides = array<i32>} : memref<2x320x128xf32, #tpu.memory_space<vmem>>, vector<1x1x16xf32>,
        %get3A_660 = vector.shape_cast %get3A_659 : vector<1x1x16xf32> to vector<16xf32>
        %add3A_661 = arith.addf %add3A_625, %get3A_660 : vector<16xf32>
        %add3A_662 = arith.constant 10 : i32
        %add3A_663 = arith.addi %mul3A_287, %add3A_662 : i32
        %get3A_664 = arith.constant 1 : i32
        %get3A_665 = arith.index_cast %get3A_664 : i32 to index
        %get3A_666 = arith.index_cast %add3A_663 : i32 to index
        %get3A_667 = arith.constant 112 : index
        %get3A_668 = tpu.vector_load %arg13[%get3A_665, %get3A_666, %get3A_667] {strides = array<i32>} : memref<2x320x128xf32, #tpu.memory_space<vmem>>, vector<1x1x16xf32>,
        %get3A_669 = vector.shape_cast %get3A_668 : vector<1x1x16xf32> to vector<16xf32>
        %add3A_670 = arith.addf %add3A_634, %get3A_669 : vector<16xf32>
        %add3A_671 = arith.constant 11 : i32
        %add3A_672 = arith.addi %mul3A_287, %add3A_671 : i32
        %get3A_673 = arith.constant 1 : i32
        %get3A_674 = arith.index_cast %get3A_673 : i32 to index
        %get3A_675 = arith.index_cast %add3A_672 : i32 to index
        %get3A_676 = arith.constant 64 : index
        %get3A_677 = tpu.vector_load %arg13[%get3A_674, %get3A_675, %get3A_676] {strides = array<i32>} : memref<2x320x128xf32, #tpu.memory_space<vmem>>, vector<1x1x16xf32>,
        %get3A_678 = vector.shape_cast %get3A_677 : vector<1x1x16xf32> to vector<16xf32>
        %add3A_679 = arith.addf %add3A_643, %get3A_678 : vector<16xf32>
        %add3A_680 = arith.constant 11 : i32
        %add3A_681 = arith.addi %mul3A_287, %add3A_680 : i32
        %get3A_682 = arith.constant 1 : i32
        %get3A_683 = arith.index_cast %get3A_682 : i32 to index
        %get3A_684 = arith.index_cast %add3A_681 : i32 to index
        %get3A_685 = arith.constant 80 : index
        %get3A_686 = tpu.vector_load %arg13[%get3A_683, %get3A_684, %get3A_685] {strides = array<i32>} : memref<2x320x128xf32, #tpu.memory_space<vmem>>, vector<1x1x16xf32>,
        %get3A_687 = vector.shape_cast %get3A_686 : vector<1x1x16xf32> to vector<16xf32>
        %add3A_688 = arith.addf %add3A_652, %get3A_687 : vector<16xf32>
        %add3A_689 = arith.constant 11 : i32
        %add3A_690 = arith.addi %mul3A_287, %add3A_689 : i32
        %get3A_691 = arith.constant 1 : i32
        %get3A_692 = arith.index_cast %get3A_691 : i32 to index
        %get3A_693 = arith.index_cast %add3A_690 : i32 to index
        %get3A_694 = arith.constant 96 : index
        %get3A_695 = tpu.vector_load %arg13[%get3A_692, %get3A_693, %get3A_694] {strides = array<i32>} : memref<2x320x128xf32, #tpu.memory_space<vmem>>, vector<1x1x16xf32>,
        %get3A_696 = vector.shape_cast %get3A_695 : vector<1x1x16xf32> to vector<16xf32>
        %add3A_697 = arith.addf %add3A_661, %get3A_696 : vector<16xf32>
        %add3A_698 = arith.constant 11 : i32
        %add3A_699 = arith.addi %mul3A_287, %add3A_698 : i32
        %get3A_700 = arith.constant 1 : i32
        %get3A_701 = arith.index_cast %get3A_700 : i32 to index
        %get3A_702 = arith.index_cast %add3A_699 : i32 to index
        %get3A_703 = arith.constant 112 : index
        %get3A_704 = tpu.vector_load %arg13[%get3A_701, %get3A_702, %get3A_703] {strides = array<i32>} : memref<2x320x128xf32, #tpu.memory_space<vmem>>, vector<1x1x16xf32>,
        %get3A_705 = vector.shape_cast %get3A_704 : vector<1x1x16xf32> to vector<16xf32>
        %add3A_706 = arith.addf %add3A_670, %get3A_705 : vector<16xf32>
        %add3A_707 = arith.constant 12 : i32
        %add3A_708 = arith.addi %mul3A_287, %add3A_707 : i32
        %get3A_709 = arith.constant 1 : i32
        %get3A_710 = arith.index_cast %get3A_709 : i32 to index
        %get3A_711 = arith.index_cast %add3A_708 : i32 to index
        %get3A_712 = arith.constant 64 : index
        %get3A_713 = tpu.vector_load %arg13[%get3A_710, %get3A_711, %get3A_712] {strides = array<i32>} : memref<2x320x128xf32, #tpu.memory_space<vmem>>, vector<1x1x16xf32>,
        %get3A_714 = vector.shape_cast %get3A_713 : vector<1x1x16xf32> to vector<16xf32>
        %add3A_715 = arith.addf %add3A_679, %get3A_714 : vector<16xf32>
        %add3A_716 = arith.constant 12 : i32
        %add3A_717 = arith.addi %mul3A_287, %add3A_716 : i32
        %get3A_718 = arith.constant 1 : i32
        %get3A_719 = arith.index_cast %get3A_718 : i32 to index
        %get3A_720 = arith.index_cast %add3A_717 : i32 to index
        %get3A_721 = arith.constant 80 : index
        %get3A_722 = tpu.vector_load %arg13[%get3A_719, %get3A_720, %get3A_721] {strides = array<i32>} : memref<2x320x128xf32, #tpu.memory_space<vmem>>, vector<1x1x16xf32>,
        %get3A_723 = vector.shape_cast %get3A_722 : vector<1x1x16xf32> to vector<16xf32>
        %add3A_724 = arith.addf %add3A_688, %get3A_723 : vector<16xf32>
        %add3A_725 = arith.constant 12 : i32
        %add3A_726 = arith.addi %mul3A_287, %add3A_725 : i32
        %get3A_727 = arith.constant 1 : i32
        %get3A_728 = arith.index_cast %get3A_727 : i32 to index
        %get3A_729 = arith.index_cast %add3A_726 : i32 to index
        %get3A_730 = arith.constant 96 : index
        %get3A_731 = tpu.vector_load %arg13[%get3A_728, %get3A_729, %get3A_730] {strides = array<i32>} : memref<2x320x128xf32, #tpu.memory_space<vmem>>, vector<1x1x16xf32>,
        %get3A_732 = vector.shape_cast %get3A_731 : vector<1x1x16xf32> to vector<16xf32>
        %add3A_733 = arith.addf %add3A_697, %get3A_732 : vector<16xf32>
        %add3A_734 = arith.constant 12 : i32
        %add3A_735 = arith.addi %mul3A_287, %add3A_734 : i32
        %get3A_736 = arith.constant 1 : i32
        %get3A_737 = arith.index_cast %get3A_736 : i32 to index
        %get3A_738 = arith.index_cast %add3A_735 : i32 to index
        %get3A_739 = arith.constant 112 : index
        %get3A_740 = tpu.vector_load %arg13[%get3A_737, %get3A_738, %get3A_739] {strides = array<i32>} : memref<2x320x128xf32, #tpu.memory_space<vmem>>, vector<1x1x16xf32>,
        %get3A_741 = vector.shape_cast %get3A_740 : vector<1x1x16xf32> to vector<16xf32>
        %add3A_742 = arith.addf %add3A_706, %get3A_741 : vector<16xf32>
        %add3A_743 = arith.constant 13 : i32
        %add3A_744 = arith.addi %mul3A_287, %add3A_743 : i32
        %get3A_745 = arith.constant 1 : i32
        %get3A_746 = arith.index_cast %get3A_745 : i32 to index
        %get3A_747 = arith.index_cast %add3A_744 : i32 to index
        %get3A_748 = arith.constant 64 : index
        %get3A_749 = tpu.vector_load %arg13[%get3A_746, %get3A_747, %get3A_748] {strides = array<i32>} : memref<2x320x128xf32, #tpu.memory_space<vmem>>, vector<1x1x16xf32>,
        %get3A_750 = vector.shape_cast %get3A_749 : vector<1x1x16xf32> to vector<16xf32>
        %add3A_751 = arith.addf %add3A_715, %get3A_750 : vector<16xf32>
        %add3A_752 = arith.constant 13 : i32
        %add3A_753 = arith.addi %mul3A_287, %add3A_752 : i32
        %get3A_754 = arith.constant 1 : i32
        %get3A_755 = arith.index_cast %get3A_754 : i32 to index
        %get3A_756 = arith.index_cast %add3A_753 : i32 to index
        %get3A_757 = arith.constant 80 : index
        %get3A_758 = tpu.vector_load %arg13[%get3A_755, %get3A_756, %get3A_757] {strides = array<i32>} : memref<2x320x128xf32, #tpu.memory_space<vmem>>, vector<1x1x16xf32>,
        %get3A_759 = vector.shape_cast %get3A_758 : vector<1x1x16xf32> to vector<16xf32>
        %add3A_760 = arith.addf %add3A_724, %get3A_759 : vector<16xf32>
        %add3A_761 = arith.constant 13 : i32
        %add3A_762 = arith.addi %mul3A_287, %add3A_761 : i32
        %get3A_763 = arith.constant 1 : i32
        %get3A_764 = arith.index_cast %get3A_763 : i32 to index
        %get3A_765 = arith.index_cast %add3A_762 : i32 to index
        %get3A_766 = arith.constant 96 : index
        %get3A_767 = tpu.vector_load %arg13[%get3A_764, %get3A_765, %get3A_766] {strides = array<i32>} : memref<2x320x128xf32, #tpu.memory_space<vmem>>, vector<1x1x16xf32>,
        %get3A_768 = vector.shape_cast %get3A_767 : vector<1x1x16xf32> to vector<16xf32>
        %add3A_769 = arith.addf %add3A_733, %get3A_768 : vector<16xf32>
        %add3A_770 = arith.constant 13 : i32
        %add3A_771 = arith.addi %mul3A_287, %add3A_770 : i32
        %get3A_772 = arith.constant 1 : i32
        %get3A_773 = arith.index_cast %get3A_772 : i32 to index
        %get3A_774 = arith.index_cast %add3A_771 : i32 to index
        %get3A_775 = arith.constant 112 : index
        %get3A_776 = tpu.vector_load %arg13[%get3A_773, %get3A_774, %get3A_775] {strides = array<i32>} : memref<2x320x128xf32, #tpu.memory_space<vmem>>, vector<1x1x16xf32>,
        %get3A_777 = vector.shape_cast %get3A_776 : vector<1x1x16xf32> to vector<16xf32>
        %add3A_778 = arith.addf %add3A_742, %get3A_777 : vector<16xf32>
        %add3A_779 = arith.constant 14 : i32
        %add3A_780 = arith.addi %mul3A_287, %add3A_779 : i32
        %get3A_781 = arith.constant 1 : i32
        %get3A_782 = arith.index_cast %get3A_781 : i32 to index
        %get3A_783 = arith.index_cast %add3A_780 : i32 to index
        %get3A_784 = arith.constant 64 : index
        %get3A_785 = tpu.vector_load %arg13[%get3A_782, %get3A_783, %get3A_784] {strides = array<i32>} : memref<2x320x128xf32, #tpu.memory_space<vmem>>, vector<1x1x16xf32>,
        %get3A_786 = vector.shape_cast %get3A_785 : vector<1x1x16xf32> to vector<16xf32>
        %add3A_787 = arith.addf %add3A_751, %get3A_786 : vector<16xf32>
        %add3A_788 = arith.constant 14 : i32
        %add3A_789 = arith.addi %mul3A_287, %add3A_788 : i32
        %get3A_790 = arith.constant 1 : i32
        %get3A_791 = arith.index_cast %get3A_790 : i32 to index
        %get3A_792 = arith.index_cast %add3A_789 : i32 to index
        %get3A_793 = arith.constant 80 : index
        %get3A_794 = tpu.vector_load %arg13[%get3A_791, %get3A_792, %get3A_793] {strides = array<i32>} : memref<2x320x128xf32, #tpu.memory_space<vmem>>, vector<1x1x16xf32>,
        %get3A_795 = vector.shape_cast %get3A_794 : vector<1x1x16xf32> to vector<16xf32>
        %add3A_796 = arith.addf %add3A_760, %get3A_795 : vector<16xf32>
        %add3A_797 = arith.constant 14 : i32
        %add3A_798 = arith.addi %mul3A_287, %add3A_797 : i32
        %get3A_799 = arith.constant 1 : i32
        %get3A_800 = arith.index_cast %get3A_799 : i32 to index
        %get3A_801 = arith.index_cast %add3A_798 : i32 to index
        %get3A_802 = arith.constant 96 : index
        %get3A_803 = tpu.vector_load %arg13[%get3A_800, %get3A_801, %get3A_802] {strides = array<i32>} : memref<2x320x128xf32, #tpu.memory_space<vmem>>, vector<1x1x16xf32>,
        %get3A_804 = vector.shape_cast %get3A_803 : vector<1x1x16xf32> to vector<16xf32>
        %add3A_805 = arith.addf %add3A_769, %get3A_804 : vector<16xf32>
        %add3A_806 = arith.constant 14 : i32
        %add3A_807 = arith.addi %mul3A_287, %add3A_806 : i32
        %get3A_808 = arith.constant 1 : i32
        %get3A_809 = arith.index_cast %get3A_808 : i32 to index
        %get3A_810 = arith.index_cast %add3A_807 : i32 to index
        %get3A_811 = arith.constant 112 : index
        %get3A_812 = tpu.vector_load %arg13[%get3A_809, %get3A_810, %get3A_811] {strides = array<i32>} : memref<2x320x128xf32, #tpu.memory_space<vmem>>, vector<1x1x16xf32>,
        %get3A_813 = vector.shape_cast %get3A_812 : vector<1x1x16xf32> to vector<16xf32>
        %add3A_814 = arith.addf %add3A_778, %get3A_813 : vector<16xf32>
        %add3A_815 = arith.constant 15 : i32
        %add3A_816 = arith.addi %mul3A_287, %add3A_815 : i32
        %get3A_817 = arith.constant 1 : i32
        %get3A_818 = arith.index_cast %get3A_817 : i32 to index
        %get3A_819 = arith.index_cast %add3A_816 : i32 to index
        %get3A_820 = arith.constant 64 : index
        %get3A_821 = tpu.vector_load %arg13[%get3A_818, %get3A_819, %get3A_820] {strides = array<i32>} : memref<2x320x128xf32, #tpu.memory_space<vmem>>, vector<1x1x16xf32>,
        %get3A_822 = vector.shape_cast %get3A_821 : vector<1x1x16xf32> to vector<16xf32>
        %add3A_823 = arith.addf %add3A_787, %get3A_822 : vector<16xf32>
        %add3A_824 = arith.constant 15 : i32
        %add3A_825 = arith.addi %mul3A_287, %add3A_824 : i32
        %get3A_826 = arith.constant 1 : i32
        %get3A_827 = arith.index_cast %get3A_826 : i32 to index
        %get3A_828 = arith.index_cast %add3A_825 : i32 to index
        %get3A_829 = arith.constant 80 : index
        %get3A_830 = tpu.vector_load %arg13[%get3A_827, %get3A_828, %get3A_829] {strides = array<i32>} : memref<2x320x128xf32, #tpu.memory_space<vmem>>, vector<1x1x16xf32>,
        %get3A_831 = vector.shape_cast %get3A_830 : vector<1x1x16xf32> to vector<16xf32>
        %add3A_832 = arith.addf %add3A_796, %get3A_831 : vector<16xf32>
        %add3A_833 = arith.constant 15 : i32
        %add3A_834 = arith.addi %mul3A_287, %add3A_833 : i32
        %get3A_835 = arith.constant 1 : i32
        %get3A_836 = arith.index_cast %get3A_835 : i32 to index
        %get3A_837 = arith.index_cast %add3A_834 : i32 to index
        %get3A_838 = arith.constant 96 : index
        %get3A_839 = tpu.vector_load %arg13[%get3A_836, %get3A_837, %get3A_838] {strides = array<i32>} : memref<2x320x128xf32, #tpu.memory_space<vmem>>, vector<1x1x16xf32>,
        %get3A_840 = vector.shape_cast %get3A_839 : vector<1x1x16xf32> to vector<16xf32>
        %add3A_841 = arith.addf %add3A_805, %get3A_840 : vector<16xf32>
        %add3A_842 = arith.constant 15 : i32
        %add3A_843 = arith.addi %mul3A_287, %add3A_842 : i32
        %get3A_844 = arith.constant 1 : i32
        %get3A_845 = arith.index_cast %get3A_844 : i32 to index
        %get3A_846 = arith.index_cast %add3A_843 : i32 to index
        %get3A_847 = arith.constant 112 : index
        %get3A_848 = tpu.vector_load %arg13[%get3A_845, %get3A_846, %get3A_847] {strides = array<i32>} : memref<2x320x128xf32, #tpu.memory_space<vmem>>, vector<1x1x16xf32>,
        %get3A_849 = vector.shape_cast %get3A_848 : vector<1x1x16xf32> to vector<16xf32>
        %add3A_850 = arith.addf %add3A_814, %get3A_849 : vector<16xf32>
        %add3A_851 = arith.constant 16 : i32
        %add3A_852 = arith.addi %mul3A_287, %add3A_851 : i32
        %get3A_853 = arith.constant 1 : i32
        %get3A_854 = arith.index_cast %get3A_853 : i32 to index
        %get3A_855 = arith.index_cast %add3A_852 : i32 to index
        %get3A_856 = arith.constant 64 : index
        %get3A_857 = tpu.vector_load %arg13[%get3A_854, %get3A_855, %get3A_856] {strides = array<i32>} : memref<2x320x128xf32, #tpu.memory_space<vmem>>, vector<1x1x16xf32>,
        %get3A_858 = vector.shape_cast %get3A_857 : vector<1x1x16xf32> to vector<16xf32>
        %add3A_859 = arith.addf %add3A_823, %get3A_858 : vector<16xf32>
        %add3A_860 = arith.constant 16 : i32
        %add3A_861 = arith.addi %mul3A_287, %add3A_860 : i32
        %get3A_862 = arith.constant 1 : i32
        %get3A_863 = arith.index_cast %get3A_862 : i32 to index
        %get3A_864 = arith.index_cast %add3A_861 : i32 to index
        %get3A_865 = arith.constant 80 : index
        %get3A_866 = tpu.vector_load %arg13[%get3A_863, %get3A_864, %get3A_865] {strides = array<i32>} : memref<2x320x128xf32, #tpu.memory_space<vmem>>, vector<1x1x16xf32>,
        %get3A_867 = vector.shape_cast %get3A_866 : vector<1x1x16xf32> to vector<16xf32>
        %add3A_868 = arith.addf %add3A_832, %get3A_867 : vector<16xf32>
        %add3A_869 = arith.constant 16 : i32
        %add3A_870 = arith.addi %mul3A_287, %add3A_869 : i32
        %get3A_871 = arith.constant 1 : i32
        %get3A_872 = arith.index_cast %get3A_871 : i32 to index
        %get3A_873 = arith.index_cast %add3A_870 : i32 to index
        %get3A_874 = arith.constant 96 : index
        %get3A_875 = tpu.vector_load %arg13[%get3A_872, %get3A_873, %get3A_874] {strides = array<i32>} : memref<2x320x128xf32, #tpu.memory_space<vmem>>, vector<1x1x16xf32>,
        %get3A_876 = vector.shape_cast %get3A_875 : vector<1x1x16xf32> to vector<16xf32>
        %add3A_877 = arith.addf %add3A_841, %get3A_876 : vector<16xf32>
        %add3A_878 = arith.constant 16 : i32
        %add3A_879 = arith.addi %mul3A_287, %add3A_878 : i32
        %get3A_880 = arith.constant 1 : i32
        %get3A_881 = arith.index_cast %get3A_880 : i32 to index
        %get3A_882 = arith.index_cast %add3A_879 : i32 to index
        %get3A_883 = arith.constant 112 : index
        %get3A_884 = tpu.vector_load %arg13[%get3A_881, %get3A_882, %get3A_883] {strides = array<i32>} : memref<2x320x128xf32, #tpu.memory_space<vmem>>, vector<1x1x16xf32>,
        %get3A_885 = vector.shape_cast %get3A_884 : vector<1x1x16xf32> to vector<16xf32>
        %add3A_886 = arith.addf %add3A_850, %get3A_885 : vector<16xf32>
        %add3A_887 = arith.constant 17 : i32
        %add3A_888 = arith.addi %mul3A_287, %add3A_887 : i32
        %get3A_889 = arith.constant 1 : i32
        %get3A_890 = arith.index_cast %get3A_889 : i32 to index
        %get3A_891 = arith.index_cast %add3A_888 : i32 to index
        %get3A_892 = arith.constant 64 : index
        %get3A_893 = tpu.vector_load %arg13[%get3A_890, %get3A_891, %get3A_892] {strides = array<i32>} : memref<2x320x128xf32, #tpu.memory_space<vmem>>, vector<1x1x16xf32>,
        %get3A_894 = vector.shape_cast %get3A_893 : vector<1x1x16xf32> to vector<16xf32>
        %add3A_895 = arith.addf %add3A_859, %get3A_894 : vector<16xf32>
        %add3A_896 = arith.constant 17 : i32
        %add3A_897 = arith.addi %mul3A_287, %add3A_896 : i32
        %get3A_898 = arith.constant 1 : i32
        %get3A_899 = arith.index_cast %get3A_898 : i32 to index
        %get3A_900 = arith.index_cast %add3A_897 : i32 to index
        %get3A_901 = arith.constant 80 : index
        %get3A_902 = tpu.vector_load %arg13[%get3A_899, %get3A_900, %get3A_901] {strides = array<i32>} : memref<2x320x128xf32, #tpu.memory_space<vmem>>, vector<1x1x16xf32>,
        %get3A_903 = vector.shape_cast %get3A_902 : vector<1x1x16xf32> to vector<16xf32>
        %add3A_904 = arith.addf %add3A_868, %get3A_903 : vector<16xf32>
        %add3A_905 = arith.constant 17 : i32
        %add3A_906 = arith.addi %mul3A_287, %add3A_905 : i32
        %get3A_907 = arith.constant 1 : i32
        %get3A_908 = arith.index_cast %get3A_907 : i32 to index
        %get3A_909 = arith.index_cast %add3A_906 : i32 to index
        %get3A_910 = arith.constant 96 : index
        %get3A_911 = tpu.vector_load %arg13[%get3A_908, %get3A_909, %get3A_910] {strides = array<i32>} : memref<2x320x128xf32, #tpu.memory_space<vmem>>, vector<1x1x16xf32>,
        %get3A_912 = vector.shape_cast %get3A_911 : vector<1x1x16xf32> to vector<16xf32>
        %add3A_913 = arith.addf %add3A_877, %get3A_912 : vector<16xf32>
        %add3A_914 = arith.constant 17 : i32
        %add3A_915 = arith.addi %mul3A_287, %add3A_914 : i32
        %get3A_916 = arith.constant 1 : i32
        %get3A_917 = arith.index_cast %get3A_916 : i32 to index
        %get3A_918 = arith.index_cast %add3A_915 : i32 to index
        %get3A_919 = arith.constant 112 : index
        %get3A_920 = tpu.vector_load %arg13[%get3A_917, %get3A_918, %get3A_919] {strides = array<i32>} : memref<2x320x128xf32, #tpu.memory_space<vmem>>, vector<1x1x16xf32>,
        %get3A_921 = vector.shape_cast %get3A_920 : vector<1x1x16xf32> to vector<16xf32>
        %add3A_922 = arith.addf %add3A_886, %get3A_921 : vector<16xf32>
        %add3A_923 = arith.constant 18 : i32
        %add3A_924 = arith.addi %mul3A_287, %add3A_923 : i32
        %get3A_925 = arith.constant 1 : i32
        %get3A_926 = arith.index_cast %get3A_925 : i32 to index
        %get3A_927 = arith.index_cast %add3A_924 : i32 to index
        %get3A_928 = arith.constant 64 : index
        %get3A_929 = tpu.vector_load %arg13[%get3A_926, %get3A_927, %get3A_928] {strides = array<i32>} : memref<2x320x128xf32, #tpu.memory_space<vmem>>, vector<1x1x16xf32>,
        %get3A_930 = vector.shape_cast %get3A_929 : vector<1x1x16xf32> to vector<16xf32>
        %add3A_931 = arith.addf %add3A_895, %get3A_930 : vector<16xf32>
        %add3A_932 = arith.constant 18 : i32
        %add3A_933 = arith.addi %mul3A_287, %add3A_932 : i32
        %get3A_934 = arith.constant 1 : i32
        %get3A_935 = arith.index_cast %get3A_934 : i32 to index
        %get3A_936 = arith.index_cast %add3A_933 : i32 to index
        %get3A_937 = arith.constant 80 : index
        %get3A_938 = tpu.vector_load %arg13[%get3A_935, %get3A_936, %get3A_937] {strides = array<i32>} : memref<2x320x128xf32, #tpu.memory_space<vmem>>, vector<1x1x16xf32>,
        %get3A_939 = vector.shape_cast %get3A_938 : vector<1x1x16xf32> to vector<16xf32>
        %add3A_940 = arith.addf %add3A_904, %get3A_939 : vector<16xf32>
        %add3A_941 = arith.constant 18 : i32
        %add3A_942 = arith.addi %mul3A_287, %add3A_941 : i32
        %get3A_943 = arith.constant 1 : i32
        %get3A_944 = arith.index_cast %get3A_943 : i32 to index
        %get3A_945 = arith.index_cast %add3A_942 : i32 to index
        %get3A_946 = arith.constant 96 : index
        %get3A_947 = tpu.vector_load %arg13[%get3A_944, %get3A_945, %get3A_946] {strides = array<i32>} : memref<2x320x128xf32, #tpu.memory_space<vmem>>, vector<1x1x16xf32>,
        %get3A_948 = vector.shape_cast %get3A_947 : vector<1x1x16xf32> to vector<16xf32>
        %add3A_949 = arith.addf %add3A_913, %get3A_948 : vector<16xf32>
        %add3A_950 = arith.constant 18 : i32
        %add3A_951 = arith.addi %mul3A_287, %add3A_950 : i32
        %get3A_952 = arith.constant 1 : i32
        %get3A_953 = arith.index_cast %get3A_952 : i32 to index
        %get3A_954 = arith.index_cast %add3A_951 : i32 to index
        %get3A_955 = arith.constant 112 : index
        %get3A_956 = tpu.vector_load %arg13[%get3A_953, %get3A_954, %get3A_955] {strides = array<i32>} : memref<2x320x128xf32, #tpu.memory_space<vmem>>, vector<1x1x16xf32>,
        %get3A_957 = vector.shape_cast %get3A_956 : vector<1x1x16xf32> to vector<16xf32>
        %add3A_958 = arith.addf %add3A_922, %get3A_957 : vector<16xf32>
        %add3A_959 = arith.constant 19 : i32
        %add3A_960 = arith.addi %mul3A_287, %add3A_959 : i32
        %get3A_961 = arith.constant 1 : i32
        %get3A_962 = arith.index_cast %get3A_961 : i32 to index
        %get3A_963 = arith.index_cast %add3A_960 : i32 to index
        %get3A_964 = arith.constant 64 : index
        %get3A_965 = tpu.vector_load %arg13[%get3A_962, %get3A_963, %get3A_964] {strides = array<i32>} : memref<2x320x128xf32, #tpu.memory_space<vmem>>, vector<1x1x16xf32>,
        %get3A_966 = vector.shape_cast %get3A_965 : vector<1x1x16xf32> to vector<16xf32>
        %add3A_967 = arith.addf %add3A_931, %get3A_966 : vector<16xf32>
        %add3A_968 = arith.constant 19 : i32
        %add3A_969 = arith.addi %mul3A_287, %add3A_968 : i32
        %get3A_970 = arith.constant 1 : i32
        %get3A_971 = arith.index_cast %get3A_970 : i32 to index
        %get3A_972 = arith.index_cast %add3A_969 : i32 to index
        %get3A_973 = arith.constant 80 : index
        %get3A_974 = tpu.vector_load %arg13[%get3A_971, %get3A_972, %get3A_973] {strides = array<i32>} : memref<2x320x128xf32, #tpu.memory_space<vmem>>, vector<1x1x16xf32>,
        %get3A_975 = vector.shape_cast %get3A_974 : vector<1x1x16xf32> to vector<16xf32>
        %add3A_976 = arith.addf %add3A_940, %get3A_975 : vector<16xf32>
        %add3A_977 = arith.constant 19 : i32
        %add3A_978 = arith.addi %mul3A_287, %add3A_977 : i32
        %get3A_979 = arith.constant 1 : i32
        %get3A_980 = arith.index_cast %get3A_979 : i32 to index
        %get3A_981 = arith.index_cast %add3A_978 : i32 to index
        %get3A_982 = arith.constant 96 : index
        %get3A_983 = tpu.vector_load %arg13[%get3A_980, %get3A_981, %get3A_982] {strides = array<i32>} : memref<2x320x128xf32, #tpu.memory_space<vmem>>, vector<1x1x16xf32>,
        %get3A_984 = vector.shape_cast %get3A_983 : vector<1x1x16xf32> to vector<16xf32>
        %add3A_985 = arith.addf %add3A_949, %get3A_984 : vector<16xf32>
        %add3A_986 = arith.constant 19 : i32
        %add3A_987 = arith.addi %mul3A_287, %add3A_986 : i32
        %get3A_988 = arith.constant 1 : i32
        %get3A_989 = arith.index_cast %get3A_988 : i32 to index
        %get3A_990 = arith.index_cast %add3A_987 : i32 to index
        %get3A_991 = arith.constant 112 : index
        %get3A_992 = tpu.vector_load %arg13[%get3A_989, %get3A_990, %get3A_991] {strides = array<i32>} : memref<2x320x128xf32, #tpu.memory_space<vmem>>, vector<1x1x16xf32>,
        %get3A_993 = vector.shape_cast %get3A_992 : vector<1x1x16xf32> to vector<16xf32>
        %add3A_994 = arith.addf %add3A_958, %get3A_993 : vector<16xf32>
        %get3A_995 = arith.constant 1 : i32
        %get3A_996 = arith.index_cast %get3A_995 : i32 to index
        %get3A_997 = arith.index_cast %scan3A_282 : i32 to index
        %get3A_998 = arith.constant 0 : index
        %get3A_999 = tpu.vector_load %arg11[%get3A_996, %get3A_997, %get3A_998] {strides = array<i32>} : memref<2x16x128xf32, #tpu.memory_space<vmem>>, vector<1x1x16xf32>,
        %get3A_1000 = vector.shape_cast %get3A_999 : vector<1x1x16xf32> to vector<16xf32>
        %get3A_1001 = arith.constant 1 : i32
        %get3A_1002 = arith.index_cast %get3A_1001 : i32 to index
        %get3A_1003 = arith.index_cast %scan3A_282 : i32 to index
        %get3A_1004 = arith.constant 64 : index
        %get3A_1005 = tpu.vector_load %arg12[%get3A_1002, %get3A_1003, %get3A_1004] {strides = array<i32>} : memref<2x16x128xf32, #tpu.memory_space<vmem>>, vector<1x1x16xf32>,
        %get3A_1006 = vector.shape_cast %get3A_1005 : vector<1x1x16xf32> to vector<16xf32>
        %mul3A_1007 = arith.mulf %get3A_1000, %get3A_1006 : vector<16xf32>
        %mul3A_1008 = arith.mulf %get3A_1000, %add3A_967 : vector<16xf32>
        %get3A_1009 = arith.constant 1 : i32
        %get3A_1010 = arith.index_cast %get3A_1009 : i32 to index
        %get3A_1011 = arith.index_cast %scan3A_282 : i32 to index
        %get3A_1012 = arith.constant 16 : index
        %get3A_1013 = tpu.vector_load %arg11[%get3A_1010, %get3A_1011, %get3A_1012] {strides = array<i32>} : memref<2x16x128xf32, #tpu.memory_space<vmem>>, vector<1x1x16xf32>,
        %get3A_1014 = vector.shape_cast %get3A_1013 : vector<1x1x16xf32> to vector<16xf32>
        %get3A_1015 = arith.constant 1 : i32
        %get3A_1016 = arith.index_cast %get3A_1015 : i32 to index
        %get3A_1017 = arith.index_cast %scan3A_282 : i32 to index
        %get3A_1018 = arith.constant 80 : index
        %get3A_1019 = tpu.vector_load %arg12[%get3A_1016, %get3A_1017, %get3A_1018] {strides = array<i32>} : memref<2x16x128xf32, #tpu.memory_space<vmem>>, vector<1x1x16xf32>,
        %get3A_1020 = vector.shape_cast %get3A_1019 : vector<1x1x16xf32> to vector<16xf32>
        %mul3A_1021 = arith.mulf %get3A_1014, %get3A_1020 : vector<16xf32>
        %add3A_1022 = arith.addf %mul3A_1007, %mul3A_1021 : vector<16xf32>
        %mul3A_1023 = arith.mulf %get3A_1014, %add3A_976 : vector<16xf32>
        %add3A_1024 = arith.addf %mul3A_1008, %mul3A_1023 : vector<16xf32>
        %get3A_1025 = arith.constant 1 : i32
        %get3A_1026 = arith.index_cast %get3A_1025 : i32 to index
        %get3A_1027 = arith.index_cast %scan3A_282 : i32 to index
        %get3A_1028 = arith.constant 32 : index
        %get3A_1029 = tpu.vector_load %arg11[%get3A_1026, %get3A_1027, %get3A_1028] {strides = array<i32>} : memref<2x16x128xf32, #tpu.memory_space<vmem>>, vector<1x1x16xf32>,
        %get3A_1030 = vector.shape_cast %get3A_1029 : vector<1x1x16xf32> to vector<16xf32>
        %get3A_1031 = arith.constant 1 : i32
        %get3A_1032 = arith.index_cast %get3A_1031 : i32 to index
        %get3A_1033 = arith.index_cast %scan3A_282 : i32 to index
        %get3A_1034 = arith.constant 96 : index
        %get3A_1035 = tpu.vector_load %arg12[%get3A_1032, %get3A_1033, %get3A_1034] {strides = array<i32>} : memref<2x16x128xf32, #tpu.memory_space<vmem>>, vector<1x1x16xf32>,
        %get3A_1036 = vector.shape_cast %get3A_1035 : vector<1x1x16xf32> to vector<16xf32>
        %mul3A_1037 = arith.mulf %get3A_1030, %get3A_1036 : vector<16xf32>
        %add3A_1038 = arith.addf %add3A_1022, %mul3A_1037 : vector<16xf32>
        %mul3A_1039 = arith.mulf %get3A_1030, %add3A_985 : vector<16xf32>
        %add3A_1040 = arith.addf %add3A_1024, %mul3A_1039 : vector<16xf32>
        %get3A_1041 = arith.constant 1 : i32
        %get3A_1042 = arith.index_cast %get3A_1041 : i32 to index
        %get3A_1043 = arith.index_cast %scan3A_282 : i32 to index
        %get3A_1044 = arith.constant 48 : index
        %get3A_1045 = tpu.vector_load %arg11[%get3A_1042, %get3A_1043, %get3A_1044] {strides = array<i32>} : memref<2x16x128xf32, #tpu.memory_space<vmem>>, vector<1x1x16xf32>,
        %get3A_1046 = vector.shape_cast %get3A_1045 : vector<1x1x16xf32> to vector<16xf32>
        %get3A_1047 = arith.constant 1 : i32
        %get3A_1048 = arith.index_cast %get3A_1047 : i32 to index
        %get3A_1049 = arith.index_cast %scan3A_282 : i32 to index
        %get3A_1050 = arith.constant 112 : index
        %get3A_1051 = tpu.vector_load %arg12[%get3A_1048, %get3A_1049, %get3A_1050] {strides = array<i32>} : memref<2x16x128xf32, #tpu.memory_space<vmem>>, vector<1x1x16xf32>,
        %get3A_1052 = vector.shape_cast %get3A_1051 : vector<1x1x16xf32> to vector<16xf32>
        %mul3A_1053 = arith.mulf %get3A_1046, %get3A_1052 : vector<16xf32>
        %add3A_1054 = arith.addf %add3A_1038, %mul3A_1053 : vector<16xf32>
        %mul3A_1055 = arith.mulf %get3A_1046, %add3A_994 : vector<16xf32>
        %add3A_1056 = arith.addf %add3A_1040, %mul3A_1055 : vector<16xf32>
        %jit3A = arith.constant 8 : i32
        %div3A = arith.divsi %add3A_285, %jit3A : i32
        %sign3A = arith.constant 0 : i32
        %sign3A_1057 = arith.cmpi sgt, %add3A_285, %sign3A : i32
        %sign3A_1058 = arith.extui %sign3A_1057 : i1 to i32
        %sign3A_1059 = arith.constant 0 : i32
        %sign3A_1060 = arith.cmpi slt, %add3A_285, %sign3A_1059 : i32
        %sign3A_1061 = arith.extui %sign3A_1060 : i1 to i32
        %sign3A_1062 = arith.subi %sign3A_1058, %sign3A_1061 : i32
        %sign3A_1063 = arith.constant 0 : i32
        %sign3A_1064 = arith.cmpi sgt, %jit3A, %sign3A_1063 : i32
        %sign3A_1065 = arith.extui %sign3A_1064 : i1 to i32
        %sign3A_1066 = arith.constant 0 : i32
        %sign3A_1067 = arith.cmpi slt, %jit3A, %sign3A_1066 : i32
        %sign3A_1068 = arith.extui %sign3A_1067 : i1 to i32
        %sign3A_1069 = arith.subi %sign3A_1065, %sign3A_1068 : i32
        %ne3A = arith.cmpi ne, %sign3A_1062, %sign3A_1069 : i32
        %rem3A = arith.remsi %add3A_285, %jit3A : i32
        %ne3A_1070 = arith.constant 0 : i32
        %ne3A_1071 = arith.cmpi ne, %rem3A, %ne3A_1070 : i32
        %and3A = arith.andi %ne3A, %ne3A_1071 : i1
        %sub3A = arith.constant 1 : i32
        %sub3A_1072 = arith.subi %div3A, %sub3A : i32
        %select_n3A = arith.select %and3A, %sub3A_1072, %div3A : i32
        %jit3A_1073 = arith.constant 8 : i32
        %eq3A = arith.constant 0 : i32
        %eq3A_1074 = arith.cmpi eq, %jit3A_1073, %eq3A : i32
        %jit3A_1075 = arith.constant 1 : i32
        %select_n3A_1076 = arith.select %eq3A_1074, %jit3A_1075, %jit3A_1073 : i32
        %rem3A_1077 = arith.remsi %add3A_285, %select_n3A_1076 : i32
        %ne3A_1078 = arith.constant 0 : i32
        %ne3A_1079 = arith.cmpi ne, %rem3A_1077, %ne3A_1078 : i32
        %lt3A_1080 = arith.constant 0 : i32
        %lt3A_1081 = arith.cmpi slt, %rem3A_1077, %lt3A_1080 : i32
        %lt3A_1082 = arith.constant 0 : i32
        %lt3A_1083 = arith.cmpi slt, %select_n3A_1076, %lt3A_1082 : i32
        %ne3A_1084 = arith.xori %lt3A_1081, %lt3A_1083 : i1
        %and3A_1085 = arith.andi %ne3A_1084, %ne3A_1079 : i1
        %add3A_1086 = arith.addi %rem3A_1077, %select_n3A_1076 : i32
        %select_n3A_1087 = arith.select %and3A_1085, %add3A_1086, %rem3A_1077 : i32
        %mul3A_1088 = arith.constant 16 : i32
        %mul3A_1089 = arith.muli %select_n3A_1087, %mul3A_1088 : i32
        %swap3A = arith.index_cast %select_n3A : i32 to index
        %swap3A_1090 = arith.index_cast %mul3A_1089 : i32 to index
        %swap3A_1091 = tpu.vector_load %arg14[%swap3A, %swap3A_1090] {strides = array<i32>} : memref<64x128xf32, #tpu.memory_space<vmem>>, vector<1x16xf32>,
        %swap3A_1092 = vector.shape_cast %swap3A_1091 : vector<1x16xf32> to vector<16xf32>
        %swap3A_1093 = vector.shape_cast %add3A_1054 : vector<16xf32> to vector<1x16xf32>
        tpu.vector_store %arg14[%swap3A, %swap3A_1090], %swap3A_1093 {strides = array<i32>} : memref<64x128xf32, #tpu.memory_space<vmem>>, vector<1x16xf32>,
        %swap3A_1094 = arith.index_cast %select_n3A : i32 to index
        %swap3A_1095 = arith.index_cast %mul3A_1089 : i32 to index
        %swap3A_1096 = tpu.vector_load %arg15[%swap3A_1094, %swap3A_1095] {strides = array<i32>} : memref<64x128xf32, #tpu.memory_space<vmem>>, vector<1x16xf32>,
        %swap3A_1097 = vector.shape_cast %swap3A_1096 : vector<1x16xf32> to vector<16xf32>
        %swap3A_1098 = vector.shape_cast %add3A_1056 : vector<16xf32> to vector<1x16xf32>
        tpu.vector_store %arg15[%swap3A_1094, %swap3A_1095], %swap3A_1098 {strides = array<i32>} : memref<64x128xf32, #tpu.memory_space<vmem>>, vector<1x16xf32>,
      }
      %scan3A_281 = arith.constant 16 : i32
    }
    %scan3A_68 = arith.constant 16 : i32
    %mul3A_69 = arith.constant 64 : i32
    %mul3A_70 = arith.muli %add3A, %mul3A_69 : i32
    "tpu.region"() ({
      %run_scoped3A = tpu.sem_alloc : memref<!tpu.dma_semaphore, #tpu.memory_space<semaphore_mem>>
      %dma_start3A_73 = arith.constant 0 : i32
      %dma_start3A_74 = tpu.memref_slice %arg6[%mul3A_70, %dma_start3A_73] : memref<2048x128xf32, #tpu.memory_space<hbm>> -> memref<64x128xf32, #tpu.memory_space<hbm>>
      %dma_start3A_75 = arith.constant 0 : i32
      %dma_start3A_76 = tpu.memref_slice %arg6[%mul3A_70, %dma_start3A_75] : memref<2048x128xf32, #tpu.memory_space<hbm>> -> memref<64x128xf32, #tpu.memory_space<hbm>>
      tpu.enqueue_dma source(%arg14 : memref<64x128xf32, #tpu.memory_space<vmem>>) target(%dma_start3A_76 : memref<64x128xf32, #tpu.memory_space<hbm>>) target_semaphore(%run_scoped3A : memref<!tpu.dma_semaphore, #tpu.memory_space<semaphore_mem>>)
      %dma_wait3A = arith.constant 0 : i32
      %dma_wait3A_77 = tpu.memref_slice %arg6[%mul3A_70, %dma_wait3A] : memref<2048x128xf32, #tpu.memory_space<hbm>> -> memref<64x128xf32, #tpu.memory_space<hbm>>
      %dma_wait3A_78 = arith.constant 0 : i32
      %dma_wait3A_79 = tpu.memref_slice %arg6[%mul3A_70, %dma_wait3A_78] : memref<2048x128xf32, #tpu.memory_space<hbm>> -> memref<64x128xf32, #tpu.memory_space<hbm>>
      tpu.wait_dma2 semaphore(%run_scoped3A : memref<!tpu.dma_semaphore, #tpu.memory_space<semaphore_mem>>) src(%arg14 : memref<64x128xf32, #tpu.memory_space<vmem>>) dst(%dma_wait3A_79 : memref<64x128xf32, #tpu.memory_space<hbm>>)
      tpu.yield
    }) : () -> ()
    %mul3A_71 = arith.constant 64 : i32
    %mul3A_72 = arith.muli %add3A, %mul3A_71 : i32
    "tpu.region"() ({
      %run_scoped3A = tpu.sem_alloc : memref<!tpu.dma_semaphore, #tpu.memory_space<semaphore_mem>>
      %dma_start3A_73 = arith.constant 0 : i32
      %dma_start3A_74 = tpu.memref_slice %arg7[%mul3A_72, %dma_start3A_73] : memref<2048x128xf32, #tpu.memory_space<hbm>> -> memref<64x128xf32, #tpu.memory_space<hbm>>
      %dma_start3A_75 = arith.constant 0 : i32
      %dma_start3A_76 = tpu.memref_slice %arg7[%mul3A_72, %dma_start3A_75] : memref<2048x128xf32, #tpu.memory_space<hbm>> -> memref<64x128xf32, #tpu.memory_space<hbm>>
      tpu.enqueue_dma source(%arg15 : memref<64x128xf32, #tpu.memory_space<vmem>>) target(%dma_start3A_76 : memref<64x128xf32, #tpu.memory_space<hbm>>) target_semaphore(%run_scoped3A : memref<!tpu.dma_semaphore, #tpu.memory_space<semaphore_mem>>)
      %dma_wait3A = arith.constant 0 : i32
      %dma_wait3A_77 = tpu.memref_slice %arg7[%mul3A_72, %dma_wait3A] : memref<2048x128xf32, #tpu.memory_space<hbm>> -> memref<64x128xf32, #tpu.memory_space<hbm>>
      %dma_wait3A_78 = arith.constant 0 : i32
      %dma_wait3A_79 = tpu.memref_slice %arg7[%mul3A_72, %dma_wait3A_78] : memref<2048x128xf32, #tpu.memory_space<hbm>> -> memref<64x128xf32, #tpu.memory_space<hbm>>
      tpu.wait_dma2 semaphore(%run_scoped3A : memref<!tpu.dma_semaphore, #tpu.memory_space<semaphore_mem>>) src(%arg15 : memref<64x128xf32, #tpu.memory_space<vmem>>) dst(%dma_wait3A_79 : memref<64x128xf32, #tpu.memory_space<hbm>>)
      tpu.yield
    }) : () -> ()
    return
  }
}

module attributes {stable_mosaic.version = 14 : i64} {
  func.func @_finish_body(%arg0: memref<2048x128xf32, #tpu.memory_space<vmem>>, %arg1: memref<2048x128xf32, #tpu.memory_space<vmem>>, %arg2: memref<1x1xf32, #tpu.memory_space<vmem>>) attributes {dimension_semantics = [], scalar_prefetch = 0 : i64, scratch_operands = 0 : i64, tpu.core_type = #tpu.core_type<tc>} {
    %iota3A = tpu.iota {dimensions = array<i32: 0>} : vector<128x8xi32>
    %iota3A_0 = tpu.iota {dimensions = array<i32: 1>} : vector<128x8xi32>
    %jit3A = arith.constant 16 : i32
    %div3A = vector.broadcast %jit3A : i32 to vector<128x8xi32>
    %div3A_1 = arith.divsi %iota3A, %div3A : vector<128x8xi32>
    %sign3A = arith.constant 0 : i32
    %sign3A_2 = vector.broadcast %sign3A : i32 to vector<128x8xi32>
    %sign3A_3 = arith.cmpi sgt, %iota3A, %sign3A_2 : vector<128x8xi32>
    %sign3A_4 = arith.extui %sign3A_3 : vector<128x8xi1> to vector<128x8xi32>
    %sign3A_5 = arith.constant 0 : i32
    %sign3A_6 = vector.broadcast %sign3A_5 : i32 to vector<128x8xi32>
    %sign3A_7 = arith.cmpi slt, %iota3A, %sign3A_6 : vector<128x8xi32>
    %sign3A_8 = arith.extui %sign3A_7 : vector<128x8xi1> to vector<128x8xi32>
    %sign3A_9 = arith.subi %sign3A_4, %sign3A_8 : vector<128x8xi32>
    %sign3A_10 = arith.constant 0 : i32
    %sign3A_11 = arith.cmpi sgt, %jit3A, %sign3A_10 : i32
    %sign3A_12 = arith.extui %sign3A_11 : i1 to i32
    %sign3A_13 = arith.constant 0 : i32
    %sign3A_14 = arith.cmpi slt, %jit3A, %sign3A_13 : i32
    %sign3A_15 = arith.extui %sign3A_14 : i1 to i32
    %sign3A_16 = arith.subi %sign3A_12, %sign3A_15 : i32
    %ne3A = vector.broadcast %sign3A_16 : i32 to vector<128x8xi32>
    %ne3A_17 = arith.cmpi ne, %sign3A_9, %ne3A : vector<128x8xi32>
    %rem3A = vector.broadcast %jit3A : i32 to vector<128x8xi32>
    %rem3A_18 = arith.remsi %iota3A, %rem3A : vector<128x8xi32>
    %ne3A_19 = arith.constant 0 : i32
    %ne3A_20 = vector.broadcast %ne3A_19 : i32 to vector<128x8xi32>
    %ne3A_21 = arith.cmpi ne, %rem3A_18, %ne3A_20 : vector<128x8xi32>
    %and3A = arith.andi %ne3A_17, %ne3A_21 : vector<128x8xi1>
    %sub3A = arith.constant 1 : i32
    %sub3A_22 = vector.broadcast %sub3A : i32 to vector<128x8xi32>
    %sub3A_23 = arith.subi %div3A_1, %sub3A_22 : vector<128x8xi32>
    %select_n3A = arith.select %and3A, %sub3A_23, %div3A_1 : vector<128x8xi1>, vector<128x8xi32>
    %eq3A = arith.cmpi eq, %select_n3A, %iota3A_0 : vector<128x8xi32>
    %jit3A_24 = arith.constant 1.000000e+00 : f32
    %jit3A_25 = arith.constant 0.000000e+00 : f32
    %broadcast_in_dim3A = vector.broadcast %jit3A_24 : f32 to vector<128x8xf32>
    %broadcast_in_dim3A_26 = vector.broadcast %jit3A_25 : f32 to vector<128x8xf32>
    %select_n3A_27 = arith.select %eq3A, %broadcast_in_dim3A, %broadcast_in_dim3A_26 : vector<128x8xi1>, vector<128x8xf32>
    %get3A = arith.constant 0 : index
    %get3A_28 = arith.constant 0 : index
    %get3A_29 = vector.load %arg0[%get3A, %get3A_28] : memref<2048x128xf32, #tpu.memory_space<vmem>>, vector<2048x128xf32>
    %dot_general3A = arith.constant dense<0.000000e+00> : vector<2048x8xf32>
    %dot_general3A_30 = tpu.matmul %get3A_29, %select_n3A_27, %dot_general3A {dimension_numbers = #tpu.dot_dimension_numbers<[1], [0], [0], [1], [0, 0, 1, 1], [], []>, transpose_lhs_hint = false} : vector<2048x128xf32>, vector<128x8xf32>, vector<2048x8xf32> -> vector<2048x8xf32>
    %get3A_31 = arith.constant 0 : index
    %get3A_32 = arith.constant 0 : index
    %get3A_33 = vector.load %arg1[%get3A_31, %get3A_32] : memref<2048x128xf32, #tpu.memory_space<vmem>>, vector<2048x128xf32>
    %dot_general3A_34 = arith.constant dense<0.000000e+00> : vector<2048x8xf32>
    %dot_general3A_35 = tpu.matmul %get3A_33, %select_n3A_27, %dot_general3A_34 {dimension_numbers = #tpu.dot_dimension_numbers<[1], [0], [0], [1], [0, 0, 1, 1], [], []>, transpose_lhs_hint = false} : vector<2048x128xf32>, vector<128x8xf32>, vector<2048x8xf32> -> vector<2048x8xf32>
    %neg3A = arith.constant 0.000000e+00 : f32
    %neg3A_36 = vector.broadcast %neg3A : f32 to vector<2048x8xf32>
    %neg3A_37 = arith.subf %neg3A_36, %dot_general3A_30 : vector<2048x8xf32>
    %custom_jvp_call3A = arith.constant 0.000000e+00 : f32
    %max3A = vector.broadcast %custom_jvp_call3A : f32 to vector<2048x8xf32>
    %max3A_38 = arith.maximumf %neg3A_37, %max3A : vector<2048x8xf32>
    %sub3A_39 = vector.broadcast %custom_jvp_call3A : f32 to vector<2048x8xf32>
    %sub3A_40 = arith.subf %neg3A_37, %sub3A_39 : vector<2048x8xf32>
    %ne3A_41 = arith.cmpf one, %sub3A_40, %sub3A_40 : vector<2048x8xf32>
    %add3A = vector.broadcast %custom_jvp_call3A : f32 to vector<2048x8xf32>
    %add3A_42 = arith.addf %neg3A_37, %add3A : vector<2048x8xf32>
    %abs3A = math.absf %sub3A_40 : vector<2048x8xf32>
    %neg3A_43 = arith.constant 0.000000e+00 : f32
    %neg3A_44 = vector.broadcast %neg3A_43 : f32 to vector<2048x8xf32>
    %neg3A_45 = arith.subf %neg3A_44, %abs3A : vector<2048x8xf32>
    %exp3A = math.exp %neg3A_45 : vector<2048x8xf32>
    %log1p3A = math.log1p %exp3A : vector<2048x8xf32>
    %add3A_46 = arith.addf %max3A_38, %log1p3A : vector<2048x8xf32>
    %select_n3A_47 = arith.select %ne3A_41, %add3A_42, %add3A_46 : vector<2048x8xi1>, vector<2048x8xf32>
    %neg3A_48 = arith.constant 0.000000e+00 : f32
    %neg3A_49 = vector.broadcast %neg3A_48 : f32 to vector<2048x8xf32>
    %neg3A_50 = arith.subf %neg3A_49, %select_n3A_47 : vector<2048x8xf32>
    %neg3A_51 = arith.constant 0.000000e+00 : f32
    %neg3A_52 = vector.broadcast %neg3A_51 : f32 to vector<2048x8xf32>
    %neg3A_53 = arith.subf %neg3A_52, %dot_general3A_35 : vector<2048x8xf32>
    %neg3A_54 = arith.constant 0.000000e+00 : f32
    %neg3A_55 = vector.broadcast %neg3A_54 : f32 to vector<2048x8xf32>
    %neg3A_56 = arith.subf %neg3A_55, %neg3A_53 : vector<2048x8xf32>
    %custom_jvp_call3A_57 = arith.constant 0.000000e+00 : f32
    %max3A_58 = vector.broadcast %custom_jvp_call3A_57 : f32 to vector<2048x8xf32>
    %max3A_59 = arith.maximumf %neg3A_56, %max3A_58 : vector<2048x8xf32>
    %sub3A_60 = vector.broadcast %custom_jvp_call3A_57 : f32 to vector<2048x8xf32>
    %sub3A_61 = arith.subf %neg3A_56, %sub3A_60 : vector<2048x8xf32>
    %ne3A_62 = arith.cmpf one, %sub3A_61, %sub3A_61 : vector<2048x8xf32>
    %add3A_63 = vector.broadcast %custom_jvp_call3A_57 : f32 to vector<2048x8xf32>
    %add3A_64 = arith.addf %neg3A_56, %add3A_63 : vector<2048x8xf32>
    %abs3A_65 = math.absf %sub3A_61 : vector<2048x8xf32>
    %neg3A_66 = arith.constant 0.000000e+00 : f32
    %neg3A_67 = vector.broadcast %neg3A_66 : f32 to vector<2048x8xf32>
    %neg3A_68 = arith.subf %neg3A_67, %abs3A_65 : vector<2048x8xf32>
    %exp3A_69 = math.exp %neg3A_68 : vector<2048x8xf32>
    %log1p3A_70 = math.log1p %exp3A_69 : vector<2048x8xf32>
    %add3A_71 = arith.addf %max3A_59, %log1p3A_70 : vector<2048x8xf32>
    %select_n3A_72 = arith.select %ne3A_62, %add3A_64, %add3A_71 : vector<2048x8xi1>, vector<2048x8xf32>
    %neg3A_73 = arith.constant 0.000000e+00 : f32
    %neg3A_74 = vector.broadcast %neg3A_73 : f32 to vector<2048x8xf32>
    %neg3A_75 = arith.subf %neg3A_74, %select_n3A_72 : vector<2048x8xf32>
    %add3A_76 = arith.addf %neg3A_50, %neg3A_75 : vector<2048x8xf32>
    %reduce_sum3A = vector.shape_cast %add3A_76 : vector<2048x8xf32> to vector<1x2048x8xf32>
    %reduce_sum3A_77 = arith.constant dense<0.000000e+00> : vector<1xf32>
    %reduce_sum3A_78 = vector.multi_reduction <add>, %reduce_sum3A, %reduce_sum3A_77 [1, 2] : vector<1x2048x8xf32> to vector<1xf32>
    %reduce_sum3A_79 = vector.shape_cast %reduce_sum3A_78 : vector<1xf32> to vector<1x1x1xf32>
    %reduce_sum3A_80 = vector.extract %reduce_sum3A_79[0, 0, 0] : f32 from vector<1x1x1xf32>
    %neg3A_81 = arith.constant 0.000000e+00 : f32
    %neg3A_82 = arith.subf %neg3A_81, %reduce_sum3A_80 : f32
    %mul3A = arith.constant 6.10351563E-5 : f32
    %mul3A_83 = arith.mulf %neg3A_82, %mul3A : f32
    %broadcast_in_dim3A_84 = arith.constant 1.000000e+00 : f32
    %broadcast_in_dim3A_85 = vector.broadcast %broadcast_in_dim3A_84 : f32 to vector<1x1xf32>
    %mul3A_86 = vector.broadcast %mul3A_83 : f32 to vector<1x1xf32>
    %mul3A_87 = arith.mulf %mul3A_86, %broadcast_in_dim3A_85 : vector<1x1xf32>
    %swap3A = arith.constant 0 : index
    %swap3A_88 = arith.constant 0 : index
    %swap3A_89 = vector.load %arg2[%swap3A, %swap3A_88] : memref<1x1xf32, #tpu.memory_space<vmem>>, vector<1x1xf32>
    tpu.vector_store %arg2[%swap3A, %swap3A_88], %mul3A_87 {strides = array<i32>} : memref<1x1xf32, #tpu.memory_space<vmem>>, vector<1x1xf32>,
    return
  }
}

</mosaic_0001>

<sc_bundles>
// kernel: kernel.4.cloned.1.call-start
scs
__scs_entry_jumppad:
0x0: {  	(pc) =	sbr.rel $0x88, $3  }
0x1: {  	(tag) =	ssettag $0x0;
	lr =	simm.s32 $0x1  }
0x2: {  	[smem:$0x3F9C] =	sst lr;
	_ =	strace $0xD0000000  }
0x3: {  	_ = 	snop  }
0x4: {  	_ = 	snop  }
0x5: {  	_ = 	snop  }
0x6: {  	_ = 	snop  }
0x7: {  	_ = 	snop  }
__scs_overlays_trampoline_lowered:
0x8: {  	[smem:$0x3FAB] =	sst s0  }
0x9: {  	[smem:$0x3FAC] =	sst s1  }
0xa: {  	[smem:$0x3FAD] =	sst s2  }
0xb: {  	[smem:$0x3FAE] =	sst s3  }
0xc: {  	[smem:$0x3FAF] =	sst s4  }
0xd: {  	[smem:$0x3FB0] =	sst s5  }
0xe: {  	[smem:$0x3FB1] =	sst s6  }
0xf: {  	[smem:$0x3FB2] =	sst s7  }
0x10: {  	[smem:$0x3FB3] =	sst s8  }
0x11: {  	[smem:$0x3FB4] =	sst s9;
	s0 =	simm.s32 @!p0 $0x0  }
0x12: {  	s1 =	sld [smem:$0x3F9A];
	s0 =	simm.s32 @p0 $0x1  }
0x13: {  	[smem:$0x3FB5] =	sst s0;
	s0 =	simm.s32 @!p1 $0x0  }
0x14: {  	s2 =	sld [smem:$0x3F99];
	s0 =	simm.s32 @p1 $0x1  }
0x15: {  	[smem:$0x3FB6] =	sst s0;
	s0 =	simm.s32 @!p2 $0x0  }
0x16: {  	s3 =	sld [smem:$0x3FDB];
	s0 =	simm.s32 @p2 $0x1  }
0x17: {  	s4 =	simm.s32 $0x1BF5;
	[smem:$0x3FB8] =	sst s0  }
0x18: {  	s0 =	sld [smem:$0x3F9B];
	_ =	swait.ge [sflag:s4], $0x0  }
0x19: {  	s7 =	sld [smem:$0x3F9C]  }
0x1a: {  	s8 =	sadd.s32 $0xFFFFE003, lr  }
0x1b: {  	s9 =	sadd.s32 $0xFFFFFEF7, lr;
	s5 =	simm.s32 $0xFFFFFFFF;
	p2 =	slt.u32 s8, $0xFFFFF086  }
0x1c: {  	p1 =	slt.u32 s9, $0xF7A;
	s5 =	simm.s32 @!p2 $0x0  }
0x1d: {  	s5 =	simm.s32 @p1 $0x1;
	p0 =	seq.s32 s7, s2  }
0x1e: {  	s7 =	smul.u32 @!p0 $0xF7A, s2;
	p2 =	seq.s32 @!p0 s5, $0x0  }
0x1f: {  	s9 =	smul.u32 $0xF7A, s1;
	s8 =	simm.s32 @!p0 $0x1BF5;
	p2 =	por !p2, p0  }
0x20: {  	[sflag:s8] =	ssyncset.s32 @!p0 $0xFFFFF086;
	s6 =	sadd.s32 @!p0 s3, s7;
	s7 =	simm.s32 @!p0 $0x108  }
0x21: {  	s3 =	sadd.s32 s3, s9;
	s6 =	sadd.s32 @!p0 $0x88, s6;
	s7 =	simm.s32 @p2 $0x1082  }
0x22: {  	[simem:s7], [sflag:s8] =	dma.local @!p0 [hbm:s6], $0xF7A  }
0x23: {  	s9 =	sor.u32 $0xD0000000, s2;
	s6 =	simm.s32 $0x108;
	_ =	swait.ge @!p0 [sflag:s8], $0x0  }
0x24: {  	s3 =	sadd.s32 $0x88, s3;
	s6 =	simm.s32 @!p1 $0x1082;
	[sflag:s4] =	ssyncset.s32 $0xFFFFF086  }
0x25: {  	[simem:s6], [sflag:s4] =	dma.local [hbm:s3], $0xF7A  }
0x26: {  	[smem:$0x3F9C] =	sst s1;
	(tag) =	ssettag s2;
	_ =	strace s9  }
0x27: {  	s1 =	sld [smem:$0x3FAC]  }
0x28: {  	s2 =	sld [smem:$0x3FAD]  }
0x29: {  	s4 =	sld [smem:$0x3FAF]  }
0x2a: {  	p0 =	seq.s32 s5, $0x0;
	s5 =	sld [smem:$0x3FB0]  }
0x2b: {  	s6 =	sld [smem:$0x3FB1]  }
0x2c: {  	s7 =	sld [smem:$0x3FB2]  }
0x2d: {  	s3 =	simm.s32 $0x108;
	s8 =	sld [smem:$0x3FB3]  }
0x2e: {  	s3 =	simm.s32 @!p0 $0x1082;
	s9 =	sld [smem:$0x3FB4]  }
0x2f: {  	lr =	sadd.s32 s0, s3;
	s0 =	sld [smem:$0x3FAB]  }
0x30: {  	s3 =	sld [smem:$0x3FAE]  }
0x31: {  	[smem:$0x3FB7] =	sst s10  }
0x32: {  	s10 =	sld [smem:$0x3FB5];
	_ =	sdelay $0x3  }
0x33: {  	p0 =	seq.s32 s10, $0x1;
	s10 =	sld [smem:$0x3FB7];
	_ =	sdelay $0x3  }
0x34: {  	[smem:$0x3FB7] =	sst s10  }
0x35: {  	s10 =	sld [smem:$0x3FB6];
	_ =	sdelay $0x3  }
0x36: {  	p1 =	seq.s32 s10, $0x1;
	s10 =	sld [smem:$0x3FB7];
	_ =	sdelay $0x3  }
0x37: {  	[smem:$0x3FB7] =	sst s10  }
0x38: {  	s10 =	sld [smem:$0x3FB8]  }
0x39: {  	_ = 	snop;
	(pc) =	sbr.ind lr, $3  }
0x3a: {  	_ = 	snop  }
0x3b: {  	_ = 	snop  }
0x3c: {  	p2 =	seq.s32 s10, $0x1;
	s10 =	sld [smem:$0x3FB7]  }
0x3d: {  	_ =	shalt  }
0x3e: {  	_ =	shalt  }
0x3f: {  	_ =	shalt  }
0x40: {  	_ =	shalt  }
0x41: {  	_ =	shalt  }
0x42: {  	_ =	shalt  }
0x43: {  	_ =	shalt  }
0x44: {  	_ =	shalt  }
0x45: {  	_ =	shalt  }
0x46: {  	_ =	shalt  }
0x47: {  	_ =	shalt  }
0x48: {  	_ =	shalt  }
0x49: {  	_ =	shalt  }
0x4a: {  	_ =	shalt  }
0x4b: {  	_ =	shalt  }
0x4c: {  	_ =	shalt  }
0x4d: {  	_ =	shalt  }
0x4e: {  	_ =	shalt  }
0x4f: {  	_ =	shalt  }
0x50: {  	_ =	shalt  }
0x51: {  	_ =	shalt  }
0x52: {  	_ =	shalt  }
0x53: {  	_ =	shalt  }
0x54: {  	_ =	shalt  }
0x55: {  	_ =	shalt  }
0x56: {  	_ =	shalt  }
0x57: {  	_ =	shalt  }
0x58: {  	_ =	shalt  }
0x59: {  	_ =	shalt  }
0x5a: {  	_ =	shalt  }
0x5b: {  	_ =	shalt  }
0x5c: {  	_ =	shalt  }
0x5d: {  	_ =	shalt  }
0x5e: {  	_ =	shalt  }
0x5f: {  	_ =	shalt  }
0x60: {  	_ =	shalt  }
0x61: {  	_ =	shalt  }
0x62: {  	_ =	shalt  }
0x63: {  	_ =	shalt  }
0x64: {  	_ =	shalt  }
0x65: {  	_ =	shalt  }
0x66: {  	_ =	shalt  }
0x67: {  	_ =	shalt  }
0x68: {  	_ =	shalt  }
0x69: {  	_ =	shalt  }
0x6a: {  	_ =	shalt  }
0x6b: {  	_ =	shalt  }
0x6c: {  	_ =	shalt  }
0x6d: {  	_ =	shalt  }
0x6e: {  	_ =	shalt  }
0x6f: {  	_ =	shalt  }
0x70: {  	_ =	shalt  }
0x71: {  	_ =	shalt  }
0x72: {  	_ =	shalt  }
0x73: {  	_ =	shalt  }
0x74: {  	_ =	shalt  }
0x75: {  	_ =	shalt  }
0x76: {  	_ =	shalt  }
0x77: {  	_ =	shalt  }
0x78: {  	_ =	shalt  }
0x79: {  	_ =	shalt  }
0x7a: {  	_ =	shalt  }
0x7b: {  	_ =	shalt  }
0x7c: {  	_ =	shalt  }
0x7d: {  	_ =	shalt  }
0x7e: {  	_ =	shalt  }
0x7f: {  	_ =	shalt  }
0x80: {  	_ =	shalt  }
0x81: {  	_ =	shalt  }
0x82: {  	_ =	shalt  }
0x83: {  	_ =	shalt  }
0x84: {  	_ =	shalt  }
0x85: {  	_ =	shalt  }
0x86: {  	_ =	shalt  }
0x87: {  	_ =	shalt  }
.Lfunc_end0:
.L_simem_size_0:
called_computation_lowered:
.L_overlay_start_0:
0x88: {  	s2 =	sld [smem:$0x3FD9]  }
0x89: {  	s3 =	sld [smem:$0x3FFE];
	_ =	sdelay $0x1  }
0x8a: {  	s1 =	srdreg.scid  }
0x8b: {  	s0 =	sand.u32 $0x1, s1  }
0x8c: {  	s17 =	sshll.u32 s0, $0xA;
	s2 =	sadd.s32 s3, s2  }
0x8d: {  	s2 =	sadd.s32 s2, s17  }
0x8e: {  	[smem:$0x3FC3] =	sst s2  }
0x8f: {  	_ = 	snop  }
0x90: {  	s2 =	sld [smem:$0x3FC9]  }
0x91: {  	s18 =	sld [smem:$0x3FC8];
	(tm) =	ssettm $0x1  }
0x92: {  	s4 =	sld [smem:$0x3FFB];
	_ =	sdelay $0x3  }
0x93: {  	_ =	strace s4  }
0x94: {  	s4 =	sld [smem:$0x3FFC];
	_ =	sdelay $0x3  }
0x95: {  	_ =	strace s4  }
0x96: {  	s4 =	sld [smem:$0x3FFD];
	_ =	sdelay $0x3  }
0x97: {  	_ =	strace s4  }
0x98: {  	_ =	strace $0x8FFFFFFF  }
0x99: {  	s19 =	sld [smem:$0x3FDB];
	_ =	sdelay $0x1  }
0x9a: {  	s5 =	simm.s32 $_scs_section_size  }
0x9b: {  	s6 =	simm.s32 $_size__tile_overlayer_lowered;
	s7 =	simm.s32 $_tile_overlayer_lowered  }
0x9c: {  	s22 =	simm.s32 $0x1BFF;
	s21 =	sshll.u32 s7, $0x1;
	s4 =	sadd.s32 s5, s19  }
0x9d: {  	s8 =	simm.s32 $0x0;
	s20 =	sshll.u32 s6, $0x1;
	s6 =	sadd.s32 s21, s4  }
0x9e: {  	[timem:s8], [sflag:s22] =	dma.local [hbm:s6], s20  }
0x9f: {  	_ =	swait.ge [sflag:s22], s20  }
0xa0: {  	s5 =	ssub.s32 $0x0, s20;
	[sflag:s22] =	ssyncset.done $0x0  }
0xa1: {  	[sflag:s22] =	ssyncadd.s32 s5;
	_ =	sdelay $0x1  }
0xa2: {  	s23 =	simm.s32 $0x1B8B  }
0xa3: {  	_ =	swait.ge [sflag:s23], $0x1  }
0xa4: {  	[sflag:s23] =	ssyncset.done $0x0  }
0xa5: {  	s25 =	simm.s32 $0x1B8E;
	s24 =	sld [smem:$0x3FFE];
	[sflag:s23] =	ssyncadd.s32 $0xFFFFFFFF  }
0xa6: {  	s26 =	simm.s32 $execute0_lowered;
	[smem:$0x3FD2] =	sst s25  }
0xa7: {  	s6 =	sshll.u32 s26, $0x1;
	_ =	strace $0x80000046;
	[dreg:$0x1] =	wrdreg $0xFFFFFFFF  }
0xa8: {  	s28 =	simm.s32 $_size_execute0_lowered;
	s4 =	sadd.s32 s4, s6;
	[dreg:$0x0] =	wrdreg $0x0  }
0xa9: {  	s6 =	sshll.u32 s28, $0x1;
	[dreg:$0x2] =	wrdreg s4  }
0xaa: {  	[dreg:$0x3] =	wrdreg s6  }
0xab: {  	[dreg:$0x4] =	wrdreg $0xC0  }
0xac: {  	_ =	task [dreg:s8], $0x5FFFF  }
0xad: {  	[dreg:$0x1] =	wrdreg $0xFFFFFFFF  }
0xae: {  	[dreg:$0x0] =	wrdreg $0x60  }
0xaf: {  	[dreg:$0x2] =	wrdreg s2  }
0xb0: {  	[dreg:$0x3] =	wrdreg s18  }
0xb1: {  	[dreg:$0x4] =	wrdreg s24  }
0xb2: {  	[dreg:$0x5] =	wrdreg $0x9  }
0xb3: {  	_ =	task.clear_ibuf [dreg:s8], $0x6FFFF;
	_ =	strace $0x90000046  }
0xb4: {  	s29 =	simm.s32 $0x9;
	_ =	strace $0x80000048  }
0xb5: {  	_ =	swait.ge [sflag:s29], $0x1  }
0xb6: {  	[sflag:s29] =	ssyncadd.s32 $0xFFFFFFFF  }
0xb7: {  	_ =	strace $0x90000048  }
0xb8: {  	_ =	sfence  }
0xb9: {  	s30 =	sld [smem:$0x0];
	_ =	sdelay $0x2  }
0xba: {  	s31 =	sshll.u32 s1, $0xD;
	s1 =	sshrl.u32 s1, $0x2  }
0xbb: {  	s3 =	sand.u32 $0x4000, s31;
	s1 =	sadd.s32 s1, s30  }
0xbc: {  	s0 =	sor.u32 s3, s0;
	s1 =	sshll.u32 s1, $0x11  }
0xbd: {  	s0 =	sor.u32 s1, s0  }
0xbe: {  	s0 =	sadd.s32 $0x8F2B, s0  }
0xbf: {  	[sflag:s0] =	ssyncadd.remote.s32 $0x1  }
0xc0: {  	_ =	sfence.sel $0xFFFF  }
0xc1: {  	[dreg:$0x0] =	wrdreg $0xFFFFFFFF;
	(pc) =	sbr.abs _section_cstart, $3  }
0xc2: {  	[dreg:$0x1] =	wrdreg $0xFFFFFFFF  }
0xc3: {  	_ =	task.clear_ibuf [dreg:s8], $0x2FFFF;
	_ =	strace $0x9FFFFFFF  }
0xc4: {  	(tm) =	ssettm $0x7FFFFFFF  }
0xc5: {  	_ =	shalt  }
tec
execute0_lowered:
.L_overlay_start_1:
0x0: {  	(tag) =	ssettag $0x1  }
0x1: {  	s0 =	rddreg [dreg:$0x0]  }
0x2: {  	s1 =	rddreg [dreg:$0x1];
	s2 =	srdreg.scid  }
0x3: {  	s3 =	stileid.u32;
	s4 =	rddreg [dreg:$0x2];
	s10 =	simm.s32 $0x3  }
0x4: {  	s13 =	simm.s32 $0x10;
	s16 =	simm.s32 $0x50;
	s24 =	simm.s32 $0x3400  }
0x5: {  	s25 =	simm.s32 $0x4400;
	s26 =	simm.s32 $0xEC00;
	s28 =	simm.s32 $0x11400  }
0x6: {  	s29 =	simm.s32 $0x13C00;
	s30 =	simm.s32 $0x16400;
	s31 =	simm.s32 $0x1  }
0x7: {  	s5 =	sand.u32 $0x1, s2;
	s3 =	sshll.u32 s3, $0x1;
	s2 =	simm.s32 $0x0  }
0x8: {  	s15 =	simm.s32 $0x0;
	s6 =	sor.u32 s5, s3;
	[smem:$0x7FF] =	sst s2  }
0x9: {  	s5 =	ssub.s32 $0x2, s5;
	s3 =	smul.u32 $0x500, s6;
	_ =	strace $0x80000047  }
0xa: {  	s8 =	sshll.u32 s6, $0xA;
	s9 =	sshrl.u32 s5, $0x1;
	s6 =	sshll.u32 s6, $0x6  }
0xb: {  	s8 =	sadd.s32 s8, s4;
	s9 =	ssub.s32 s5, s9;
	s0 =	sadd.s32 s0, s6  }
0xc: {  	s5 =	sadd.s32 s1, s6;
	s1 =	simm.s32 $0x2;
	s7 =	sadd.s32 s3, s4  }
0xd: {  	s3 =	sadd.s32 $0x1E8F600, s4;
	[dreg:$0x4] =	wrdreg s0;
	s9 =	smax.u32 s9, $0x1  }
0xe: {  	s6 =	sadd.s32 $0x1E85600, s7;
	s7 =	sadd.s32 $0xE00, s8;
	s8 =	sadd.s32 $0x8E00, s8  }
.LBB2_1:
0xf: {  	s0 =	rddreg [dreg:$0x4]  }
0x10: {  	[tilespmem:s2], [sflag:$0x3] =	stream.linear.gather [hbm4b:s0+s2], $0x200, $0x38;
	[tilespmem:$0x1CC00] =	vst v63  }
0x11: {  	_ =	swait.ge [sflag:s10], $0x200  }
0x12: {  	[sflag:s10] =	ssyncset.done $0x0  }
0x13: {  	s12 =	simm.s32 $0x200;
	[sflag:s10] =	ssyncadd.s32 $0xFFFFFE00  }
0x14: {  	[tilespmem:s12], [sflag:$0x3] =	stream.linear.gather [hbm4b:s5+s2], $0x200, $0x38;
	[tilespmem:$0x1CC00] =	vst v63  }
0x15: {  	_ =	swait.ge [sflag:s10], $0x200  }
0x16: {  	[sflag:s10] =	ssyncset.done $0x0  }
0x17: {  	s4 =	simm.s32 $0x400;
	[sflag:s10] =	ssyncadd.s32 $0xFFFFFE00  }
0x18: {  	[tilespmem:s4], [sflag:$0x3] =	stream.linear.gather [hbm4b:s6+s2], $0x2800, $0x38;
	[tilespmem:$0x1CC00] =	vst v63  }
0x19: {  	_ =	swait.ge [sflag:s10], $0x2800  }
0x1a: {  	[sflag:s10] =	ssyncset.done $0x0  }
0x1b: {  	s11 =	simm.s32 $0x2C00;
	[sflag:s10] =	ssyncadd.s32 $0xFFFFD800  }
0x1c: {  	[tilespmem:s11], [sflag:$0x1] =	stream.indirect.gather [hbm4b:s3+s13], $0x80, s2, s13, $0xb8;
	[tilespmem:$0x1CC00] =	vst v63  }
0x1d: {  	s14 =	simm.s32 $0x3C00  }
0x1e: {  	[tilespmem:s14], [sflag:$0x1] =	stream.indirect.gather [hbm4b:s3+s13], $0x80, s12, s13, $0xb8;
	[tilespmem:$0x1CC00] =	vst v63  }
0x1f: {  	s17 =	simm.s32 $0x4C00  }
0x20: {  	[tilespmem:s17], [sflag:$0x1] =	stream.indirect.gather [hbm4b:s3+s16], $0x80, s4, s16, $0xb8;
	[tilespmem:$0x1CC00] =	vst v63  }
0x21: {  	s18 =	simm.s32 $0x450;
	s19 =	simm.s32 $0x7400  }
0x22: {  	[tilespmem:s19], [sflag:$0x1] =	stream.indirect.gather [hbm4b:s3+s16], $0x80, s18, s16, $0xb8;
	[tilespmem:$0x1CC00] =	vst v63  }
0x23: {  	s20 =	simm.s32 $0x4A0;
	s21 =	simm.s32 $0x9C00  }
0x24: {  	[tilespmem:s21], [sflag:$0x1] =	stream.indirect.gather [hbm4b:s3+s16], $0x80, s20, s16, $0xb8;
	[tilespmem:$0x1CC00] =	vst v63  }
0x25: {  	s22 =	simm.s32 $0x4F0;
	s23 =	simm.s32 $0xC400;
	s19 =	simm.s32 $0x0  }
0x26: {  	[tilespmem:s23], [sflag:$0x1] =	stream.indirect.gather [hbm4b:s3+s16], $0x80, s22, s16, $0xb8;
	[tilespmem:$0x1CC00] =	vst v63  }
0x27: {  	s20 =	simm.s32 $0x0;
	s23 =	simm.s32 $0x18D00;
	s22 =	simm.s32 $0x1AD00  }
.LBB2_2:
0x28: {  	s0 =	sshllo.u32 s20, $0x1  }
0x29: {  	s11 =	sshll.u32 s0, $0x4;
	s0 =	smul.u32 $0x500, s0  }
0x2a: {  	[tilespmem:s24], [sflag:$0x2] =	stream.indirect.gather [hbm4b:s3+s13], $0x80, s11, s13, $0xb8;
	[tilespmem:$0x1CC00] =	vst v63  }
0x2b: {  	s11 =	sadd.s32 $0x200, s11;
	s0 =	sshra.s32 s0, $0x2  }
0x2c: {  	[tilespmem:s25], [sflag:$0x2] =	stream.indirect.gather [hbm4b:s3+s13], $0x80, s11, s13, $0xb8;
	[tilespmem:$0x1CC00] =	vst v63  }
0x2d: {  	s17 =	sadd.s32 $0x400, s0  }
0x2e: {  	[tilespmem:s26], [sflag:$0x2] =	stream.indirect.gather [hbm4b:s3+s16], $0x80, s17, s16, $0xb8;
	[tilespmem:$0x1CC00] =	vst v63  }
0x2f: {  	s18 =	sadd.s32 $0x450, s0  }
0x30: {  	[tilespmem:s28], [sflag:$0x2] =	stream.indirect.gather [hbm4b:s3+s16], $0x80, s18, s16, $0xb8;
	[tilespmem:$0x1CC00] =	vst v63  }
0x31: {  	s21 =	sadd.s32 $0x4A0, s0  }
0x32: {  	[tilespmem:s29], [sflag:$0x2] =	stream.indirect.gather [hbm4b:s3+s16], $0x80, s21, s16, $0xb8;
	[tilespmem:$0x1CC00] =	vst v63  }
0x33: {  	s0 =	sadd.s32 $0x4F0, s0  }
0x34: {  	[tilespmem:s30], [sflag:$0x2] =	stream.indirect.gather [hbm4b:s3+s16], $0x80, s0, s16, $0xb8;
	[tilespmem:$0x1CC00] =	vst v63  }
0x35: {  	_ =	swait.ge [sflag:s31], $0x800  }
0x36: {  	[sflag:s31] =	ssyncset.done $0x0  }
0x37: {  	[sflag:s31] =	ssyncadd.s32 $0xFFFFF800  }
0x38: {  	_ =	swait.ge [sflag:s31], $0x800  }
0x39: {  	[sflag:s31] =	ssyncset.done $0x0  }
0x3a: {  	[sflag:s31] =	ssyncadd.s32 $0xFFFFF800  }
0x3b: {  	_ =	swait.ge [sflag:s31], $0x2800  }
0x3c: {  	[sflag:s31] =	ssyncset.done $0x0  }
0x3d: {  	[sflag:s31] =	ssyncadd.s32 $0xFFFFD800  }
0x3e: {  	_ =	swait.ge [sflag:s31], $0x2800  }
0x3f: {  	[sflag:s31] =	ssyncset.done $0x0  }
0x40: {  	[sflag:s31] =	ssyncadd.s32 $0xFFFFD800  }
0x41: {  	_ =	swait.ge [sflag:s31], $0x2800  }
0x42: {  	[sflag:s31] =	ssyncset.done $0x0  }
0x43: {  	[sflag:s31] =	ssyncadd.s32 $0xFFFFD800  }
0x44: {  	s14 =	simm.s32 $0x3C70;
	s11 =	simm.s32 $0x5140;
	_ =	swait.ge [sflag:s31], $0x2800  }
0x45: {  	s17 =	simm.s32 $0x0;
	s18 =	simm.s32 $0x2C20;
	[sflag:s31] =	ssyncset.done $0x0  }
0x46: {  	s21 =	simm.s32 $0x0;
	s0 =	sshll.u32 s20, $0x1;
	[sflag:s31] =	ssyncadd.s32 $0xFFFFD800  }
.LBB2_3:
0x47: {  	v0 =	vld [tilespmem:s11+$0xFFFFFB00]  }
0x48: {  	v1 =	vld [tilespmem:s11+$0xFFFFFB10]  }
0x49: {  	v2 =	vld [tilespmem:s11+$0xFFFFFB20]  }
0x4a: {  	v3 =	vld [tilespmem:s11+$0xFFFFFB30]  }
0x4b: {  	v4 =	vld [tilespmem:s11+$0xFFFFFB80]  }
0x4c: {  	v5 =	vld [tilespmem:s11+$0xFFFFFB90]  }
0x4d: {  	v6 =	vld [tilespmem:s11+$0xFFFFFBA0]  }
0x4e: {  	v7 =	vld [tilespmem:s11+$0xFFFFFBB0]  }
0x4f: {  	v8 =	vld [tilespmem:s11+$0xFFFFFC00]  }
0x50: {  	v9 =	vld [tilespmem:s11+$0xFFFFFC10]  }
0x51: {  	v10 =	vld [tilespmem:s11+$0xFFFFFC20]  }
0x52: {  	v11 =	vld [tilespmem:s11+$0xFFFFFC30]  }
0x53: {  	v12 =	vld [tilespmem:s11+$0xFFFFFC80]  }
0x54: {  	v13 =	vld [tilespmem:s11+$0xFFFFFC90]  }
0x55: {  	v14 =	vld [tilespmem:s11+$0xFFFFFCA0]  }
0x56: {  	v15 =	vld [tilespmem:s11+$0xFFFFFCB0]  }
0x57: {  	v16 =	vld [tilespmem:s11+$0xFFFFFD00]  }
0x58: {  	v17 =	vld [tilespmem:s11+$0xFFFFFD10]  }
0x59: {  	v18 =	vld [tilespmem:s11+$0xFFFFFD20]  }
0x5a: {  	v19 =	vld [tilespmem:s11+$0xFFFFFD30]  }
0x5b: {  	v20 =	vld [tilespmem:s11+$0xFFFFFD80]  }
0x5c: {  	v21 =	vld [tilespmem:s11+$0xFFFFFD90]  }
0x5d: {  	v22 =	vld [tilespmem:s11+$0xFFFFFDA0]  }
0x5e: {  	v23 =	vld [tilespmem:s11+$0xFFFFFDB0]  }
0x5f: {  	v24 =	vld [tilespmem:s11+$0xFFFFFE00]  }
0x60: {  	v25 =	vld [tilespmem:s11+$0xFFFFFE10]  }
0x61: {  	v26 =	vld [tilespmem:s11+$0xFFFFFE20]  }
0x62: {  	v27 =	vld [tilespmem:s11+$0xFFFFFE30]  }
0x63: {  	v28 =	vld [tilespmem:s11+$0xFFFFFE80]  }
0x64: {  	v29 =	vld [tilespmem:s11+$0xFFFFFE90]  }
0x65: {  	v30 =	vld [tilespmem:s11+$0xFFFFFEA0]  }
0x66: {  	v31 =	vld [tilespmem:s11+$0xFFFFFEB0]  }
0x67: {  	v32 =	vld [tilespmem:s11+$0xFFFFFF00]  }
0x68: {  	v33 =	vld [tilespmem:s11+$0xFFFFFF10]  }
0x69: {  	v34 =	vld [tilespmem:s11+$0xFFFFFF20]  }
0x6a: {  	v35 =	vld [tilespmem:s11+$0xFFFFFF30]  }
0x6b: {  	v36 =	vld [tilespmem:s11+$0xFFFFFF80]  }
0x6c: {  	v37 =	vld [tilespmem:s11+$0xFFFFFF90]  }
0x6d: {  	v38 =	vld [tilespmem:s11+$0xFFFFFFA0]  }
0x6e: {  	v39 =	vld [tilespmem:s11+$0xFFFFFFB0]  }
0x6f: {  	v40 =	vld [tilespmem:s11+$0x0]  }
0x70: {  	v41 =	vld [tilespmem:s11+$0x10]  }
0x71: {  	v42 =	vld [tilespmem:s11+$0x20]  }
0x72: {  	v43 =	vld [tilespmem:s11+$0x30]  }
0x73: {  	v44 =	vld [tilespmem:s11+$0x80]  }
0x74: {  	v45 =	vld [tilespmem:s11+$0x90]  }
0x75: {  	v46 =	vld [tilespmem:s11+$0xA0]  }
0x76: {  	v47 =	vld [tilespmem:s11+$0xB0]  }
0x77: {  	v48 =	vld [tilespmem:s11+$0x100]  }
0x78: {  	v49 =	vld [tilespmem:s11+$0x110]  }
0x79: {  	v50 =	vld [tilespmem:s11+$0x120]  }
0x7a: {  	v51 =	vld [tilespmem:s11+$0x130];
	v0 =	vadd.f32 v4, v0;
	v1 =	vadd.f32 v5, v1  }
0x7b: {  	v52 =	vld [tilespmem:s11+$0x180];
	v2 =	vadd.f32 v6, v2  }
0x7c: {  	v53 =	vld [tilespmem:s11+$0x190];
	v0 =	vadd.f32 v8, v0;
	v1 =	vadd.f32 v9, v1  }
0x7d: {  	v54 =	vld [tilespmem:s11+$0x1A0];
	v3 =	vadd.f32 v7, v3;
	v2 =	vadd.f32 v10, v2  }
0x7e: {  	v55 =	vld [tilespmem:s11+$0x1B0];
	v0 =	vadd.f32 v12, v0;
	v1 =	vadd.f32 v13, v1  }
0x7f: {  	v56 =	vld [tilespmem:s11+$0x200];
	v3 =	vadd.f32 v11, v3;
	v2 =	vadd.f32 v14, v2  }
0x80: {  	v57 =	vld [tilespmem:s11+$0x210];
	v0 =	vadd.f32 v16, v0;
	v1 =	vadd.f32 v17, v1  }
0x81: {  	v58 =	vld [tilespmem:s11+$0x220];
	v3 =	vadd.f32 v15, v3;
	v2 =	vadd.f32 v18, v2  }
0x82: {  	v59 =	vld [tilespmem:s11+$0x230];
	v0 =	vadd.f32 v20, v0;
	v1 =	vadd.f32 v21, v1  }
0x83: {  	v60 =	vld [tilespmem:s11+$0x280];
	v3 =	vadd.f32 v19, v3;
	v2 =	vadd.f32 v22, v2  }
0x84: {  	v61 =	vld [tilespmem:s11+$0x290];
	v0 =	vadd.f32 v24, v0;
	v1 =	vadd.f32 v25, v1  }
0x85: {  	v62 =	vld [tilespmem:s11+$0x2A0];
	v3 =	vadd.f32 v23, v3;
	v2 =	vadd.f32 v26, v2  }
0x86: {  	v63 =	vld [tilespmem:s11+$0x2B0];
	v0 =	vadd.f32 v28, v0;
	v1 =	vadd.f32 v29, v1  }
0x87: {  	v3 =	vadd.f32 v27, v3;
	v2 =	vadd.f32 v30, v2;
	v30 =	vld [tilespmem:s11+$0x300]  }
0x88: {  	v0 =	vadd.f32 v32, v0;
	v1 =	vadd.f32 v33, v1;
	v33 =	vld [tilespmem:s11+$0x310]  }
0x89: {  	v3 =	vadd.f32 v31, v3;
	v2 =	vadd.f32 v34, v2;
	v34 =	vld [tilespmem:s11+$0x320]  }
0x8a: {  	v0 =	vadd.f32 v36, v0;
	v1 =	vadd.f32 v37, v1;
	v36 =	vld [tilespmem:s11+$0x330]  }
0x8b: {  	v3 =	vadd.f32 v35, v3;
	v2 =	vadd.f32 v38, v2;
	v37 =	vld [tilespmem:s11+$0x380]  }
0x8c: {  	v38 =	vld [tilespmem:s11+$0x390];
	v0 =	vadd.f32 v40, v0;
	v1 =	vadd.f32 v41, v1  }
0x8d: {  	v3 =	vadd.f32 v39, v3;
	v2 =	vadd.f32 v42, v2;
	v40 =	vld [tilespmem:s11+$0x3A0]  }
0x8e: {  	v41 =	vld [tilespmem:s11+$0x3B0];
	v0 =	vadd.f32 v44, v0;
	v1 =	vadd.f32 v45, v1  }
0x8f: {  	v3 =	vadd.f32 v43, v3;
	v42 =	vld [tilespmem:s11+$0x400];
	v2 =	vadd.f32 v46, v2  }
0x90: {  	v43 =	vld [tilespmem:s11+$0x410];
	v0 =	vadd.f32 v48, v0;
	v1 =	vadd.f32 v49, v1  }
0x91: {  	v3 =	vadd.f32 v47, v3;
	v44 =	vld [tilespmem:s11+$0x420];
	v2 =	vadd.f32 v50, v2  }
0x92: {  	v45 =	vld [tilespmem:s11+$0x430];
	v0 =	vadd.f32 v52, v0;
	v1 =	vadd.f32 v53, v1  }
0x93: {  	v46 =	vld [tilespmem:s11+$0x480];
	v3 =	vadd.f32 v51, v3;
	v2 =	vadd.f32 v54, v2  }
0x94: {  	v47 =	vld [tilespmem:s11+$0x490];
	v0 =	vadd.f32 v56, v0;
	v1 =	vadd.f32 v57, v1  }
0x95: {  	v48 =	vld [tilespmem:s11+$0x4A0];
	v3 =	vadd.f32 v55, v3;
	v2 =	vadd.f32 v58, v2  }
0x96: {  	v49 =	vld [tilespmem:s11+$0x4B0];
	v0 =	vadd.f32 v60, v0;
	v1 =	vadd.f32 v61, v1  }
0x97: {  	v50 =	vld [tilespmem:s18+$0xFFFFFFE0];
	v3 =	vadd.f32 v59, v3;
	v2 =	vadd.f32 v62, v2  }
0x98: {  	v51 =	vld [tilespmem:s14+$0xFFFFFFD0];
	v0 =	vadd.f32 v30, v0;
	v1 =	vadd.f32 v33, v1  }
0x99: {  	v52 =	vld [tilespmem:s18+$0xFFFFFFF0];
	v3 =	vadd.f32 v63, v3;
	v2 =	vadd.f32 v34, v2  }
0x9a: {  	v53 =	vld [tilespmem:s14+$0xFFFFFFE0];
	v0 =	vadd.f32 v37, v0;
	v1 =	vadd.f32 v38, v1  }
0x9b: {  	v54 =	vld [tilespmem:s18+$0x0];
	v3 =	vadd.f32 v36, v3;
	v2 =	vadd.f32 v40, v2  }
0x9c: {  	v55 =	vld [tilespmem:s14+$0xFFFFFFF0];
	v0 =	vadd.f32 v42, v0;
	v1 =	vadd.f32 v43, v1  }
0x9d: {  	v56 =	vld [tilespmem:s18+$0x10];
	v3 =	vadd.f32 v41, v3;
	v2 =	vadd.f32 v44, v2  }
0x9e: {  	v57 =	vld [tilespmem:s14+$0x0];
	v0 =	vadd.f32 v46, v0;
	v1 =	vadd.f32 v47, v1  }
0x9f: {  	s12 =	sadd.s32 s21, s19;
	s4 =	sand.u32 $0x7, s21;
	v58 =	vmul.f32 v51, v50;
	v59 =	vmul.f32 v53, v52;
	v3 =	vadd.f32 v45, v3  }
0xa0: {  	p0 =	seq.s32 s12, $0x0;
	p1 =	sne.s32 s4, $0x0;
	v2 =	vadd.f32 v48, v2;
	v0 =	vmul.f32 v50, v0;
	v1 =	vmul.f32 v52, v1  }
0xa1: {  	p0 =	por !p0, !p1;
	v60 =	vmul.f32 v55, v54;
	v5 =	vadd.f32 v59, v58  }
0xa2: {  	s4 =	simm.s32 $0x1;
	p0 =	por !p0, !p0;
	v3 =	vadd.f32 v49, v3;
	v61 =	vmul.f32 v54, v2;
	v0 =	vadd.f32 v1, v0  }
0xa3: {  	s12 =	sshrl.u32 s12, $0x3;
	s4 =	simm.s32 @!p0 $0x0;
	p0 =	sne.s32 s21, $0xF;
	v4 =	vmul.f32 v57, v56;
	v62 =	vadd.f32 v60, v5  }
.Ltmp0:
0xa4: {  	s4 =	ssub.s32 s12, s4;
	v63 =	vmul.f32 v56, v3;
	v0 =	vadd.f32 v61, v0;
	(pc) =	sbr.rel @p0 .LBB2_3-.Ltmp0, $4  }
0xa5: {  	s12 =	sand.u32 $0x70, s17;
	s4 =	sshll.u32 s4, $0x7;
	v2 =	vadd.f32 v4, v62  }
0xa6: {  	s4 =	sor.u32 s12, s4;
	v0 =	vadd.f32 v63, v0  }
0xa7: {  	s21 =	sadd.s32 $0x1, s21;
	s17 =	sadd.s32 $0x10, s17;
	[tilespmem:s4+$0x18C00] =	vst v2  }
0xa8: {  	s11 =	sadd.s32 $0xA00, s11;
	s14 =	sadd.s32 $0x80, s14;
	s18 =	sadd.s32 $0x80, s18;
	[tilespmem:s4+$0x1AC00] =	vst v0  }
0xa9: {  	p0 =	seq.s32 s20, $0xF  }
0xaa: {  	s0 =	sadd.s32 @!p0 $0x2, s0;
	s11 =	simm.s32 @!p0 $0x10  }
0xab: {  	s12 =	simm.s32 @!p0 $0x2C00;
	s4 =	sshll.u32 @!p0 s0, $0x4;
	s0 =	smul.u32 @!p0 $0x500, s0  }
0xac: {  	[tilespmem:s12], [sflag:$0x1] =	stream.indirect.gather @!p0 [hbm4b:s3+s11], $0x80, s4, s11, $0xb8;
	[tilespmem:$0x1CC00] =	vst v63  }
0xad: {  	s4 =	sadd.s32 @!p0 $0x200, s4;
	s12 =	simm.s32 @!p0 $0x3C00;
	s0 =	sshra.s32 @!p0 s0, $0x2  }
0xae: {  	[tilespmem:s12], [sflag:$0x1] =	stream.indirect.gather @!p0 [hbm4b:s3+s11], $0x80, s4, s11, $0xb8;
	[tilespmem:$0x1CC00] =	vst v63  }
0xaf: {  	s4 =	sadd.s32 @!p0 $0x400, s0;
	s11 =	simm.s32 @!p0 $0x50;
	s12 =	simm.s32 @!p0 $0x4C00  }
0xb0: {  	[tilespmem:s12], [sflag:$0x1] =	stream.indirect.gather @!p0 [hbm4b:s3+s11], $0x80, s4, s11, $0xb8;
	[tilespmem:$0x1CC00] =	vst v63  }
0xb1: {  	s4 =	sadd.s32 @!p0 $0x450, s0;
	s12 =	simm.s32 @!p0 $0x7400  }
0xb2: {  	[tilespmem:s12], [sflag:$0x1] =	stream.indirect.gather @!p0 [hbm4b:s3+s11], $0x80, s4, s11, $0xb8;
	[tilespmem:$0x1CC00] =	vst v63  }
0xb3: {  	s4 =	sadd.s32 @!p0 $0x4A0, s0;
	s12 =	simm.s32 @!p0 $0x9C00  }
0xb4: {  	[tilespmem:s12], [sflag:$0x1] =	stream.indirect.gather @!p0 [hbm4b:s3+s11], $0x80, s4, s11, $0xb8;
	[tilespmem:$0x1CC00] =	vst v63  }
0xb5: {  	s0 =	sadd.s32 @!p0 $0x4F0, s0;
	s4 =	simm.s32 @!p0 $0xC400  }
0xb6: {  	[tilespmem:s4], [sflag:$0x1] =	stream.indirect.gather @!p0 [hbm4b:s3+s11], $0x80, s0, s11, $0xb8;
	[tilespmem:$0x1CC00] =	vst v63  }
0xb7: {  	_ =	swait.ge [sflag:s1], $0x800  }
0xb8: {  	[sflag:s1] =	ssyncset.done $0x0  }
0xb9: {  	[sflag:s1] =	ssyncadd.s32 $0xFFFFF800  }
0xba: {  	_ =	swait.ge [sflag:s1], $0x800  }
0xbb: {  	[sflag:s1] =	ssyncset.done $0x0  }
0xbc: {  	[sflag:s1] =	ssyncadd.s32 $0xFFFFF800  }
0xbd: {  	_ =	swait.ge [sflag:s1], $0x2800  }
0xbe: {  	[sflag:s1] =	ssyncset.done $0x0  }
0xbf: {  	[sflag:s1] =	ssyncadd.s32 $0xFFFFD800  }
0xc0: {  	_ =	swait.ge [sflag:s1], $0x2800  }
0xc1: {  	[sflag:s1] =	ssyncset.done $0x0  }
0xc2: {  	[sflag:s1] =	ssyncadd.s32 $0xFFFFD800  }
0xc3: {  	_ =	swait.ge [sflag:s1], $0x2800  }
0xc4: {  	[sflag:s1] =	ssyncset.done $0x0  }
0xc5: {  	[sflag:s1] =	ssyncadd.s32 $0xFFFFD800  }
0xc6: {  	_ =	swait.ge [sflag:s1], $0x2800  }
0xc7: {  	[sflag:s1] =	ssyncset.done $0x0  }
0xc8: {  	s17 =	simm.s32 $0x4470;
	[sflag:s1] =	ssyncadd.s32 $0xFFFFD800  }
0xc9: {  	v0 =	vld [tilespmem:s17+$0x0]  }
0xca: {  	s18 =	simm.s32 $0x0;
	v1 =	vld [tilespmem:s17+$0xFFFFFFF0]  }
0xcb: {  	v2 =	vld [tilespmem:s18+$0xF570]  }
0xcc: {  	v3 =	vld [tilespmem:s17+$0xFFFFFFD0]  }
0xcd: {  	v4 =	vld [tilespmem:s17+$0xFFFFFFE0]  }
0xce: {  	v5 =	vld [tilespmem:s18+$0xF5C0]  }
0xcf: {  	v6 =	vld [tilespmem:s18+$0xF5D0]  }
0xd0: {  	v7 =	vld [tilespmem:s18+$0xF560]  }
0xd1: {  	v8 =	vld [tilespmem:s18+$0xF540]  }
0xd2: {  	v9 =	vld [tilespmem:s18+$0xF4E0]  }
0xd3: {  	v10 =	vld [tilespmem:s18+$0xF4C0]  }
0xd4: {  	v11 =	vld [tilespmem:s18+$0xF460]  }
0xd5: {  	v12 =	vld [tilespmem:s18+$0xF440]  }
0xd6: {  	v13 =	vld [tilespmem:s18+$0xF3E0]  }
0xd7: {  	v14 =	vld [tilespmem:s18+$0xF3C0]  }
0xd8: {  	v15 =	vld [tilespmem:s18+$0xF360]  }
0xd9: {  	v16 =	vld [tilespmem:s18+$0xF340]  }
0xda: {  	v17 =	vld [tilespmem:s18+$0xF2E0]  }
0xdb: {  	v18 =	vld [tilespmem:s18+$0xF2C0]  }
0xdc: {  	v19 =	vld [tilespmem:s18+$0xF260]  }
0xdd: {  	v20 =	vld [tilespmem:s18+$0xF240]  }
0xde: {  	v21 =	vld [tilespmem:s18+$0xF1E0]  }
0xdf: {  	v22 =	vld [tilespmem:s18+$0xF1C0]  }
0xe0: {  	v23 =	vld [tilespmem:s18+$0xF160]  }
0xe1: {  	v24 =	vld [tilespmem:s18+$0xF140]  }
0xe2: {  	v25 =	vld [tilespmem:s18+$0xF0E0]  }
0xe3: {  	v26 =	vld [tilespmem:s18+$0xF0C0]  }
0xe4: {  	v27 =	vld [tilespmem:s18+$0xF060]  }
0xe5: {  	v28 =	vld [tilespmem:s18+$0xF040]  }
0xe6: {  	v29 =	vld [tilespmem:s18+$0xEFE0]  }
0xe7: {  	v30 =	vld [tilespmem:s18+$0xEFC0]  }
0xe8: {  	v31 =	vld [tilespmem:s18+$0xEF60]  }
0xe9: {  	v32 =	vld [tilespmem:s18+$0xEF40]  }
0xea: {  	v33 =	vld [tilespmem:s18+$0xEEE0]  }
0xeb: {  	v34 =	vld [tilespmem:s18+$0xEEC0]  }
0xec: {  	v35 =	vld [tilespmem:s18+$0xEE60]  }
0xed: {  	v36 =	vld [tilespmem:s18+$0xEE40]  }
0xee: {  	v37 =	vld [tilespmem:s18+$0xEDE0]  }
0xef: {  	v38 =	vld [tilespmem:s18+$0xEDC0]  }
0xf0: {  	v39 =	vld [tilespmem:s18+$0xED60]  }
0xf1: {  	v40 =	vld [tilespmem:s18+$0xECF0]  }
0xf2: {  	v41 =	vld [tilespmem:s18+$0xED40]  }
0xf3: {  	v42 =	vld [tilespmem:s18+$0xECE0]  }
0xf4: {  	v43 =	vld [tilespmem:s18+$0xECC0]  }
0xf5: {  	v44 =	vld [tilespmem:s18+$0xEC40]  }
0xf6: {  	v45 =	vld [tilespmem:s18+$0xECD0]  }
0xf7: {  	v46 =	vld [tilespmem:s18+$0xEC50]  }
0xf8: {  	v47 =	vld [tilespmem:s18+$0xEC60]  }
0xf9: {  	v48 =	vld [tilespmem:s18+$0xED50]  }
0xfa: {  	v49 =	vld [tilespmem:s18+$0xEC70]  }
0xfb: {  	v50 =	vld [tilespmem:s18+$0xEDD0]  }
0xfc: {  	v57 =	vld [tilespmem:s18+$0xED70];
	v43 =	vadd.f32 v43, v44;
	v56 =	vadd.f32 v45, v46  }
0xfd: {  	v58 =	vld [tilespmem:s18+$0xEE50];
	v42 =	vadd.f32 v42, v47  }
0xfe: {  	v60 =	vld [tilespmem:s18+$0xEDF0];
	v41 =	vadd.f32 v41, v43;
	v59 =	vadd.f32 v48, v56  }
0xff: {  	v61 =	vld [tilespmem:s18+$0xEED0];
	v40 =	vadd.f32 v40, v49;
	v39 =	vadd.f32 v39, v42  }
0x100: {  	v63 =	vld [tilespmem:s18+$0xEE70];
	v38 =	vadd.f32 v38, v41;
	v62 =	vadd.f32 v50, v59  }
0x101: {  	v47 =	vld [tilespmem:s18+$0xEF50];
	v40 =	vadd.f32 v57, v40;
	v37 =	vadd.f32 v37, v39  }
0x102: {  	v49 =	vld [tilespmem:s18+$0xEEF0];
	v36 =	vadd.f32 v36, v38;
	v48 =	vadd.f32 v58, v62  }
0x103: {  	v40 =	vadd.f32 v60, v40;
	v50 =	vld [tilespmem:s18+$0xEFD0];
	v35 =	vadd.f32 v35, v37  }
0x104: {  	v52 =	vld [tilespmem:s18+$0xEF70];
	v34 =	vadd.f32 v34, v36;
	v51 =	vadd.f32 v61, v48  }
0x105: {  	v53 =	vld [tilespmem:s18+$0xF050];
	v40 =	vadd.f32 v63, v40;
	v33 =	vadd.f32 v33, v35  }
0x106: {  	v55 =	vld [tilespmem:s18+$0xEFF0];
	v32 =	vadd.f32 v32, v34;
	v54 =	vadd.f32 v47, v51  }
0x107: {  	v57 =	vld [tilespmem:s18+$0xF0D0];
	v56 =	vadd.f32 v49, v40;
	v31 =	vadd.f32 v31, v33  }
0x108: {  	v59 =	vld [tilespmem:s18+$0xF070];
	v30 =	vadd.f32 v30, v32;
	v58 =	vadd.f32 v50, v54  }
0x109: {  	v60 =	vadd.f32 v52, v56;
	v29 =	vadd.f32 v29, v31;
	v31 =	vld [tilespmem:s18+$0xF150]  }
0x10a: {  	v61 =	vld [tilespmem:s18+$0xF0F0];
	v28 =	vadd.f32 v28, v30;
	v30 =	vadd.f32 v53, v58  }
0x10b: {  	v62 =	vadd.f32 v55, v60;
	v27 =	vadd.f32 v27, v29;
	v29 =	vld [tilespmem:s18+$0xF1D0]  }
0x10c: {  	v26 =	vadd.f32 v26, v28;
	v28 =	vadd.f32 v57, v30;
	v30 =	vld [tilespmem:s18+$0xF170]  }
0x10d: {  	v63 =	vadd.f32 v59, v62;
	v25 =	vadd.f32 v25, v27;
	v27 =	vld [tilespmem:s18+$0xF250]  }
0x10e: {  	v24 =	vadd.f32 v24, v26;
	v26 =	vadd.f32 v31, v28;
	v28 =	vld [tilespmem:s18+$0xF1F0]  }
0x10f: {  	v31 =	vadd.f32 v61, v63;
	v23 =	vadd.f32 v23, v25;
	v25 =	vld [tilespmem:s18+$0xF2D0]  }
0x110: {  	v22 =	vadd.f32 v22, v24;
	v24 =	vadd.f32 v29, v26;
	v26 =	vld [tilespmem:s18+$0xF270]  }
0x111: {  	v21 =	vadd.f32 v21, v23;
	v23 =	vld [tilespmem:s18+$0xF350];
	v29 =	vadd.f32 v30, v31  }
0x112: {  	v20 =	vadd.f32 v20, v22;
	v22 =	vadd.f32 v27, v24;
	v24 =	vld [tilespmem:s18+$0xF2F0]  }
0x113: {  	v19 =	vadd.f32 v19, v21;
	v21 =	vld [tilespmem:s18+$0xF3D0];
	v27 =	vadd.f32 v28, v29  }
0x114: {  	v18 =	vadd.f32 v18, v20;
	v20 =	vadd.f32 v25, v22;
	v22 =	vld [tilespmem:s18+$0xF370]  }
0x115: {  	v17 =	vadd.f32 v17, v19;
	v19 =	vld [tilespmem:s18+$0xF450];
	v25 =	vadd.f32 v26, v27  }
0x116: {  	v16 =	vadd.f32 v16, v18;
	v18 =	vadd.f32 v23, v20;
	v20 =	vld [tilespmem:s18+$0xF3F0]  }
0x117: {  	v15 =	vadd.f32 v15, v17;
	v17 =	vld [tilespmem:s18+$0xF4D0];
	v23 =	vadd.f32 v24, v25  }
0x118: {  	v14 =	vadd.f32 v14, v16;
	v16 =	vadd.f32 v21, v18;
	v18 =	vld [tilespmem:s18+$0xF470]  }
0x119: {  	v13 =	vadd.f32 v13, v15;
	v15 =	vld [tilespmem:s18+$0xF550];
	v21 =	vadd.f32 v22, v23  }
0x11a: {  	s21 =	simm.s32 $0x3430;
	v12 =	vadd.f32 v12, v14;
	v14 =	vadd.f32 v19, v16;
	v16 =	vld [tilespmem:s18+$0xF4F0]  }
0x11b: {  	v11 =	vadd.f32 v11, v13;
	v13 =	vld [tilespmem:s21+$0xFFFFFFD0];
	v19 =	vadd.f32 v20, v21  }
0x11c: {  	v10 =	vadd.f32 v10, v12;
	v12 =	vadd.f32 v17, v14;
	v14 =	vld [tilespmem:s21+$0xFFFFFFE0]  }
0x11d: {  	v9 =	vadd.f32 v9, v11;
	v11 =	vld [tilespmem:s18+$0xF5E0];
	v17 =	vadd.f32 v18, v19  }
0x11e: {  	v8 =	vadd.f32 v8, v10;
	v10 =	vadd.f32 v15, v12;
	v12 =	vld [tilespmem:s21+$0xFFFFFFF0]  }
0x11f: {  	v7 =	vadd.f32 v7, v9;
	v9 =	vld [tilespmem:s18+$0xF5F0];
	v15 =	vadd.f32 v16, v17  }
0x120: {  	v5 =	vadd.f32 v5, v8;
	v6 =	vadd.f32 v6, v10;
	v8 =	vld [tilespmem:s21+$0x0]  }
0x121: {  	v3 =	vmul.f32 v3, v13;
	v2 =	vadd.f32 v2, v15;
	v4 =	vmul.f32 v4, v14  }
0x122: {  	v7 =	vadd.f32 v11, v7;
	v5 =	vmul.f32 v13, v5;
	v6 =	vmul.f32 v14, v6  }
0x123: {  	v3 =	vadd.f32 v4, v3;
	v1 =	vmul.f32 v1, v12  }
0x124: {  	v2 =	vadd.f32 v9, v2;
	v4 =	vadd.f32 v6, v5;
	v5 =	vmul.f32 v12, v7  }
0x125: {  	v1 =	vadd.f32 v1, v3;
	v0 =	vmul.f32 v0, v8  }
0x126: {  	v2 =	vmul.f32 v8, v2;
	v3 =	vadd.f32 v5, v4  }
0x127: {  	v0 =	vadd.f32 v0, v1  }
0x128: {  	v1 =	vadd.f32 v2, v3  }
0x129: {  	[tilespmem:s23+$0x0] =	vst v0  }
0x12a: {  	s14 =	simm.s32 $0x44F0;
	[tilespmem:s22+$0x0] =	vst v1  }
0x12b: {  	v0 =	vld [tilespmem:s14+$0x0]  }
0x12c: {  	s0 =	simm.s32 $0xA00;
	v1 =	vld [tilespmem:s14+$0xFFFFFFF0]  }
0x12d: {  	v2 =	vld [tilespmem:s0+$0xF570]  }
0x12e: {  	v3 =	vld [tilespmem:s14+$0xFFFFFFD0]  }
0x12f: {  	v4 =	vld [tilespmem:s14+$0xFFFFFFE0]  }
0x130: {  	v5 =	vld [tilespmem:s0+$0xF5C0]  }
0x131: {  	v6 =	vld [tilespmem:s0+$0xF5D0]  }
0x132: {  	v7 =	vld [tilespmem:s0+$0xF560]  }
0x133: {  	v8 =	vld [tilespmem:s0+$0xF540]  }
0x134: {  	v9 =	vld [tilespmem:s0+$0xF4E0]  }
0x135: {  	v10 =	vld [tilespmem:s0+$0xF4C0]  }
0x136: {  	v11 =	vld [tilespmem:s0+$0xF460]  }
0x137: {  	v12 =	vld [tilespmem:s0+$0xF440]  }
0x138: {  	v13 =	vld [tilespmem:s0+$0xF3E0]  }
0x139: {  	v14 =	vld [tilespmem:s0+$0xF3C0]  }
0x13a: {  	v15 =	vld [tilespmem:s0+$0xF360]  }
0x13b: {  	v16 =	vld [tilespmem:s0+$0xF340]  }
0x13c: {  	v17 =	vld [tilespmem:s0+$0xF2E0]  }
0x13d: {  	v18 =	vld [tilespmem:s0+$0xF2C0]  }
0x13e: {  	v19 =	vld [tilespmem:s0+$0xF260]  }
0x13f: {  	v20 =	vld [tilespmem:s0+$0xF240]  }
0x140: {  	v21 =	vld [tilespmem:s0+$0xF1E0]  }
0x141: {  	v22 =	vld [tilespmem:s0+$0xF1C0]  }
0x142: {  	v23 =	vld [tilespmem:s0+$0xF160]  }
0x143: {  	v24 =	vld [tilespmem:s0+$0xF140]  }
0x144: {  	v25 =	vld [tilespmem:s0+$0xF0E0]  }
0x145: {  	v26 =	vld [tilespmem:s0+$0xF0C0]  }
0x146: {  	v27 =	vld [tilespmem:s0+$0xF060]  }
0x147: {  	v28 =	vld [tilespmem:s0+$0xF040]  }
0x148: {  	v29 =	vld [tilespmem:s0+$0xEFE0]  }
0x149: {  	v30 =	vld [tilespmem:s0+$0xEFC0]  }
0x14a: {  	v31 =	vld [tilespmem:s0+$0xEF60]  }
0x14b: {  	v32 =	vld [tilespmem:s0+$0xEF40]  }
0x14c: {  	v33 =	vld [tilespmem:s0+$0xEEE0]  }
0x14d: {  	v34 =	vld [tilespmem:s0+$0xEEC0]  }
0x14e: {  	v35 =	vld [tilespmem:s0+$0xEE60]  }
0x14f: {  	v36 =	vld [tilespmem:s0+$0xEE40]  }
0x150: {  	v37 =	vld [tilespmem:s0+$0xEDE0]  }
0x151: {  	v38 =	vld [tilespmem:s0+$0xEDC0]  }
0x152: {  	v39 =	vld [tilespmem:s0+$0xED60]  }
0x153: {  	v40 =	vld [tilespmem:s0+$0xECF0]  }
0x154: {  	v41 =	vld [tilespmem:s0+$0xED40]  }
0x155: {  	v42 =	vld [tilespmem:s0+$0xECE0]  }
0x156: {  	v43 =	vld [tilespmem:s0+$0xECC0]  }
0x157: {  	v44 =	vld [tilespmem:s0+$0xEC40]  }
0x158: {  	s11 =	simm.s32 $0x5000;
	s17 =	smov.u32 s23;
	s18 =	smov.u32 s22;
	v45 =	vld [tilespmem:s0+$0xECD0]  }
.LBB2_5:
0x159: {  	p0 =	sne.s32 s11, $0x25800;
	v46 =	vld [tilespmem:s0+$0xEC50]  }
0x15a: {  	v47 =	vld [tilespmem:s0+$0xEC60]  }
0x15b: {  	v48 =	vld [tilespmem:s0+$0xED50]  }
0x15c: {  	v49 =	vld [tilespmem:s0+$0xEC70]  }
0x15d: {  	v50 =	vld [tilespmem:s0+$0xEDD0]  }
0x15e: {  	v43 =	vadd.f32 v43, v44;
	v44 =	vadd.f32 v45, v46;
	v45 =	vld [tilespmem:s0+$0xED70]  }
0x15f: {  	v42 =	vadd.f32 v42, v47;
	v46 =	vld [tilespmem:s0+$0xEE50]  }
0x160: {  	v41 =	vadd.f32 v41, v43;
	v43 =	vadd.f32 v48, v44;
	v44 =	vld [tilespmem:s0+$0xEDF0]  }
0x161: {  	v40 =	vadd.f32 v40, v49;
	v39 =	vadd.f32 v39, v42;
	v42 =	vld [tilespmem:s0+$0xEED0]  }
0x162: {  	v38 =	vadd.f32 v38, v41;
	v41 =	vadd.f32 v50, v43;
	v43 =	vld [tilespmem:s0+$0xEE70]  }
0x163: {  	v40 =	vadd.f32 v45, v40;
	v37 =	vadd.f32 v37, v39;
	v39 =	vld [tilespmem:s0+$0xEF50]  }
0x164: {  	v36 =	vadd.f32 v36, v38;
	v38 =	vadd.f32 v46, v41;
	v41 =	vld [tilespmem:s0+$0xEEF0]  }
0x165: {  	v40 =	vadd.f32 v44, v40;
	v35 =	vadd.f32 v35, v37;
	v37 =	vld [tilespmem:s0+$0xEFD0]  }
0x166: {  	v34 =	vadd.f32 v34, v36;
	v36 =	vadd.f32 v42, v38;
	v38 =	vld [tilespmem:s0+$0xEF70]  }
0x167: {  	v40 =	vadd.f32 v43, v40;
	v33 =	vadd.f32 v33, v35;
	v35 =	vld [tilespmem:s0+$0xF050]  }
0x168: {  	v32 =	vadd.f32 v32, v34;
	v34 =	vadd.f32 v39, v36;
	v36 =	vld [tilespmem:s0+$0xEFF0]  }
0x169: {  	v39 =	vadd.f32 v41, v40;
	v31 =	vadd.f32 v31, v33;
	v33 =	vld [tilespmem:s0+$0xF0D0]  }
0x16a: {  	v30 =	vadd.f32 v30, v32;
	v32 =	vadd.f32 v37, v34;
	v34 =	vld [tilespmem:s0+$0xF070]  }
0x16b: {  	v37 =	vadd.f32 v38, v39;
	v29 =	vadd.f32 v29, v31;
	v31 =	vld [tilespmem:s0+$0xF150]  }
0x16c: {  	v28 =	vadd.f32 v28, v30;
	v30 =	vadd.f32 v35, v32;
	v32 =	vld [tilespmem:s0+$0xF0F0]  }
0x16d: {  	v35 =	vadd.f32 v36, v37;
	v27 =	vadd.f32 v27, v29;
	v29 =	vld [tilespmem:s0+$0xF1D0]  }
0x16e: {  	v26 =	vadd.f32 v26, v28;
	v28 =	vadd.f32 v33, v30;
	v30 =	vld [tilespmem:s0+$0xF170]  }
0x16f: {  	v33 =	vadd.f32 v34, v35;
	v25 =	vadd.f32 v25, v27;
	v27 =	vld [tilespmem:s0+$0xF250]  }
0x170: {  	v24 =	vadd.f32 v24, v26;
	v26 =	vadd.f32 v31, v28;
	v28 =	vld [tilespmem:s0+$0xF1F0]  }
0x171: {  	v31 =	vadd.f32 v32, v33;
	v23 =	vadd.f32 v23, v25;
	v25 =	vld [tilespmem:s0+$0xF2D0]  }
0x172: {  	v22 =	vadd.f32 v22, v24;
	v24 =	vadd.f32 v29, v26;
	v26 =	vld [tilespmem:s0+$0xF270]  }
0x173: {  	v29 =	vadd.f32 v30, v31;
	v21 =	vadd.f32 v21, v23;
	v23 =	vld [tilespmem:s0+$0xF350]  }
0x174: {  	v20 =	vadd.f32 v20, v22;
	v22 =	vadd.f32 v27, v24;
	v24 =	vld [tilespmem:s0+$0xF2F0]  }
0x175: {  	v27 =	vadd.f32 v28, v29;
	v19 =	vadd.f32 v19, v21;
	v21 =	vld [tilespmem:s0+$0xF3D0]  }
0x176: {  	v18 =	vadd.f32 v18, v20;
	v20 =	vadd.f32 v25, v22;
	v22 =	vld [tilespmem:s0+$0xF370]  }
0x177: {  	v25 =	vadd.f32 v26, v27;
	v17 =	vadd.f32 v17, v19;
	v19 =	vld [tilespmem:s0+$0xF450]  }
0x178: {  	v16 =	vadd.f32 v16, v18;
	v18 =	vadd.f32 v23, v20;
	v20 =	vld [tilespmem:s0+$0xF3F0]  }
0x179: {  	v23 =	vadd.f32 v24, v25;
	v15 =	vadd.f32 v15, v17;
	v17 =	vld [tilespmem:s0+$0xF4D0]  }
0x17a: {  	v14 =	vadd.f32 v14, v16;
	v16 =	vadd.f32 v21, v18;
	v18 =	vld [tilespmem:s0+$0xF470]  }
0x17b: {  	v21 =	vadd.f32 v22, v23;
	v13 =	vadd.f32 v13, v15;
	v15 =	vld [tilespmem:s0+$0xF550]  }
0x17c: {  	s21 =	sadd.s32 $0x80, s21;
	v12 =	vadd.f32 v12, v14;
	v14 =	vadd.f32 v19, v16;
	v16 =	vld [tilespmem:s0+$0xF4F0]  }
0x17d: {  	v19 =	vadd.f32 v20, v21;
	v11 =	vadd.f32 v11, v13;
	v13 =	vld [tilespmem:s21+$0xFFFFFFD0]  }
0x17e: {  	v10 =	vadd.f32 v10, v12;
	v12 =	vadd.f32 v17, v14;
	v14 =	vld [tilespmem:s21+$0xFFFFFFE0]  }
0x17f: {  	v17 =	vadd.f32 v18, v19;
	v9 =	vadd.f32 v9, v11;
	v11 =	vld [tilespmem:s0+$0xF5E0]  }
0x180: {  	v8 =	vadd.f32 v8, v10;
	v10 =	vadd.f32 v15, v12;
	v12 =	vld [tilespmem:s21+$0xFFFFFFF0]  }
0x181: {  	v15 =	vadd.f32 v16, v17;
	v7 =	vadd.f32 v7, v9;
	v9 =	vld [tilespmem:s0+$0xF5F0]  }
0x182: {  	v5 =	vadd.f32 v5, v8;
	v6 =	vadd.f32 v6, v10;
	v8 =	vld [tilespmem:s21+$0x0]  }
0x183: {  	v3 =	vmul.f32 v3, v13;
	v2 =	vadd.f32 v2, v15;
	v4 =	vmul.f32 v4, v14  }
0x184: {  	v5 =	vmul.f32 v13, v5;
	v7 =	vadd.f32 v11, v7;
	v6 =	vmul.f32 v14, v6  }
0x185: {  	v3 =	vadd.f32 v4, v3;
	v1 =	vmul.f32 v1, v12  }
0x186: {  	v2 =	vadd.f32 v9, v2;
	v4 =	vadd.f32 v6, v5;
	v5 =	vmul.f32 v12, v7  }
0x187: {  	v1 =	vadd.f32 v1, v3;
	v0 =	vmul.f32 v0, v8  }
0x188: {  	v3 =	vadd.f32 v5, v4;
	v2 =	vmul.f32 v8, v2  }
0x189: {  	v0 =	vadd.f32 v0, v1  }
0x18a: {  	s17 =	sadd.s32 $0x10, s17;
	v1 =	vadd.f32 v2, v3  }
0x18b: {  	s18 =	sadd.s32 $0x10, s18;
	[tilespmem:s17+$0x0] =	vst v0  }
0x18c: {  	s14 =	sadd.s32 $0x80, s14;
	[tilespmem:s18+$0x0] =	vst v1  }
0x18d: {  	v0 =	vld [tilespmem:s14+$0x0]  }
0x18e: {  	s0 =	sshra.s32 s11, $0x2;
	v1 =	vld [tilespmem:s14+$0xFFFFFFF0]  }
0x18f: {  	v2 =	vld [tilespmem:s0+$0xF570]  }
0x190: {  	v3 =	vld [tilespmem:s14+$0xFFFFFFD0]  }
0x191: {  	v4 =	vld [tilespmem:s14+$0xFFFFFFE0]  }
0x192: {  	v5 =	vld [tilespmem:s0+$0xF5C0]  }
0x193: {  	v6 =	vld [tilespmem:s0+$0xF5D0]  }
0x194: {  	v7 =	vld [tilespmem:s0+$0xF560]  }
0x195: {  	v8 =	vld [tilespmem:s0+$0xF540]  }
0x196: {  	v9 =	vld [tilespmem:s0+$0xF4E0]  }
0x197: {  	v10 =	vld [tilespmem:s0+$0xF4C0]  }
0x198: {  	v11 =	vld [tilespmem:s0+$0xF460]  }
0x199: {  	v12 =	vld [tilespmem:s0+$0xF440]  }
0x19a: {  	v13 =	vld [tilespmem:s0+$0xF3E0]  }
0x19b: {  	v14 =	vld [tilespmem:s0+$0xF3C0]  }
0x19c: {  	v15 =	vld [tilespmem:s0+$0xF360]  }
0x19d: {  	v16 =	vld [tilespmem:s0+$0xF340]  }
0x19e: {  	v17 =	vld [tilespmem:s0+$0xF2E0]  }
0x19f: {  	v18 =	vld [tilespmem:s0+$0xF2C0]  }
0x1a0: {  	v19 =	vld [tilespmem:s0+$0xF260]  }
0x1a1: {  	v20 =	vld [tilespmem:s0+$0xF240]  }
0x1a2: {  	v21 =	vld [tilespmem:s0+$0xF1E0]  }
0x1a3: {  	v22 =	vld [tilespmem:s0+$0xF1C0]  }
0x1a4: {  	v23 =	vld [tilespmem:s0+$0xF160]  }
0x1a5: {  	v24 =	vld [tilespmem:s0+$0xF140]  }
0x1a6: {  	v25 =	vld [tilespmem:s0+$0xF0E0]  }
0x1a7: {  	v26 =	vld [tilespmem:s0+$0xF0C0]  }
0x1a8: {  	v27 =	vld [tilespmem:s0+$0xF060]  }
0x1a9: {  	v28 =	vld [tilespmem:s0+$0xF040]  }
0x1aa: {  	v29 =	vld [tilespmem:s0+$0xEFE0]  }
0x1ab: {  	v30 =	vld [tilespmem:s0+$0xEFC0]  }
0x1ac: {  	v31 =	vld [tilespmem:s0+$0xEF60]  }
0x1ad: {  	v32 =	vld [tilespmem:s0+$0xEF40]  }
0x1ae: {  	v33 =	vld [tilespmem:s0+$0xEEE0]  }
0x1af: {  	v34 =	vld [tilespmem:s0+$0xEEC0]  }
0x1b0: {  	v35 =	vld [tilespmem:s0+$0xEE60]  }
0x1b1: {  	v36 =	vld [tilespmem:s0+$0xEE40]  }
0x1b2: {  	v37 =	vld [tilespmem:s0+$0xEDE0]  }
0x1b3: {  	v38 =	vld [tilespmem:s0+$0xEDC0]  }
0x1b4: {  	v39 =	vld [tilespmem:s0+$0xED60]  }
0x1b5: {  	v40 =	vld [tilespmem:s0+$0xECF0]  }
.Ltmp1:
0x1b6: {  	v41 =	vld [tilespmem:s0+$0xED40];
	(pc) =	sbr.rel @p0 .LBB2_5-.Ltmp1, $4  }
0x1b7: {  	v42 =	vld [tilespmem:s0+$0xECE0]  }
0x1b8: {  	v43 =	vld [tilespmem:s0+$0xECC0]  }
0x1b9: {  	v44 =	vld [tilespmem:s0+$0xEC40]  }
0x1ba: {  	s11 =	sadd.s32 $0x2800, s11;
	v45 =	vld [tilespmem:s0+$0xECD0]  }
0x1bb: {  	v46 =	vld [tilespmem:s0+$0xEC50]  }
0x1bc: {  	v47 =	vld [tilespmem:s0+$0xEC60]  }
0x1bd: {  	v48 =	vld [tilespmem:s0+$0xED50]  }
0x1be: {  	v49 =	vld [tilespmem:s0+$0xEC70]  }
0x1bf: {  	v50 =	vld [tilespmem:s0+$0xEDD0]  }
0x1c0: {  	v62 =	vld [tilespmem:s0+$0xED70];
	v43 =	vadd.f32 v43, v44;
	v61 =	vadd.f32 v45, v46  }
0x1c1: {  	v63 =	vld [tilespmem:s0+$0xEE50];
	v42 =	vadd.f32 v42, v47  }
0x1c2: {  	v52 =	vld [tilespmem:s0+$0xEDF0];
	v41 =	vadd.f32 v41, v43;
	v51 =	vadd.f32 v48, v61  }
0x1c3: {  	v53 =	vld [tilespmem:s0+$0xEED0];
	v40 =	vadd.f32 v40, v49;
	v39 =	vadd.f32 v39, v42  }
0x1c4: {  	v55 =	vld [tilespmem:s0+$0xEE70];
	v38 =	vadd.f32 v38, v41;
	v54 =	vadd.f32 v50, v51  }
0x1c5: {  	v56 =	vld [tilespmem:s0+$0xEF50];
	v40 =	vadd.f32 v62, v40;
	v37 =	vadd.f32 v37, v39  }
0x1c6: {  	v58 =	vld [tilespmem:s0+$0xEEF0];
	v36 =	vadd.f32 v36, v38;
	v57 =	vadd.f32 v63, v54  }
0x1c7: {  	v59 =	vld [tilespmem:s0+$0xEFD0];
	v40 =	vadd.f32 v52, v40;
	v35 =	vadd.f32 v35, v37  }
0x1c8: {  	v61 =	vld [tilespmem:s0+$0xEF70];
	v34 =	vadd.f32 v34, v36;
	v60 =	vadd.f32 v53, v57  }
0x1c9: {  	v62 =	vld [tilespmem:s0+$0xF050];
	v40 =	vadd.f32 v55, v40;
	v33 =	vadd.f32 v33, v35  }
0x1ca: {  	v42 =	vld [tilespmem:s0+$0xEFF0];
	v32 =	vadd.f32 v32, v34;
	v63 =	vadd.f32 v56, v60  }
0x1cb: {  	v44 =	vld [tilespmem:s0+$0xF0D0];
	v43 =	vadd.f32 v58, v40;
	v31 =	vadd.f32 v31, v33  }
0x1cc: {  	v46 =	vld [tilespmem:s0+$0xF070];
	v30 =	vadd.f32 v30, v32;
	v45 =	vadd.f32 v59, v63  }
0x1cd: {  	v48 =	vld [tilespmem:s0+$0xF150];
	v47 =	vadd.f32 v61, v43;
	v29 =	vadd.f32 v29, v31  }
0x1ce: {  	v50 =	vld [tilespmem:s0+$0xF0F0];
	v28 =	vadd.f32 v28, v30;
	v49 =	vadd.f32 v62, v45  }
0x1cf: {  	v52 =	vld [tilespmem:s0+$0xF1D0];
	v51 =	vadd.f32 v42, v47;
	v27 =	vadd.f32 v27, v29  }
0x1d0: {  	v54 =	vld [tilespmem:s0+$0xF170];
	v26 =	vadd.f32 v26, v28;
	v53 =	vadd.f32 v44, v49  }
0x1d1: {  	v56 =	vld [tilespmem:s0+$0xF250];
	v55 =	vadd.f32 v46, v51;
	v25 =	vadd.f32 v25, v27  }
0x1d2: {  	v58 =	vld [tilespmem:s0+$0xF1F0];
	v24 =	vadd.f32 v24, v26;
	v57 =	vadd.f32 v48, v53  }
0x1d3: {  	v60 =	vld [tilespmem:s0+$0xF2D0];
	v59 =	vadd.f32 v50, v55;
	v23 =	vadd.f32 v23, v25  }
0x1d4: {  	v62 =	vld [tilespmem:s0+$0xF270];
	v22 =	vadd.f32 v22, v24;
	v61 =	vadd.f32 v52, v57  }
0x1d5: {  	v30 =	vld [tilespmem:s0+$0xF350];
	v63 =	vadd.f32 v54, v59;
	v21 =	vadd.f32 v21, v23  }
0x1d6: {  	v32 =	vld [tilespmem:s0+$0xF2F0];
	v20 =	vadd.f32 v20, v22;
	v31 =	vadd.f32 v56, v61  }
0x1d7: {  	v34 =	vld [tilespmem:s0+$0xF3D0];
	v33 =	vadd.f32 v58, v63;
	v19 =	vadd.f32 v19, v21  }
0x1d8: {  	v36 =	vld [tilespmem:s0+$0xF370];
	v18 =	vadd.f32 v18, v20;
	v35 =	vadd.f32 v60, v31  }
0x1d9: {  	v38 =	vld [tilespmem:s0+$0xF450];
	v37 =	vadd.f32 v62, v33;
	v17 =	vadd.f32 v17, v19  }
0x1da: {  	v40 =	vld [tilespmem:s0+$0xF3F0];
	v16 =	vadd.f32 v16, v18;
	v39 =	vadd.f32 v30, v35  }
0x1db: {  	v42 =	vld [tilespmem:s0+$0xF4D0];
	v41 =	vadd.f32 v32, v37;
	v15 =	vadd.f32 v15, v17  }
0x1dc: {  	v44 =	vld [tilespmem:s0+$0xF470];
	v14 =	vadd.f32 v14, v16;
	v43 =	vadd.f32 v34, v39  }
0x1dd: {  	v46 =	vld [tilespmem:s0+$0xF550];
	v45 =	vadd.f32 v36, v41;
	v13 =	vadd.f32 v13, v15  }
0x1de: {  	s4 =	sadd.s32 $0x80, s21;
	v48 =	vld [tilespmem:s0+$0xF4F0];
	v12 =	vadd.f32 v12, v14;
	v47 =	vadd.f32 v38, v43  }
0x1df: {  	v50 =	vld [tilespmem:s4+$0xFFFFFFD0];
	v49 =	vadd.f32 v40, v45;
	v11 =	vadd.f32 v11, v13  }
0x1e0: {  	v52 =	vld [tilespmem:s4+$0xFFFFFFE0];
	v10 =	vadd.f32 v10, v12;
	v51 =	vadd.f32 v42, v47  }
0x1e1: {  	v54 =	vld [tilespmem:s0+$0xF5E0];
	v53 =	vadd.f32 v44, v49;
	v9 =	vadd.f32 v9, v11  }
0x1e2: {  	v56 =	vld [tilespmem:s4+$0xFFFFFFF0];
	v8 =	vadd.f32 v8, v10;
	v55 =	vadd.f32 v46, v51  }
0x1e3: {  	v58 =	vld [tilespmem:s0+$0xF5F0];
	v57 =	vadd.f32 v48, v53;
	v7 =	vadd.f32 v7, v9  }
0x1e4: {  	v59 =	vld [tilespmem:s4+$0x0];
	v5 =	vadd.f32 v5, v8;
	v6 =	vadd.f32 v6, v55  }
0x1e5: {  	v3 =	vmul.f32 v3, v50;
	v4 =	vmul.f32 v4, v52;
	v2 =	vadd.f32 v2, v57  }
0x1e6: {  	v7 =	vadd.f32 v54, v7;
	v5 =	vmul.f32 v50, v5;
	v6 =	vmul.f32 v52, v6  }
0x1e7: {  	v3 =	vadd.f32 v4, v3;
	v1 =	vmul.f32 v1, v56  }
0x1e8: {  	s20 =	sadd.s32 $0x1, s20;
	v2 =	vadd.f32 v58, v2;
	v61 =	vmul.f32 v56, v7;
	v60 =	vadd.f32 v6, v5  }
0x1e9: {  	p0 =	sne.s32 s20, $0x10;
	v0 =	vmul.f32 v0, v59;
	v1 =	vadd.f32 v1, v3  }
.Ltmp2:
0x1ea: {  	v2 =	vmul.f32 v59, v2;
	v62 =	vadd.f32 v61, v60;
	(pc) =	sbr.rel @p0 .LBB2_2-.Ltmp2, $4  }
0x1eb: {  	v0 =	vadd.f32 v0, v1  }
0x1ec: {  	s17 =	sadd.s32 $0x10, s17;
	v63 =	vadd.f32 v2, v62  }
0x1ed: {  	s21 =	sadd.s32 $0x10, s18;
	[tilespmem:s17+$0x0] =	vst v0  }
0x1ee: {  	s19 =	sadd.s32 $0x20, s19;
	s23 =	sadd.s32 $0x200, s23;
	s22 =	sadd.s32 $0x200, s22;
	[tilespmem:s21+$0x0] =	vst v63  }
0x1ef: {  	s0 =	simm.s32 $0x18C00  }
0x1f0: {  	[hbm4b:s7+s2] =	stream.linear.scatter [tilespmem:s0], [sflag:$0x3], $0x2000, $0x38;
	[tilespmem:$0x1CC00] =	vst v63  }
0x1f1: {  	s15 =	sadd.s32 $0x1, s15;
	_ =	swait.ge [sflag:s10], $0x2000  }
0x1f2: {  	p0 =	sne.s32 s15, s9;
	[sflag:s10] =	ssyncset.done $0x0  }
.Ltmp3:
0x1f3: {  	s23 =	simm.s32 $0x1AC00;
	[sflag:s10] =	ssyncadd.s32 $0xFFFFE000;
	(pc) =	sbr.rel @p0 .LBB2_1-.Ltmp3, $4  }
0x1f4: {  	[hbm4b:s8+s2] =	stream.linear.scatter [tilespmem:s23], [sflag:$0x3], $0x2000, $0x38;
	[tilespmem:$0x1CC00] =	vst v63  }
0x1f5: {  	_ =	swait.ge [sflag:s10], $0x2000  }
0x1f6: {  	[sflag:s10] =	ssyncset.done $0x0  }
0x1f7: {  	[sflag:s10] =	ssyncadd.s32 $0xFFFFE000  }
0x1f8: {  	_ =	sfence.sel $0x180000  }
0x1f9: {  	[bflag:$0x0] =	sbarrier.arrive $0xFFFF  }
0x1fa: {  	_ =	strace $0x90000047  }
0x1fb: {  	s0 =	stileid.u32;
	[bflag:$0x2] =	sbarrier.arrive $0xFFFF  }
0x1fc: {  	p0 =	sne.s32 s0, $0x0;
	s0 =	rddreg [dreg:$0x3]  }
0x1fd: {  	s0 =	sadd.s32 @!p0 $0x100000, s0  }
0x1fe: {  	[sflag:s0] =	ssyncadd.tile.s32 @!p0 $0x1;
	_ =	shalt  }
.Lfunc_end2:
_tile_overlayer_lowered:
.L_overlay_start_2:
0x1ff: {  	(tag) =	ssettag $0x2  }
0x200: {  	s0 =	rddreg [dreg:$0x0];
	s2 =	stileid.u32  }
0x201: {  	s1 =	rddreg [dreg:$0x1];
	p0 =	sne.s32 s2, $0x0  }
0x202: {  	s3 =	rddreg [dreg:$0x2];
	[bflag:$0x3] =	sbarrier.arrive $0xFFFF;
	s2 =	simm.s32 @!p0 $0x1C03  }
0x203: {  	[timem:s3], [sflag:s2] =	dma.local @!p0 [hbm:s0], s1  }
0x204: {  	s0 =	simm.s32 @!p0 $0x3  }
0x205: {  	_ =	swait.ge @!p0 [sflag:s0], s1  }
0x206: {  	s1 =	ssub.s32 @!p0 $0x0, s1;
	[sflag:s0] =	ssyncset.done @!p0 $0x0  }
0x207: {  	[sflag:s0] =	ssyncadd.s32 @!p0 s1  }
0x208: {  	[bflag:$0x3] =	sbarrier.arrive $0xFFFF  }
0x209: {  	_ =	shalt  }

</sc_bundles>
